<compile_context>
chip_gen: v7x
topology: tpu7x:2x2x1
jax: 0.10.2.dev20260603
libtpu: 0.0.44.dev20260713+nightly
codegen_flags: <defaults>
</compile_context>

<pallas_src>
import functools

import jax
import jax.numpy as jnp
from jax import lax
from jax.experimental import pallas as pl
from jax.experimental.pallas import tpu as pltpu
from jax.experimental.pallas import tpu_sc as plsc

N = 100000
E = 1600000
F = 32
EPS = 1e-5

NC = 2
NS = 16
NW = NC * NS

CHUNK = 80
GC = 128
TOTCH = E // GC
MAXPAIR = (TOTCH // NW + 2) // 2 + 1

NH = N // NC
NHP = 50176
RPT = NHP // NS
CW = 8
NPAD = 100352
CRT = NPAD // NS


def _mesh():
    return plsc.VectorSubcoreMesh(core_axis_name="c", subcore_axis_name="s",
                                  num_cores=NC, num_subcores=NS)



def _tables_body(x_ref, wet_ref, be_ref, w1at_ref, w1bt_ref, h_ref, a_ref, b_ref):
    h = jnp.dot(x_ref[...], wet_ref[...], preferred_element_type=jnp.float32) + be_ref[...]
    h_ref[...] = h
    a_ref[...] = jnp.dot(h, w1at_ref[...], preferred_element_type=jnp.float32)
    b_ref[...] = jnp.dot(h, w1bt_ref[...], preferred_element_type=jnp.float32)


def _tables(x, WeT, be, W1aT, W1bT):
    R = 1000
    nb = N // R
    return pl.pallas_call(
        _tables_body,
        grid=(nb,),
        in_specs=[
            pl.BlockSpec((R, 4), lambda i: (i, 0)),
            pl.BlockSpec((4, F), lambda i: (0, 0)),
            pl.BlockSpec((1, F), lambda i: (0, 0)),
            pl.BlockSpec((F, F), lambda i: (0, 0)),
            pl.BlockSpec((F, F), lambda i: (0, 0)),
        ],
        out_specs=[
            pl.BlockSpec((R, F), lambda i: (i, 0)),
            pl.BlockSpec((R, F), lambda i: (i, 0)),
            pl.BlockSpec((R, F), lambda i: (i, 0)),
        ],
        out_shape=[jax.ShapeDtypeStruct((N, F), jnp.float32)] * 3,
    )(x, WeT, be, W1aT, W1bT)



def _sc_gather_body(a_hbm, b_hbm, dst_hbm, src_hbm, bm1_hbm, z8_hbm, o8_hbm,
                    s_hbm, stats_hbm, cntp_hbm,
                    dstv0, dstv1, srcv0, srcv1, ar0, ar1, br0, br1, sr0, sr1,
                    bm1v, statv, onesr, shcnt,
                    semi0, semi1, semg0, semg1, semw0, semw1):
    c = lax.axis_index("c")
    s = lax.axis_index("s")
    wid = s * NC + c
    ch0 = lax.div(wid * TOTCH, NW)
    count = lax.div((wid + 1) * TOTCH, NW) - ch0

    pltpu.sync_copy(o8_hbm, onesr)

    def zc(i, _):
        pltpu.sync_copy(z8_hbm, shcnt.at[pl.ds(s * CRT + i * 32, 32)])
        return 0

    lax.fori_loop(0, CRT // 32, zc, 0)
    plsc.subcore_barrier()

    pltpu.sync_copy(bm1_hbm, bm1v)
    bm0 = bm1v[pl.ds(0, 16)]
    bm1_ = bm1v[pl.ds(16, 16)]
    z = jnp.zeros((16,), jnp.float32)
    statv[pl.ds(0, 16)] = z
    statv[pl.ds(16, 16)] = z
    statv[pl.ds(32, 16)] = z
    statv[pl.ds(48, 16)] = z

    dstv = (dstv0, dstv1)
    srcv = (srcv0, srcv1)
    ar = (ar0, ar1)
    br = (br0, br1)
    sr = (sr0, sr1)
    semi = (semi0, semi1)
    semg = (semg0, semg1)
    semw = (semw0, semw1)

    def issue_idx(ch, b):
        base = (ch0 + ch) * GC
        pltpu.async_copy(dst_hbm.at[pl.ds(base, GC)], dstv[b], semi[b])
        pltpu.async_copy(src_hbm.at[pl.ds(base, GC)], srcv[b], semi[b])

    def wait_idx(b):
        pltpu.make_async_copy(dst_hbm.at[pl.ds(0, GC)], dstv[b], semi[b]).wait()
        pltpu.make_async_copy(src_hbm.at[pl.ds(0, GC)], srcv[b], semi[b]).wait()

    def issue_gather(b):
        pltpu.async_copy(a_hbm.at[dstv[b]], ar[b], semg[b])
        pltpu.async_copy(b_hbm.at[srcv[b]], br[b], semg[b])

    def wait_gather(b):
        pltpu.make_async_copy(a_hbm.at[dstv[b]], ar[b], semg[b]).wait()
        pltpu.make_async_copy(b_hbm.at[srcv[b]], br[b], semg[b]).wait()

    def wait_write(b):
        pltpu.make_async_copy(sr[b], s_hbm.at[pl.ds(0, GC)], semw[b]).wait()

    issue_idx(0, 0)
    issue_idx(1, 1)
    wait_idx(0)
    issue_gather(0)

    def pair_body(g2, _):
        for b in (0, 1):
            ch = g2 * 2 + b
            nb = 1 - b

            @pl.when(ch < count)
            def _():
                wait_gather(b)
                pltpu.sync_copy(onesr, shcnt.at[dstv[b]], add=True)

                @pl.when(ch + 2 < count)
                def _():
                    issue_idx(ch + 2, b)

                @pl.when(ch + 1 < count)
                def _():
                    wait_idx(nb)
                    issue_gather(nb)

                @pl.when(ch >= 2)
                def _():
                    wait_write(b)

                a0 = statv[pl.ds(0, 16)]
                a1 = statv[pl.ds(16, 16)]
                a2 = statv[pl.ds(32, 16)]
                a3 = statv[pl.ds(48, 16)]

                def row_body(e4, acc):
                    s0, s1, q0, q1 = acc
                    for u in range(4):
                        e = e4 * 4 + u
                        m0 = (ar[b][e, pl.ds(0, 16)]
                              + br[b][e, pl.ds(0, 16)] + bm0)
                        m1 = (ar[b][e, pl.ds(16, 16)]
                              + br[b][e, pl.ds(16, 16)] + bm1_)
                        w0 = m0 / (1.0 + jnp.exp(-m0))
                        w1 = m1 / (1.0 + jnp.exp(-m1))
                        sr[b][e, pl.ds(0, 16)] = w0
                        sr[b][e, pl.ds(16, 16)] = w1
                        s0, s1 = s0 + w0, s1 + w1
                        q0, q1 = q0 + w0 * w0, q1 + w1 * w1
                    return (s0, s1, q0, q1)

                a0, a1, a2, a3 = lax.fori_loop(0, GC // 4, row_body,
                                               (a0, a1, a2, a3))
                statv[pl.ds(0, 16)] = a0
                statv[pl.ds(16, 16)] = a1
                statv[pl.ds(32, 16)] = a2
                statv[pl.ds(48, 16)] = a3
                base = (ch0 + ch) * GC
                pltpu.async_copy(sr[b], s_hbm.at[pl.ds(base, GC)], semw[b])

        return 0

    lax.fori_loop(0, MAXPAIR, pair_body, 0)
    wait_write(0)
    wait_write(1)
    pltpu.sync_copy(statv, stats_hbm.at[wid])
    plsc.subcore_barrier()
    pltpu.sync_copy(shcnt.at[pl.ds(s * CRT, CRT)],
                    cntp_hbm.at[c].at[pl.ds(s * CRT, CRT)])


def _sc_gather(A, B, dst, src, bm1, z8, o8):
    f = pl.kernel(
        _sc_gather_body,
        out_type=(jax.ShapeDtypeStruct((E, F), jnp.float32),
                  jax.ShapeDtypeStruct((NW, 64), jnp.float32),
                  jax.ShapeDtypeStruct((NC, NPAD, CW), jnp.float32)),
        mesh=_mesh(),
        scratch_types=[
            pltpu.VMEM((GC,), jnp.int32),
            pltpu.VMEM((GC,), jnp.int32),
            pltpu.VMEM((GC,), jnp.int32),
            pltpu.VMEM((GC,), jnp.int32),
            pltpu.VMEM((GC, F), jnp.float32),
            pltpu.VMEM((GC, F), jnp.float32),
            pltpu.VMEM((GC, F), jnp.float32),
            pltpu.VMEM((GC, F), jnp.float32),
            pltpu.VMEM((GC, F), jnp.float32),
            pltpu.VMEM((GC, F), jnp.float32),
            pltpu.VMEM((F,), jnp.float32),
            pltpu.VMEM((64,), jnp.float32),
            pltpu.VMEM((GC, CW), jnp.float32),
            pltpu.VMEM_SHARED((NPAD, CW), jnp.float32),
            pltpu.SemaphoreType.DMA,
            pltpu.SemaphoreType.DMA,
            pltpu.SemaphoreType.DMA,
            pltpu.SemaphoreType.DMA,
            pltpu.SemaphoreType.DMA,
            pltpu.SemaphoreType.DMA,
        ],
        compiler_params=pltpu.CompilerParams(use_tc_tiling_on_sc=False),
    )
    return f(A, B, dst, src, bm1, z8, o8)



def _bn_body(s_ref, stats_ref, g_ref, bt_ref, w2bd_ref, bm2_ref, m2_ref):
    st = stats_ref[...]
    ssum = jnp.sum(st[:, :F], axis=0, keepdims=True)
    sqsum = jnp.sum(st[:, F:], axis=0, keepdims=True)
    mu = ssum / E
    var = sqsum / E - mu * mu
    inv = lax.rsqrt(var + EPS)
    scale = g_ref[...] * inv
    shift = bt_ref[...] - mu * scale
    scale4 = jnp.concatenate([scale] * 4, axis=1)
    shift4 = jnp.concatenate([shift] * 4, axis=1)
    mn = s_ref[...] * scale4 + shift4
    t = jnp.dot(mn, w2bd_ref[...], preferred_element_type=jnp.float32) + bm2_ref[...]
    m2_ref[...] = t * jax.nn.sigmoid(t)


def _bn_linear(s, stats, gamma, beta, W2bd, bm2_4):
    RP = 4000
    EP = E // 4
    nb = EP // RP
    return pl.pallas_call(
        _bn_body,
        grid=(nb,),
        in_specs=[
            pl.BlockSpec((RP, 4 * F), lambda i: (i, 0)),
            pl.BlockSpec((NW, 64), lambda i: (0, 0)),
            pl.BlockSpec((1, F), lambda i: (0, 0)),
            pl.BlockSpec((1, F), lambda i: (0, 0)),
            pl.BlockSpec((4 * F, 4 * F), lambda i: (0, 0)),
            pl.BlockSpec((1, 4 * F), lambda i: (0, 0)),
        ],
        out_specs=pl.BlockSpec((RP, 4 * F), lambda i: (i, 0)),
        out_shape=jax.ShapeDtypeStruct((EP, 4 * F), jnp.float32),
    )(s.reshape(EP, 4 * F), stats, gamma, beta, W2bd, bm2_4)



def _sc_scatter_body(m2_hbm, dst_hbm, cntp_hbm, z32_hbm, agg_hbm,
                     dstv0, dstv1, dstv2, dstv3, mr0, mr1, mr2, mr3,
                     cb0, cb1,
                     shared,
                     semim0, semim1, semim2, semim3,
                     sema0, sema1, sema2, sema3):
    c = lax.axis_index("c")
    s = lax.axis_index("s")
    lo = c * NH
    lane = lax.iota(jnp.int32, 16)

    def zs(i, _):
        pltpu.sync_copy(z32_hbm, shared.at[pl.ds(s * RPT + i * 32, 32)])
        return 0

    lax.fori_loop(0, RPT // 32, zs, 0)
    plsc.subcore_barrier()

    ch0 = lax.div(s * TOTCH, NS)
    count = lax.div((s + 1) * TOTCH, NS) - ch0

    dstv = (dstv0, dstv1, dstv2, dstv3)
    mr = (mr0, mr1, mr2, mr3)
    semim = (semim0, semim1, semim2, semim3)
    sema = (sema0, sema1, sema2, sema3)

    def issue_loads(ch, b):
        base = (ch0 + ch) * GC
        pltpu.async_copy(dst_hbm.at[pl.ds(base, GC)], dstv[b], semim[b])
        pltpu.async_copy(m2_hbm.at[pl.ds(base, GC)], mr[b], semim[b])

    def wait_loads(b):
        pltpu.make_async_copy(dst_hbm.at[pl.ds(0, GC)], dstv[b], semim[b]).wait()
        pltpu.make_async_copy(m2_hbm.at[pl.ds(0, GC)], mr[b], semim[b]).wait()

    def wait_adds(b):
        pltpu.make_async_copy(mr[b], shared.at[dstv[b]], sema[b]).wait()

    issue_loads(0, 0)
    issue_loads(1, 1)

    def quad_body(g4, _):
        for b in range(4):
            ch = g4 * 4 + b

            @pl.when(ch < count)
            def _():
                @pl.when(ch >= 2)
                def _():
                    wait_adds((b + 2) % 4)

                @pl.when(ch + 2 < count)
                def _():
                    issue_loads(ch + 2, (b + 2) % 4)

                wait_loads(b)

                def grp(k, _):
                    dv = dstv[b][pl.ds(k * 16, 16)]
                    inr = (dv >= lo) & (dv < lo + NH)
                    trash = NH + lax.rem(dv, 128)
                    dstv[b][pl.ds(k * 16, 16)] = jnp.where(inr, dv - lo, trash)
                    return 0

                lax.fori_loop(0, GC // 16, grp, 0)
                pltpu.async_copy(mr[b], shared.at[dstv[b]], sema[b], add=True)

        return 0

    lax.fori_loop(0, (TOTCH // NS + 4) // 4 + 1, quad_body, 0)
    l1 = lax.rem(count - 1, 4)
    l2 = lax.rem(count - 2, 4)
    for b in range(4):
        @pl.when((l1 == b) | (l2 == b))
        def _():
            wait_adds(b)

    plsc.subcore_barrier()

    t0 = s * RPT

    def dmp(gq, _):
        row0 = t0 + gq * 16

        @pl.when(row0 < NH)
        def _():
            pltpu.sync_copy(shared.at[pl.ds(row0, 16)], mr0.at[pl.ds(0, 16)])
            pltpu.sync_copy(cntp_hbm.at[0].at[pl.ds(lo + row0, 16)], cb0)
            pltpu.sync_copy(cntp_hbm.at[1].at[pl.ds(lo + row0, 16)], cb1)
            zidx = jnp.zeros((16,), jnp.int32)
            cnt16 = (plsc.load_gather(cb0, [lane, zidx])
                     + plsc.load_gather(cb1, [lane, zidx]))
            inv = 1.0 / jnp.maximum(cnt16, 1.0)
            for cch in range(F):
                ci = jnp.full((16,), cch, jnp.int32)
                vals = plsc.load_gather(mr0, [lane, ci])
                plsc.store_scatter(mr0, [lane, ci], vals * inv)
            pltpu.sync_copy(mr0.at[pl.ds(0, 16)], agg_hbm.at[pl.ds(lo + row0, 16)])

        return 0

    lax.fori_loop(0, RPT // 16, dmp, 0)


def _sc_scatter(m2, dst, cntp, z32):
    f = pl.kernel(
        _sc_scatter_body,
        out_type=jax.ShapeDtypeStruct((N, F), jnp.float32),
        mesh=_mesh(),
        scratch_types=[
            pltpu.VMEM((GC,), jnp.int32),
            pltpu.VMEM((GC,), jnp.int32),
            pltpu.VMEM((GC,), jnp.int32),
            pltpu.VMEM((GC,), jnp.int32),
            pltpu.VMEM((GC, F), jnp.float32),
            pltpu.VMEM((GC, F), jnp.float32),
            pltpu.VMEM((GC, F), jnp.float32),
            pltpu.VMEM((GC, F), jnp.float32),
            pltpu.VMEM((16, CW), jnp.float32),
            pltpu.VMEM((16, CW), jnp.float32),
            pltpu.VMEM_SHARED((NHP, F), jnp.float32),
            pltpu.SemaphoreType.DMA,
            pltpu.SemaphoreType.DMA,
            pltpu.SemaphoreType.DMA,
            pltpu.SemaphoreType.DMA,
            pltpu.SemaphoreType.DMA,
            pltpu.SemaphoreType.DMA,
            pltpu.SemaphoreType.DMA,
            pltpu.SemaphoreType.DMA,
        ],
        compiler_params=pltpu.CompilerParams(use_tc_tiling_on_sc=False,
                                             needs_layout_passes=False),
    )
    return f(m2, dst, cntp, z32)



def _update_body(h_ref, agg_ref, wu1at_ref, wu1bt_ref, bu1_ref,
                 wu2t_ref, bu2_ref, out_ref):
    agg = agg_ref[...]
    h = h_ref[...]
    u = (jnp.dot(h, wu1at_ref[...], preferred_element_type=jnp.float32)
         + jnp.dot(agg, wu1bt_ref[...], preferred_element_type=jnp.float32)
         + bu1_ref[...])
    u = u * jax.nn.sigmoid(u)
    u = jnp.dot(u, wu2t_ref[...], preferred_element_type=jnp.float32) + bu2_ref[...]
    u = u * jax.nn.sigmoid(u)
    out_ref[...] = h + u


def _update(h, agg, Wu1aT, Wu1bT, bu1, Wu2T, bu2):
    R = 1000
    nb = N // R

    return pl.pallas_call(
        _update_body,
        grid=(nb,),
        in_specs=[
            pl.BlockSpec((R, F), lambda i: (i, 0)),
            pl.BlockSpec((R, F), lambda i: (i, 0)),
            pl.BlockSpec((F, F), lambda i: (0, 0)),
            pl.BlockSpec((F, F), lambda i: (0, 0)),
            pl.BlockSpec((1, F), lambda i: (0, 0)),
            pl.BlockSpec((F, F), lambda i: (0, 0)),
            pl.BlockSpec((1, F), lambda i: (0, 0)),
        ],
        out_specs=pl.BlockSpec((R, F), lambda i: (i, 0)),
        out_shape=jax.ShapeDtypeStruct((N, F), jnp.float32),
    )(h, agg, Wu1aT, Wu1bT, bu1, Wu2T, bu2)



def kernel(x, edge_index, batch, W_emb, b_emb, Wm1, bm1, bn_gamma, bn_beta,
           Wm2, bm2, Wu1, bu1, Wu2, bu2):
    src = edge_index[0]
    dst = edge_index[1]
    h, A, B = _tables(x, W_emb.T, b_emb.reshape(1, F),
                      Wm1[:, :F].T, Wm1[:, F:].T)
    z8 = jnp.zeros((32, CW), jnp.float32)
    o8 = jnp.zeros((GC, CW), jnp.float32).at[:, 0].set(1.0)
    s, stats, cntp = _sc_gather(A, B, dst, src, bm1, z8, o8)
    W2bd = jnp.kron(jnp.eye(4, dtype=jnp.float32), Wm2.T)
    bm2_4 = jnp.tile(bm2.reshape(1, F), (1, 4))
    m2 = _bn_linear(s, stats, bn_gamma.reshape(1, F), bn_beta.reshape(1, F),
                    W2bd, bm2_4).reshape(E, F)
    z32 = jnp.zeros((32, F), jnp.float32)
    agg = _sc_scatter(m2, dst, cntp, z32)
    out = _update(h, agg, Wu1[:, :F].T, Wu1[:, F:].T, bu1.reshape(1, F),
                  Wu2.T, bu2.reshape(1, F))
    return out

# --- scband reference (transcript-rebuilt; emitter-appended) ---
"""Pipeline reference for scband-congestio-nn-4982162063702 (READ-ONLY COPY).

The authoritative reference and input builder live on the scoring server;
editing this copy changes nothing except your own understanding.
"""

import jax, jax.numpy as jnp
import numpy as np

N = 100000
E = 1600000
IN_F = 4
OUT_F = 32
HID = 32
EPS = 1e-5


def swish(v):
    return v * jax.nn.sigmoid(v)


def setup_inputs(seed: int = 0) -> dict:
    key = jax.random.key(seed)
    ks = jax.random.split(key, 16)
    x = jax.random.normal(ks[0], (N, IN_F), dtype=jnp.float32)
    edge_index = jax.random.randint(ks[1], (2, E), 0, N, dtype=jnp.int32)
    batch = jnp.zeros((N,), dtype=jnp.int32)

    def lin_w(k, o, i):
        return jax.random.normal(k, (o, i), dtype=jnp.float32) * (1.0 / np.sqrt(i))

    def lin_b(k, o):
        return jax.random.normal(k, (o,), dtype=jnp.float32) * 0.01

    inp = {
        'x': x,
        'edge_index': edge_index,
        'batch': batch,
        'W_emb': lin_w(ks[2], OUT_F, IN_F),
        'b_emb': lin_b(ks[3], OUT_F),
        'Wm1': lin_w(ks[4], HID, 2 * OUT_F),
        'bm1': lin_b(ks[5], HID),
        'bn_gamma': jnp.ones((HID,), dtype=jnp.float32),
        'bn_beta': jnp.zeros((HID,), dtype=jnp.float32),
        'Wm2': lin_w(ks[6], OUT_F, HID),
        'bm2': lin_b(ks[7], OUT_F),
        'Wu1': lin_w(ks[8], HID, OUT_F + HID),
        'bu1': lin_b(ks[9], HID),
        'Wu2': lin_w(ks[10], OUT_F, HID),
        'bu2': lin_b(ks[11], OUT_F),
    }
    return inp


def reference(x, edge_index, batch, W_emb, b_emb, Wm1, bm1, bn_gamma, bn_beta, Wm2, bm2, Wu1, bu1, Wu2, bu2):
    # embedding_mlp
    h = x @ W_emb.T + b_emb
    src = edge_index[0]
    dst = edge_index[1]
    # message: cat(x_i, x_j) -> Linear -> Swish -> BatchNorm1d(train stats) -> Linear -> Swish
    x_i = h[dst]
    x_j = h[src]
    m = jnp.concatenate([x_i, x_j], axis=-1) @ Wm1.T + bm1
    m = swish(m)
    mu = jnp.mean(m, axis=0)
    var = jnp.var(m, axis=0)
    m = (m - mu) / jnp.sqrt(var + EPS) * bn_gamma + bn_beta
    m = swish(m @ Wm2.T + bm2)
    # mean aggregation onto dst nodes
    agg_sum = jax.ops.segment_sum(m, dst, num_segments=N)
    cnt = jax.ops.segment_sum(jnp.ones((E,), dtype=jnp.float32), dst, num_segments=N)
    agg = agg_sum / jnp.maximum(cnt, 1.0)[:, None]
    # update: x += update_net(cat(x, message))
    u = jnp.concatenate([h, agg], axis=-1) @ Wu1.T + bu1
    u = swish(u)
    u = swish(u @ Wu2.T + bu2)
    out = h + u
    return out

if __name__ == "__main__":
    import jax
    _d = setup_inputs()
    print(jax.jit(kernel)(*tuple(_d.values())))

</pallas_src>

<mosaic_0001>
#map = affine_map<(d0, d1) -> (0, 0)>
#map1 = affine_map<(d0, d1) -> (0)>
#map2 = affine_map<(d0, d1) -> (0, 0, 0)>
module attributes {stable_mosaic.version = 14 : i64} {
  func.func @_sc_gather_body(%arg0: i32, %arg1: i32, %arg2: memref<100000x32xf32, #tpu.memory_space<hbm>>, %arg3: memref<100000x32xf32, #tpu.memory_space<hbm>>, %arg4: memref<1600000xi32, #tpu.memory_space<hbm>>, %arg5: memref<1600000xi32, #tpu.memory_space<hbm>>, %arg6: memref<32xf32, #tpu.memory_space<hbm>>, %arg7: memref<32x8xf32, #tpu.memory_space<hbm>>, %arg8: memref<128x8xf32, #tpu.memory_space<hbm>>, %arg9: memref<1600000x32xf32, #tpu.memory_space<hbm>>, %arg10: memref<32x64xf32, #tpu.memory_space<hbm>>, %arg11: memref<2x100352x8xf32, #tpu.memory_space<hbm>>, %arg12: memref<128xi32, #tpu.memory_space<vmem>>, %arg13: memref<128xi32, #tpu.memory_space<vmem>>, %arg14: memref<128xi32, #tpu.memory_space<vmem>>, %arg15: memref<128xi32, #tpu.memory_space<vmem>>, %arg16: memref<128x32xf32, #tpu.memory_space<vmem>>, %arg17: memref<128x32xf32, #tpu.memory_space<vmem>>, %arg18: memref<128x32xf32, #tpu.memory_space<vmem>>, %arg19: memref<128x32xf32, #tpu.memory_space<vmem>>, %arg20: memref<128x32xf32, #tpu.memory_space<vmem>>, %arg21: memref<128x32xf32, #tpu.memory_space<vmem>>, %arg22: memref<32xf32, #tpu.memory_space<vmem>>, %arg23: memref<64xf32, #tpu.memory_space<vmem>>, %arg24: memref<128x8xf32, #tpu.memory_space<vmem>>, %arg25: memref<100352x8xf32, #tpu.memory_space<vmem_shared>>, %arg26: memref<!tpu.dma_semaphore, #tpu.memory_space<semaphore_mem>>, %arg27: memref<!tpu.dma_semaphore, #tpu.memory_space<semaphore_mem>>, %arg28: memref<!tpu.dma_semaphore, #tpu.memory_space<semaphore_mem>>, %arg29: memref<!tpu.dma_semaphore, #tpu.memory_space<semaphore_mem>>, %arg30: memref<!tpu.dma_semaphore, #tpu.memory_space<semaphore_mem>>, %arg31: memref<!tpu.dma_semaphore, #tpu.memory_space<semaphore_mem>>) attributes {dimension_semantics = [#tpu.dimension_semantics<core_parallel>, #tpu.dimension_semantics<subcore_parallel>], iteration_bounds = array<i64: 2, 16>, scalar_prefetch = 0 : i64, scratch_operands = 20 : i64, tpu.core_type = #tpu.core_type<sc_vector_subcore>, window_params = [{transform_indices = #map}, {transform_indices = #map}, {transform_indices = #map1}, {transform_indices = #map1}, {transform_indices = #map1}, {transform_indices = #map}, {transform_indices = #map}, {transform_indices = #map}, {transform_indices = #map}, {transform_indices = #map2}]} {
    %mul3A = arith.constant 2 : i32
    %mul3A_0 = arith.muli %arg1, %mul3A : i32
    %add3A = arith.addi %mul3A_0, %arg0 : i32
    %mul3A_1 = arith.constant 12500 : i32
    %mul3A_2 = arith.muli %add3A, %mul3A_1 : i32
    %div3A = arith.constant 32 : i32
    %div3A_3 = arith.divsi %mul3A_2, %div3A : i32
    %add3A_4 = arith.constant 1 : i32
    %add3A_5 = arith.addi %add3A, %add3A_4 : i32
    %mul3A_6 = arith.constant 12500 : i32
    %mul3A_7 = arith.muli %add3A_5, %mul3A_6 : i32
    %div3A_8 = arith.constant 32 : i32
    %div3A_9 = arith.divsi %mul3A_7, %div3A_8 : i32
    %sub3A = arith.subi %div3A_9, %div3A_3 : i32
    "tpu.region"() ({
      %run_scoped3A = tpu.sem_alloc : memref<!tpu.dma_semaphore, #tpu.memory_space<semaphore_mem>>
      tpu.enqueue_dma source(%arg8 : memref<128x8xf32, #tpu.memory_space<hbm>>) target(%arg24 : memref<128x8xf32, #tpu.memory_space<vmem>>) target_semaphore(%run_scoped3A : memref<!tpu.dma_semaphore, #tpu.memory_space<semaphore_mem>>)
      tpu.wait_dma2 semaphore(%run_scoped3A : memref<!tpu.dma_semaphore, #tpu.memory_space<semaphore_mem>>) src(%arg8 : memref<128x8xf32, #tpu.memory_space<hbm>>) dst(%arg24 : memref<128x8xf32, #tpu.memory_space<vmem>>)
      tpu.yield
    }) : () -> ()
    %scan3A = arith.constant 0 : i32
    %scan3A_10 = arith.constant 0 : i32
    %scan3A_11 = arith.constant 196 : i32
    %scan3A_12 = arith.addi %scan3A_10, %scan3A_11 : i32
    %scan3A_13 = arith.constant 1 : i32
    %scan3A_14 = scf.for %scan3A_89 = %scan3A_10 to %scan3A_12 step %scan3A_13 iter_args(%scan3A_90 = %scan3A) -> (i32)  : i32 {
      %mul3A_91 = arith.constant 6272 : i32
      %mul3A_92 = arith.muli %arg1, %mul3A_91 : i32
      %mul3A_93 = arith.constant 32 : i32
      %mul3A_94 = arith.muli %scan3A_89, %mul3A_93 : i32
      %add3A_95 = arith.addi %mul3A_92, %mul3A_94 : i32
      "tpu.region"() ({
        %run_scoped3A = tpu.sem_alloc : memref<!tpu.dma_semaphore, #tpu.memory_space<semaphore_mem>>
        %dma_start3A_97 = arith.constant 0 : i32
        %dma_start3A_98 = tpu.memref_slice %arg25[%add3A_95, %dma_start3A_97] : memref<100352x8xf32, #tpu.memory_space<vmem_shared>> -> memref<32x8xf32, #tpu.memory_space<vmem_shared>>
        tpu.enqueue_dma source(%arg7 : memref<32x8xf32, #tpu.memory_space<hbm>>) target(%dma_start3A_98 : memref<32x8xf32, #tpu.memory_space<vmem_shared>>) target_semaphore(%run_scoped3A : memref<!tpu.dma_semaphore, #tpu.memory_space<semaphore_mem>>)
        %dma_wait3A_99 = arith.constant 0 : i32
        %dma_wait3A_100 = tpu.memref_slice %arg25[%add3A_95, %dma_wait3A_99] : memref<100352x8xf32, #tpu.memory_space<vmem_shared>> -> memref<32x8xf32, #tpu.memory_space<vmem_shared>>
        tpu.wait_dma2 semaphore(%run_scoped3A : memref<!tpu.dma_semaphore, #tpu.memory_space<semaphore_mem>>) src(%arg7 : memref<32x8xf32, #tpu.memory_space<hbm>>) dst(%dma_wait3A_100 : memref<32x8xf32, #tpu.memory_space<vmem_shared>>)
        tpu.yield
      }) : () -> ()
      %scan3A_96 = arith.constant 0 : i32
      scf.yield %scan3A_96 : i32
    }
    %scan3A_15 = arith.constant 196 : i32
    %barrier3A = arith.constant 0 : index
    tpu.barrier barrier_id(%barrier3A)
    "tpu.region"() ({
      %run_scoped3A = tpu.sem_alloc : memref<!tpu.dma_semaphore, #tpu.memory_space<semaphore_mem>>
      tpu.enqueue_dma source(%arg6 : memref<32xf32, #tpu.memory_space<hbm>>) target(%arg22 : memref<32xf32, #tpu.memory_space<vmem>>) target_semaphore(%run_scoped3A : memref<!tpu.dma_semaphore, #tpu.memory_space<semaphore_mem>>)
      tpu.wait_dma2 semaphore(%run_scoped3A : memref<!tpu.dma_semaphore, #tpu.memory_space<semaphore_mem>>) src(%arg6 : memref<32xf32, #tpu.memory_space<hbm>>) dst(%arg22 : memref<32xf32, #tpu.memory_space<vmem>>)
      tpu.yield
    }) : () -> ()
    %get3A = arith.constant 0 : index
    %get3A_16 = tpu.vector_load %arg22[%get3A] {strides = array<i32>} : memref<32xf32, #tpu.memory_space<vmem>>, vector<16xf32>,
    %get3A_17 = vector.shape_cast %get3A_16 : vector<16xf32> to vector<16xf32>
    %get3A_18 = arith.constant 16 : index
    %get3A_19 = tpu.vector_load %arg22[%get3A_18] {strides = array<i32>} : memref<32xf32, #tpu.memory_space<vmem>>, vector<16xf32>,
    %get3A_20 = vector.shape_cast %get3A_19 : vector<16xf32> to vector<16xf32>
    %broadcast_in_dim3A = arith.constant 0.000000e+00 : f32
    %broadcast_in_dim3A_21 = vector.broadcast %broadcast_in_dim3A : f32 to vector<16xf32>
    %swap3A = arith.constant 0 : index
    %swap3A_22 = tpu.vector_load %arg23[%swap3A] {strides = array<i32>} : memref<64xf32, #tpu.memory_space<vmem>>, vector<16xf32>,
    %swap3A_23 = vector.shape_cast %swap3A_22 : vector<16xf32> to vector<16xf32>
    %swap3A_24 = vector.shape_cast %broadcast_in_dim3A_21 : vector<16xf32> to vector<16xf32>
    tpu.vector_store %arg23[%swap3A], %swap3A_24 {strides = array<i32>} : memref<64xf32, #tpu.memory_space<vmem>>, vector<16xf32>,
    %swap3A_25 = arith.constant 16 : index
    %swap3A_26 = tpu.vector_load %arg23[%swap3A_25] {strides = array<i32>} : memref<64xf32, #tpu.memory_space<vmem>>, vector<16xf32>,
    %swap3A_27 = vector.shape_cast %swap3A_26 : vector<16xf32> to vector<16xf32>
    %swap3A_28 = vector.shape_cast %broadcast_in_dim3A_21 : vector<16xf32> to vector<16xf32>
    tpu.vector_store %arg23[%swap3A_25], %swap3A_28 {strides = array<i32>} : memref<64xf32, #tpu.memory_space<vmem>>, vector<16xf32>,
    %swap3A_29 = arith.constant 32 : index
    %swap3A_30 = tpu.vector_load %arg23[%swap3A_29] {strides = array<i32>} : memref<64xf32, #tpu.memory_space<vmem>>, vector<16xf32>,
    %swap3A_31 = vector.shape_cast %swap3A_30 : vector<16xf32> to vector<16xf32>
    %swap3A_32 = vector.shape_cast %broadcast_in_dim3A_21 : vector<16xf32> to vector<16xf32>
    tpu.vector_store %arg23[%swap3A_29], %swap3A_32 {strides = array<i32>} : memref<64xf32, #tpu.memory_space<vmem>>, vector<16xf32>,
    %swap3A_33 = arith.constant 48 : index
    %swap3A_34 = tpu.vector_load %arg23[%swap3A_33] {strides = array<i32>} : memref<64xf32, #tpu.memory_space<vmem>>, vector<16xf32>,
    %swap3A_35 = vector.shape_cast %swap3A_34 : vector<16xf32> to vector<16xf32>
    %swap3A_36 = vector.shape_cast %broadcast_in_dim3A_21 : vector<16xf32> to vector<16xf32>
    tpu.vector_store %arg23[%swap3A_33], %swap3A_36 {strides = array<i32>} : memref<64xf32, #tpu.memory_space<vmem>>, vector<16xf32>,
    %add3A_37 = arith.constant 0 : i32
    %add3A_38 = arith.addi %div3A_3, %add3A_37 : i32
    %mul3A_39 = arith.constant 128 : i32
    %mul3A_40 = arith.muli %add3A_38, %mul3A_39 : i32
    %dma_start3A = tpu.memref_slice %arg4[%mul3A_40] : memref<1600000xi32, #tpu.memory_space<hbm>> -> memref<128xi32, #tpu.memory_space<hbm>>
    %dma_start3A_41 = tpu.memref_slice %arg4[%mul3A_40] : memref<1600000xi32, #tpu.memory_space<hbm>> -> memref<128xi32, #tpu.memory_space<hbm>>
    tpu.enqueue_dma source(%dma_start3A_41 : memref<128xi32, #tpu.memory_space<hbm>>) target(%arg12 : memref<128xi32, #tpu.memory_space<vmem>>) target_semaphore(%arg26 : memref<!tpu.dma_semaphore, #tpu.memory_space<semaphore_mem>>)
    %dma_start3A_42 = tpu.memref_slice %arg5[%mul3A_40] : memref<1600000xi32, #tpu.memory_space<hbm>> -> memref<128xi32, #tpu.memory_space<hbm>>
    %dma_start3A_43 = tpu.memref_slice %arg5[%mul3A_40] : memref<1600000xi32, #tpu.memory_space<hbm>> -> memref<128xi32, #tpu.memory_space<hbm>>
    tpu.enqueue_dma source(%dma_start3A_43 : memref<128xi32, #tpu.memory_space<hbm>>) target(%arg14 : memref<128xi32, #tpu.memory_space<vmem>>) target_semaphore(%arg26 : memref<!tpu.dma_semaphore, #tpu.memory_space<semaphore_mem>>)
    %add3A_44 = arith.constant 1 : i32
    %add3A_45 = arith.addi %div3A_3, %add3A_44 : i32
    %mul3A_46 = arith.constant 128 : i32
    %mul3A_47 = arith.muli %add3A_45, %mul3A_46 : i32
    %dma_start3A_48 = tpu.memref_slice %arg4[%mul3A_47] : memref<1600000xi32, #tpu.memory_space<hbm>> -> memref<128xi32, #tpu.memory_space<hbm>>
    %dma_start3A_49 = tpu.memref_slice %arg4[%mul3A_47] : memref<1600000xi32, #tpu.memory_space<hbm>> -> memref<128xi32, #tpu.memory_space<hbm>>
    tpu.enqueue_dma source(%dma_start3A_49 : memref<128xi32, #tpu.memory_space<hbm>>) target(%arg13 : memref<128xi32, #tpu.memory_space<vmem>>) target_semaphore(%arg27 : memref<!tpu.dma_semaphore, #tpu.memory_space<semaphore_mem>>)
    %dma_start3A_50 = tpu.memref_slice %arg5[%mul3A_47] : memref<1600000xi32, #tpu.memory_space<hbm>> -> memref<128xi32, #tpu.memory_space<hbm>>
    %dma_start3A_51 = tpu.memref_slice %arg5[%mul3A_47] : memref<1600000xi32, #tpu.memory_space<hbm>> -> memref<128xi32, #tpu.memory_space<hbm>>
    tpu.enqueue_dma source(%dma_start3A_51 : memref<128xi32, #tpu.memory_space<hbm>>) target(%arg15 : memref<128xi32, #tpu.memory_space<vmem>>) target_semaphore(%arg27 : memref<!tpu.dma_semaphore, #tpu.memory_space<semaphore_mem>>)
    %dma_wait3A = arith.constant 0 : i32
    %dma_wait3A_52 = tpu.memref_slice %arg4[%dma_wait3A] : memref<1600000xi32, #tpu.memory_space<hbm>> -> memref<128xi32, #tpu.memory_space<hbm>>
    %dma_wait3A_53 = arith.constant 0 : i32
    %dma_wait3A_54 = tpu.memref_slice %arg4[%dma_wait3A_53] : memref<1600000xi32, #tpu.memory_space<hbm>> -> memref<128xi32, #tpu.memory_space<hbm>>
    tpu.wait_dma2 semaphore(%arg26 : memref<!tpu.dma_semaphore, #tpu.memory_space<semaphore_mem>>) src(%dma_wait3A_54 : memref<128xi32, #tpu.memory_space<hbm>>) dst(%arg12 : memref<128xi32, #tpu.memory_space<vmem>>)
    %dma_wait3A_55 = arith.constant 0 : i32
    %dma_wait3A_56 = tpu.memref_slice %arg5[%dma_wait3A_55] : memref<1600000xi32, #tpu.memory_space<hbm>> -> memref<128xi32, #tpu.memory_space<hbm>>
    %dma_wait3A_57 = arith.constant 0 : i32
    %dma_wait3A_58 = tpu.memref_slice %arg5[%dma_wait3A_57] : memref<1600000xi32, #tpu.memory_space<hbm>> -> memref<128xi32, #tpu.memory_space<hbm>>
    tpu.wait_dma2 semaphore(%arg26 : memref<!tpu.dma_semaphore, #tpu.memory_space<semaphore_mem>>) src(%dma_wait3A_58 : memref<128xi32, #tpu.memory_space<hbm>>) dst(%arg14 : memref<128xi32, #tpu.memory_space<vmem>>)
    %dma_start3A_59 = arith.constant 0 : i32
    %dma_start3A_60 = arith.constant 0 : i32
    %dma_start3A_61 = tpu.memref_slice %arg2[%dma_start3A_59, %dma_start3A_60] : memref<100000x32xf32, #tpu.memory_space<hbm>> -> memref<100000x32xf32, #tpu.memory_space<hbm>>
    tpu.enqueue_indirect_dma source(%dma_start3A_61 : memref<100000x32xf32, #tpu.memory_space<hbm>>) target(%arg16 : memref<128x32xf32, #tpu.memory_space<vmem>>) offsets(%arg12 : memref<128xi32, #tpu.memory_space<vmem>>) semaphore(%arg28 : memref<!tpu.dma_semaphore, #tpu.memory_space<semaphore_mem>>)
    %dma_start3A_62 = arith.constant 0 : i32
    %dma_start3A_63 = arith.constant 0 : i32
    %dma_start3A_64 = tpu.memref_slice %arg3[%dma_start3A_62, %dma_start3A_63] : memref<100000x32xf32, #tpu.memory_space<hbm>> -> memref<100000x32xf32, #tpu.memory_space<hbm>>
    tpu.enqueue_indirect_dma source(%dma_start3A_64 : memref<100000x32xf32, #tpu.memory_space<hbm>>) target(%arg18 : memref<128x32xf32, #tpu.memory_space<vmem>>) offsets(%arg14 : memref<128xi32, #tpu.memory_space<vmem>>) semaphore(%arg28 : memref<!tpu.dma_semaphore, #tpu.memory_space<semaphore_mem>>)
    %scan3A_65 = arith.constant 0 : i32
    %scan3A_66 = arith.constant 0 : i32
    %scan3A_67 = arith.constant 197 : i32
    %scan3A_68 = arith.addi %scan3A_66, %scan3A_67 : i32
    %scan3A_69 = arith.constant 1 : i32
    %scan3A_70 = scf.for %scan3A_89 = %scan3A_66 to %scan3A_68 step %scan3A_69 iter_args(%scan3A_90 = %scan3A_65) -> (i32)  : i32 {
      %mul3A_91 = arith.constant 2 : i32
      %mul3A_92 = arith.muli %scan3A_89, %mul3A_91 : i32
      %add3A_93 = arith.constant 0 : i32
      %add3A_94 = arith.addi %mul3A_92, %add3A_93 : i32
      %lt3A = arith.cmpi slt, %add3A_94, %sub3A : i32
      %convert_element_type3A = arith.extui %lt3A : i1 to i32
      %cond3A = arith.constant 0 : i32
      %cond3A_95 = arith.cmpi ne, %convert_element_type3A, %cond3A : i32
      scf.if %cond3A_95 {
        %dma_wait3A_105 = arith.constant 0 : i32
        %dma_wait3A_106 = arith.constant 0 : i32
        %dma_wait3A_107 = tpu.memref_slice %arg2[%dma_wait3A_105, %dma_wait3A_106] : memref<100000x32xf32, #tpu.memory_space<hbm>> -> memref<100000x32xf32, #tpu.memory_space<hbm>>
        tpu.wait_indirect_dma semaphore(%arg28 : memref<!tpu.dma_semaphore, #tpu.memory_space<semaphore_mem>>) src(%dma_wait3A_107 : memref<100000x32xf32, #tpu.memory_space<hbm>>) dst(%arg16 : memref<128x32xf32, #tpu.memory_space<vmem>>)
        %dma_wait3A_108 = arith.constant 0 : i32
        %dma_wait3A_109 = arith.constant 0 : i32
        %dma_wait3A_110 = tpu.memref_slice %arg3[%dma_wait3A_108, %dma_wait3A_109] : memref<100000x32xf32, #tpu.memory_space<hbm>> -> memref<100000x32xf32, #tpu.memory_space<hbm>>
        tpu.wait_indirect_dma semaphore(%arg28 : memref<!tpu.dma_semaphore, #tpu.memory_space<semaphore_mem>>) src(%dma_wait3A_110 : memref<100000x32xf32, #tpu.memory_space<hbm>>) dst(%arg18 : memref<128x32xf32, #tpu.memory_space<vmem>>)
        "tpu.region"() ({
          %run_scoped3A = tpu.sem_alloc : memref<!tpu.dma_semaphore, #tpu.memory_space<semaphore_mem>>
          %dma_start3A_168 = arith.constant 0 : i32
          %dma_start3A_169 = arith.constant 0 : i32
          %dma_start3A_170 = tpu.memref_slice %arg25[%dma_start3A_168, %dma_start3A_169] : memref<100352x8xf32, #tpu.memory_space<vmem_shared>> -> memref<100352x8xf32, #tpu.memory_space<vmem_shared>>
          tpu.enqueue_indirect_dma source(%arg24 : memref<128x8xf32, #tpu.memory_space<vmem>>) target(%dma_start3A_170 : memref<100352x8xf32, #tpu.memory_space<vmem_shared>>) offsets(%arg12 : memref<128xi32, #tpu.memory_space<vmem>>) semaphore(%run_scoped3A : memref<!tpu.dma_semaphore, #tpu.memory_space<semaphore_mem>>) {add = true}
          %dma_wait3A_171 = arith.constant 0 : i32
          %dma_wait3A_172 = arith.constant 0 : i32
          %dma_wait3A_173 = tpu.memref_slice %arg25[%dma_wait3A_171, %dma_wait3A_172] : memref<100352x8xf32, #tpu.memory_space<vmem_shared>> -> memref<100352x8xf32, #tpu.memory_space<vmem_shared>>
          tpu.wait_indirect_dma semaphore(%run_scoped3A : memref<!tpu.dma_semaphore, #tpu.memory_space<semaphore_mem>>) src(%arg24 : memref<128x8xf32, #tpu.memory_space<vmem>>) dst(%dma_wait3A_173 : memref<100352x8xf32, #tpu.memory_space<vmem_shared>>)
          tpu.yield
        }) : () -> ()
        %add3A_111 = arith.constant 2 : i32
        %add3A_112 = arith.addi %add3A_94, %add3A_111 : i32
        %lt3A_113 = arith.cmpi slt, %add3A_112, %sub3A : i32
        %convert_element_type3A_114 = arith.extui %lt3A_113 : i1 to i32
        %cond3A_115 = arith.constant 0 : i32
        %cond3A_116 = arith.cmpi ne, %convert_element_type3A_114, %cond3A_115 : i32
        scf.if %cond3A_116 {
          %add3A_168 = arith.constant 2 : i32
          %add3A_169 = arith.addi %add3A_94, %add3A_168 : i32
          %add3A_170 = arith.addi %div3A_3, %add3A_169 : i32
          %mul3A_171 = arith.constant 128 : i32
          %mul3A_172 = arith.muli %add3A_170, %mul3A_171 : i32
          %dma_start3A_173 = tpu.memref_slice %arg4[%mul3A_172] : memref<1600000xi32, #tpu.memory_space<hbm>> -> memref<128xi32, #tpu.memory_space<hbm>>
          %dma_start3A_174 = tpu.memref_slice %arg4[%mul3A_172] : memref<1600000xi32, #tpu.memory_space<hbm>> -> memref<128xi32, #tpu.memory_space<hbm>>
          tpu.enqueue_dma source(%dma_start3A_174 : memref<128xi32, #tpu.memory_space<hbm>>) target(%arg12 : memref<128xi32, #tpu.memory_space<vmem>>) target_semaphore(%arg26 : memref<!tpu.dma_semaphore, #tpu.memory_space<semaphore_mem>>)
          %dma_start3A_175 = tpu.memref_slice %arg5[%mul3A_172] : memref<1600000xi32, #tpu.memory_space<hbm>> -> memref<128xi32, #tpu.memory_space<hbm>>
          %dma_start3A_176 = tpu.memref_slice %arg5[%mul3A_172] : memref<1600000xi32, #tpu.memory_space<hbm>> -> memref<128xi32, #tpu.memory_space<hbm>>
          tpu.enqueue_dma source(%dma_start3A_176 : memref<128xi32, #tpu.memory_space<hbm>>) target(%arg14 : memref<128xi32, #tpu.memory_space<vmem>>) target_semaphore(%arg26 : memref<!tpu.dma_semaphore, #tpu.memory_space<semaphore_mem>>)
        } else {
        }
        %add3A_117 = arith.constant 1 : i32
        %add3A_118 = arith.addi %add3A_94, %add3A_117 : i32
        %lt3A_119 = arith.cmpi slt, %add3A_118, %sub3A : i32
        %convert_element_type3A_120 = arith.extui %lt3A_119 : i1 to i32
        %cond3A_121 = arith.constant 0 : i32
        %cond3A_122 = arith.cmpi ne, %convert_element_type3A_120, %cond3A_121 : i32
        scf.if %cond3A_122 {
          %dma_wait3A_168 = arith.constant 0 : i32
          %dma_wait3A_169 = tpu.memref_slice %arg4[%dma_wait3A_168] : memref<1600000xi32, #tpu.memory_space<hbm>> -> memref<128xi32, #tpu.memory_space<hbm>>
          %dma_wait3A_170 = arith.constant 0 : i32
          %dma_wait3A_171 = tpu.memref_slice %arg4[%dma_wait3A_170] : memref<1600000xi32, #tpu.memory_space<hbm>> -> memref<128xi32, #tpu.memory_space<hbm>>
          tpu.wait_dma2 semaphore(%arg27 : memref<!tpu.dma_semaphore, #tpu.memory_space<semaphore_mem>>) src(%dma_wait3A_171 : memref<128xi32, #tpu.memory_space<hbm>>) dst(%arg13 : memref<128xi32, #tpu.memory_space<vmem>>)
          %dma_wait3A_172 = arith.constant 0 : i32
          %dma_wait3A_173 = tpu.memref_slice %arg5[%dma_wait3A_172] : memref<1600000xi32, #tpu.memory_space<hbm>> -> memref<128xi32, #tpu.memory_space<hbm>>
          %dma_wait3A_174 = arith.constant 0 : i32
          %dma_wait3A_175 = tpu.memref_slice %arg5[%dma_wait3A_174] : memref<1600000xi32, #tpu.memory_space<hbm>> -> memref<128xi32, #tpu.memory_space<hbm>>
          tpu.wait_dma2 semaphore(%arg27 : memref<!tpu.dma_semaphore, #tpu.memory_space<semaphore_mem>>) src(%dma_wait3A_175 : memref<128xi32, #tpu.memory_space<hbm>>) dst(%arg15 : memref<128xi32, #tpu.memory_space<vmem>>)
          %dma_start3A_176 = arith.constant 0 : i32
          %dma_start3A_177 = arith.constant 0 : i32
          %dma_start3A_178 = tpu.memref_slice %arg2[%dma_start3A_176, %dma_start3A_177] : memref<100000x32xf32, #tpu.memory_space<hbm>> -> memref<100000x32xf32, #tpu.memory_space<hbm>>
          tpu.enqueue_indirect_dma source(%dma_start3A_178 : memref<100000x32xf32, #tpu.memory_space<hbm>>) target(%arg17 : memref<128x32xf32, #tpu.memory_space<vmem>>) offsets(%arg13 : memref<128xi32, #tpu.memory_space<vmem>>) semaphore(%arg29 : memref<!tpu.dma_semaphore, #tpu.memory_space<semaphore_mem>>)
          %dma_start3A_179 = arith.constant 0 : i32
          %dma_start3A_180 = arith.constant 0 : i32
          %dma_start3A_181 = tpu.memref_slice %arg3[%dma_start3A_179, %dma_start3A_180] : memref<100000x32xf32, #tpu.memory_space<hbm>> -> memref<100000x32xf32, #tpu.memory_space<hbm>>
          tpu.enqueue_indirect_dma source(%dma_start3A_181 : memref<100000x32xf32, #tpu.memory_space<hbm>>) target(%arg19 : memref<128x32xf32, #tpu.memory_space<vmem>>) offsets(%arg15 : memref<128xi32, #tpu.memory_space<vmem>>) semaphore(%arg29 : memref<!tpu.dma_semaphore, #tpu.memory_space<semaphore_mem>>)
        } else {
        }
        %ge3A = arith.constant 2 : i32
        %ge3A_123 = arith.cmpi sge, %add3A_94, %ge3A : i32
        %convert_element_type3A_124 = arith.extui %ge3A_123 : i1 to i32
        %cond3A_125 = arith.constant 0 : i32
        %cond3A_126 = arith.cmpi ne, %convert_element_type3A_124, %cond3A_125 : i32
        scf.if %cond3A_126 {
          %dma_wait3A_168 = arith.constant 0 : i32
          %dma_wait3A_169 = arith.constant 0 : i32
          %dma_wait3A_170 = tpu.memref_slice %arg9[%dma_wait3A_168, %dma_wait3A_169] : memref<1600000x32xf32, #tpu.memory_space<hbm>> -> memref<128x32xf32, #tpu.memory_space<hbm>>
          %dma_wait3A_171 = arith.constant 0 : i32
          %dma_wait3A_172 = arith.constant 0 : i32
          %dma_wait3A_173 = tpu.memref_slice %arg9[%dma_wait3A_171, %dma_wait3A_172] : memref<1600000x32xf32, #tpu.memory_space<hbm>> -> memref<128x32xf32, #tpu.memory_space<hbm>>
          tpu.wait_dma2 semaphore(%arg30 : memref<!tpu.dma_semaphore, #tpu.memory_space<semaphore_mem>>) src(%arg20 : memref<128x32xf32, #tpu.memory_space<vmem>>) dst(%dma_wait3A_173 : memref<128x32xf32, #tpu.memory_space<hbm>>)
        } else {
        }
        %get3A_127 = arith.constant 0 : index
        %get3A_128 = tpu.vector_load %arg23[%get3A_127] {strides = array<i32>} : memref<64xf32, #tpu.memory_space<vmem>>, vector<16xf32>,
        %get3A_129 = vector.shape_cast %get3A_128 : vector<16xf32> to vector<16xf32>
        %get3A_130 = arith.constant 16 : index
        %get3A_131 = tpu.vector_load %arg23[%get3A_130] {strides = array<i32>} : memref<64xf32, #tpu.memory_space<vmem>>, vector<16xf32>,
        %get3A_132 = vector.shape_cast %get3A_131 : vector<16xf32> to vector<16xf32>
        %get3A_133 = arith.constant 32 : index
        %get3A_134 = tpu.vector_load %arg23[%get3A_133] {strides = array<i32>} : memref<64xf32, #tpu.memory_space<vmem>>, vector<16xf32>,
        %get3A_135 = vector.shape_cast %get3A_134 : vector<16xf32> to vector<16xf32>
        %get3A_136 = arith.constant 48 : index
        %get3A_137 = tpu.vector_load %arg23[%get3A_136] {strides = array<i32>} : memref<64xf32, #tpu.memory_space<vmem>>, vector<16xf32>,
        %get3A_138 = vector.shape_cast %get3A_137 : vector<16xf32> to vector<16xf32>
        %scan3A_139 = arith.constant 0 : i32
        %scan3A_140 = arith.constant 32 : i32
        %scan3A_141 = arith.addi %scan3A_139, %scan3A_140 : i32
        %scan3A_142 = arith.constant 1 : i32
        %scan3A_143:4 = scf.for %scan3A_168 = %scan3A_139 to %scan3A_141 step %scan3A_142 iter_args(%scan3A_169 = %get3A_129, %scan3A_170 = %get3A_132, %scan3A_171 = %get3A_135, %scan3A_172 = %get3A_138) -> (vector<16xf32>, vector<16xf32>, vector<16xf32>, vector<16xf32>)  : i32 {
          %mul3A_173 = arith.constant 4 : i32
          %mul3A_174 = arith.muli %scan3A_168, %mul3A_173 : i32
          %add3A_175 = arith.constant 0 : i32
          %add3A_176 = arith.addi %mul3A_174, %add3A_175 : i32
          %get3A_177 = arith.index_cast %add3A_176 : i32 to index
          %get3A_178 = arith.constant 0 : index
          %get3A_179 = tpu.vector_load %arg16[%get3A_177, %get3A_178] {strides = array<i32>} : memref<128x32xf32, #tpu.memory_space<vmem>>, vector<1x16xf32>,
          %get3A_180 = vector.shape_cast %get3A_179 : vector<1x16xf32> to vector<16xf32>
          %get3A_181 = arith.index_cast %add3A_176 : i32 to index
          %get3A_182 = arith.constant 0 : index
          %get3A_183 = tpu.vector_load %arg18[%get3A_181, %get3A_182] {strides = array<i32>} : memref<128x32xf32, #tpu.memory_space<vmem>>, vector<1x16xf32>,
          %get3A_184 = vector.shape_cast %get3A_183 : vector<1x16xf32> to vector<16xf32>
          %add3A_185 = arith.addf %get3A_180, %get3A_184 : vector<16xf32>
          %add3A_186 = arith.addf %add3A_185, %get3A_17 : vector<16xf32>
          %get3A_187 = arith.index_cast %add3A_176 : i32 to index
          %get3A_188 = arith.constant 16 : index
          %get3A_189 = tpu.vector_load %arg16[%get3A_187, %get3A_188] {strides = array<i32>} : memref<128x32xf32, #tpu.memory_space<vmem>>, vector<1x16xf32>,
          %get3A_190 = vector.shape_cast %get3A_189 : vector<1x16xf32> to vector<16xf32>
          %get3A_191 = arith.index_cast %add3A_176 : i32 to index
          %get3A_192 = arith.constant 16 : index
          %get3A_193 = tpu.vector_load %arg18[%get3A_191, %get3A_192] {strides = array<i32>} : memref<128x32xf32, #tpu.memory_space<vmem>>, vector<1x16xf32>,
          %get3A_194 = vector.shape_cast %get3A_193 : vector<1x16xf32> to vector<16xf32>
          %add3A_195 = arith.addf %get3A_190, %get3A_194 : vector<16xf32>
          %add3A_196 = arith.addf %add3A_195, %get3A_20 : vector<16xf32>
          %neg3A = arith.constant 0.000000e+00 : f32
          %neg3A_197 = vector.broadcast %neg3A : f32 to vector<16xf32>
          %neg3A_198 = arith.subf %neg3A_197, %add3A_186 : vector<16xf32>
          %exp3A = math.exp %neg3A_198 : vector<16xf32>
          %add3A_199 = arith.constant 1.000000e+00 : f32
          %add3A_200 = vector.broadcast %add3A_199 : f32 to vector<16xf32>
          %add3A_201 = arith.addf %add3A_200, %exp3A : vector<16xf32>
          %div3A_202 = arith.divf %add3A_186, %add3A_201 : vector<16xf32>
          %neg3A_203 = arith.constant 0.000000e+00 : f32
          %neg3A_204 = vector.broadcast %neg3A_203 : f32 to vector<16xf32>
          %neg3A_205 = arith.subf %neg3A_204, %add3A_196 : vector<16xf32>
          %exp3A_206 = math.exp %neg3A_205 : vector<16xf32>
          %add3A_207 = arith.constant 1.000000e+00 : f32
          %add3A_208 = vector.broadcast %add3A_207 : f32 to vector<16xf32>
          %add3A_209 = arith.addf %add3A_208, %exp3A_206 : vector<16xf32>
          %div3A_210 = arith.divf %add3A_196, %add3A_209 : vector<16xf32>
          %swap3A_211 = arith.index_cast %add3A_176 : i32 to index
          %swap3A_212 = arith.constant 0 : index
          %swap3A_213 = tpu.vector_load %arg20[%swap3A_211, %swap3A_212] {strides = array<i32>} : memref<128x32xf32, #tpu.memory_space<vmem>>, vector<1x16xf32>,
          %swap3A_214 = vector.shape_cast %swap3A_213 : vector<1x16xf32> to vector<16xf32>
          %swap3A_215 = vector.shape_cast %div3A_202 : vector<16xf32> to vector<1x16xf32>
          tpu.vector_store %arg20[%swap3A_211, %swap3A_212], %swap3A_215 {strides = array<i32>} : memref<128x32xf32, #tpu.memory_space<vmem>>, vector<1x16xf32>,
          %swap3A_216 = arith.index_cast %add3A_176 : i32 to index
          %swap3A_217 = arith.constant 16 : index
          %swap3A_218 = tpu.vector_load %arg20[%swap3A_216, %swap3A_217] {strides = array<i32>} : memref<128x32xf32, #tpu.memory_space<vmem>>, vector<1x16xf32>,
          %swap3A_219 = vector.shape_cast %swap3A_218 : vector<1x16xf32> to vector<16xf32>
          %swap3A_220 = vector.shape_cast %div3A_210 : vector<16xf32> to vector<1x16xf32>
          tpu.vector_store %arg20[%swap3A_216, %swap3A_217], %swap3A_220 {strides = array<i32>} : memref<128x32xf32, #tpu.memory_space<vmem>>, vector<1x16xf32>,
          %add3A_221 = arith.addf %scan3A_169, %div3A_202 : vector<16xf32>
          %add3A_222 = arith.addf %scan3A_170, %div3A_210 : vector<16xf32>
          %mul3A_223 = arith.mulf %div3A_202, %div3A_202 : vector<16xf32>
          %add3A_224 = arith.addf %scan3A_171, %mul3A_223 : vector<16xf32>
          %mul3A_225 = arith.mulf %div3A_210, %div3A_210 : vector<16xf32>
          %add3A_226 = arith.addf %scan3A_172, %mul3A_225 : vector<16xf32>
          %mul3A_227 = arith.constant 4 : i32
          %mul3A_228 = arith.muli %scan3A_168, %mul3A_227 : i32
          %add3A_229 = arith.constant 1 : i32
          %add3A_230 = arith.addi %mul3A_228, %add3A_229 : i32
          %get3A_231 = arith.index_cast %add3A_230 : i32 to index
          %get3A_232 = arith.constant 0 : index
          %get3A_233 = tpu.vector_load %arg16[%get3A_231, %get3A_232] {strides = array<i32>} : memref<128x32xf32, #tpu.memory_space<vmem>>, vector<1x16xf32>,
          %get3A_234 = vector.shape_cast %get3A_233 : vector<1x16xf32> to vector<16xf32>
          %get3A_235 = arith.index_cast %add3A_230 : i32 to index
          %get3A_236 = arith.constant 0 : index
          %get3A_237 = tpu.vector_load %arg18[%get3A_235, %get3A_236] {strides = array<i32>} : memref<128x32xf32, #tpu.memory_space<vmem>>, vector<1x16xf32>,
          %get3A_238 = vector.shape_cast %get3A_237 : vector<1x16xf32> to vector<16xf32>
          %add3A_239 = arith.addf %get3A_234, %get3A_238 : vector<16xf32>
          %add3A_240 = arith.addf %add3A_239, %get3A_17 : vector<16xf32>
          %get3A_241 = arith.index_cast %add3A_230 : i32 to index
          %get3A_242 = arith.constant 16 : index
          %get3A_243 = tpu.vector_load %arg16[%get3A_241, %get3A_242] {strides = array<i32>} : memref<128x32xf32, #tpu.memory_space<vmem>>, vector<1x16xf32>,
          %get3A_244 = vector.shape_cast %get3A_243 : vector<1x16xf32> to vector<16xf32>
          %get3A_245 = arith.index_cast %add3A_230 : i32 to index
          %get3A_246 = arith.constant 16 : index
          %get3A_247 = tpu.vector_load %arg18[%get3A_245, %get3A_246] {strides = array<i32>} : memref<128x32xf32, #tpu.memory_space<vmem>>, vector<1x16xf32>,
          %get3A_248 = vector.shape_cast %get3A_247 : vector<1x16xf32> to vector<16xf32>
          %add3A_249 = arith.addf %get3A_244, %get3A_248 : vector<16xf32>
          %add3A_250 = arith.addf %add3A_249, %get3A_20 : vector<16xf32>
          %neg3A_251 = arith.constant 0.000000e+00 : f32
          %neg3A_252 = vector.broadcast %neg3A_251 : f32 to vector<16xf32>
          %neg3A_253 = arith.subf %neg3A_252, %add3A_240 : vector<16xf32>
          %exp3A_254 = math.exp %neg3A_253 : vector<16xf32>
          %add3A_255 = arith.constant 1.000000e+00 : f32
          %add3A_256 = vector.broadcast %add3A_255 : f32 to vector<16xf32>
          %add3A_257 = arith.addf %add3A_256, %exp3A_254 : vector<16xf32>
          %div3A_258 = arith.divf %add3A_240, %add3A_257 : vector<16xf32>
          %neg3A_259 = arith.constant 0.000000e+00 : f32
          %neg3A_260 = vector.broadcast %neg3A_259 : f32 to vector<16xf32>
          %neg3A_261 = arith.subf %neg3A_260, %add3A_250 : vector<16xf32>
          %exp3A_262 = math.exp %neg3A_261 : vector<16xf32>
          %add3A_263 = arith.constant 1.000000e+00 : f32
          %add3A_264 = vector.broadcast %add3A_263 : f32 to vector<16xf32>
          %add3A_265 = arith.addf %add3A_264, %exp3A_262 : vector<16xf32>
          %div3A_266 = arith.divf %add3A_250, %add3A_265 : vector<16xf32>
          %swap3A_267 = arith.index_cast %add3A_230 : i32 to index
          %swap3A_268 = arith.constant 0 : index
          %swap3A_269 = tpu.vector_load %arg20[%swap3A_267, %swap3A_268] {strides = array<i32>} : memref<128x32xf32, #tpu.memory_space<vmem>>, vector<1x16xf32>,
          %swap3A_270 = vector.shape_cast %swap3A_269 : vector<1x16xf32> to vector<16xf32>
          %swap3A_271 = vector.shape_cast %div3A_258 : vector<16xf32> to vector<1x16xf32>
          tpu.vector_store %arg20[%swap3A_267, %swap3A_268], %swap3A_271 {strides = array<i32>} : memref<128x32xf32, #tpu.memory_space<vmem>>, vector<1x16xf32>,
          %swap3A_272 = arith.index_cast %add3A_230 : i32 to index
          %swap3A_273 = arith.constant 16 : index
          %swap3A_274 = tpu.vector_load %arg20[%swap3A_272, %swap3A_273] {strides = array<i32>} : memref<128x32xf32, #tpu.memory_space<vmem>>, vector<1x16xf32>,
          %swap3A_275 = vector.shape_cast %swap3A_274 : vector<1x16xf32> to vector<16xf32>
          %swap3A_276 = vector.shape_cast %div3A_266 : vector<16xf32> to vector<1x16xf32>
          tpu.vector_store %arg20[%swap3A_272, %swap3A_273], %swap3A_276 {strides = array<i32>} : memref<128x32xf32, #tpu.memory_space<vmem>>, vector<1x16xf32>,
          %add3A_277 = arith.addf %add3A_221, %div3A_258 : vector<16xf32>
          %add3A_278 = arith.addf %add3A_222, %div3A_266 : vector<16xf32>
          %mul3A_279 = arith.mulf %div3A_258, %div3A_258 : vector<16xf32>
          %add3A_280 = arith.addf %add3A_224, %mul3A_279 : vector<16xf32>
          %mul3A_281 = arith.mulf %div3A_266, %div3A_266 : vector<16xf32>
          %add3A_282 = arith.addf %add3A_226, %mul3A_281 : vector<16xf32>
          %mul3A_283 = arith.constant 4 : i32
          %mul3A_284 = arith.muli %scan3A_168, %mul3A_283 : i32
          %add3A_285 = arith.constant 2 : i32
          %add3A_286 = arith.addi %mul3A_284, %add3A_285 : i32
          %get3A_287 = arith.index_cast %add3A_286 : i32 to index
          %get3A_288 = arith.constant 0 : index
          %get3A_289 = tpu.vector_load %arg16[%get3A_287, %get3A_288] {strides = array<i32>} : memref<128x32xf32, #tpu.memory_space<vmem>>, vector<1x16xf32>,
          %get3A_290 = vector.shape_cast %get3A_289 : vector<1x16xf32> to vector<16xf32>
          %get3A_291 = arith.index_cast %add3A_286 : i32 to index
          %get3A_292 = arith.constant 0 : index
          %get3A_293 = tpu.vector_load %arg18[%get3A_291, %get3A_292] {strides = array<i32>} : memref<128x32xf32, #tpu.memory_space<vmem>>, vector<1x16xf32>,
          %get3A_294 = vector.shape_cast %get3A_293 : vector<1x16xf32> to vector<16xf32>
          %add3A_295 = arith.addf %get3A_290, %get3A_294 : vector<16xf32>
          %add3A_296 = arith.addf %add3A_295, %get3A_17 : vector<16xf32>
          %get3A_297 = arith.index_cast %add3A_286 : i32 to index
          %get3A_298 = arith.constant 16 : index
          %get3A_299 = tpu.vector_load %arg16[%get3A_297, %get3A_298] {strides = array<i32>} : memref<128x32xf32, #tpu.memory_space<vmem>>, vector<1x16xf32>,
          %get3A_300 = vector.shape_cast %get3A_299 : vector<1x16xf32> to vector<16xf32>
          %get3A_301 = arith.index_cast %add3A_286 : i32 to index
          %get3A_302 = arith.constant 16 : index
          %get3A_303 = tpu.vector_load %arg18[%get3A_301, %get3A_302] {strides = array<i32>} : memref<128x32xf32, #tpu.memory_space<vmem>>, vector<1x16xf32>,
          %get3A_304 = vector.shape_cast %get3A_303 : vector<1x16xf32> to vector<16xf32>
          %add3A_305 = arith.addf %get3A_300, %get3A_304 : vector<16xf32>
          %add3A_306 = arith.addf %add3A_305, %get3A_20 : vector<16xf32>
          %neg3A_307 = arith.constant 0.000000e+00 : f32
          %neg3A_308 = vector.broadcast %neg3A_307 : f32 to vector<16xf32>
          %neg3A_309 = arith.subf %neg3A_308, %add3A_296 : vector<16xf32>
          %exp3A_310 = math.exp %neg3A_309 : vector<16xf32>
          %add3A_311 = arith.constant 1.000000e+00 : f32
          %add3A_312 = vector.broadcast %add3A_311 : f32 to vector<16xf32>
          %add3A_313 = arith.addf %add3A_312, %exp3A_310 : vector<16xf32>
          %div3A_314 = arith.divf %add3A_296, %add3A_313 : vector<16xf32>
          %neg3A_315 = arith.constant 0.000000e+00 : f32
          %neg3A_316 = vector.broadcast %neg3A_315 : f32 to vector<16xf32>
          %neg3A_317 = arith.subf %neg3A_316, %add3A_306 : vector<16xf32>
          %exp3A_318 = math.exp %neg3A_317 : vector<16xf32>
          %add3A_319 = arith.constant 1.000000e+00 : f32
          %add3A_320 = vector.broadcast %add3A_319 : f32 to vector<16xf32>
          %add3A_321 = arith.addf %add3A_320, %exp3A_318 : vector<16xf32>
          %div3A_322 = arith.divf %add3A_306, %add3A_321 : vector<16xf32>
          %swap3A_323 = arith.index_cast %add3A_286 : i32 to index
          %swap3A_324 = arith.constant 0 : index
          %swap3A_325 = tpu.vector_load %arg20[%swap3A_323, %swap3A_324] {strides = array<i32>} : memref<128x32xf32, #tpu.memory_space<vmem>>, vector<1x16xf32>,
          %swap3A_326 = vector.shape_cast %swap3A_325 : vector<1x16xf32> to vector<16xf32>
          %swap3A_327 = vector.shape_cast %div3A_314 : vector<16xf32> to vector<1x16xf32>
          tpu.vector_store %arg20[%swap3A_323, %swap3A_324], %swap3A_327 {strides = array<i32>} : memref<128x32xf32, #tpu.memory_space<vmem>>, vector<1x16xf32>,
          %swap3A_328 = arith.index_cast %add3A_286 : i32 to index
          %swap3A_329 = arith.constant 16 : index
          %swap3A_330 = tpu.vector_load %arg20[%swap3A_328, %swap3A_329] {strides = array<i32>} : memref<128x32xf32, #tpu.memory_space<vmem>>, vector<1x16xf32>,
          %swap3A_331 = vector.shape_cast %swap3A_330 : vector<1x16xf32> to vector<16xf32>
          %swap3A_332 = vector.shape_cast %div3A_322 : vector<16xf32> to vector<1x16xf32>
          tpu.vector_store %arg20[%swap3A_328, %swap3A_329], %swap3A_332 {strides = array<i32>} : memref<128x32xf32, #tpu.memory_space<vmem>>, vector<1x16xf32>,
          %add3A_333 = arith.addf %add3A_277, %div3A_314 : vector<16xf32>
          %add3A_334 = arith.addf %add3A_278, %div3A_322 : vector<16xf32>
          %mul3A_335 = arith.mulf %div3A_314, %div3A_314 : vector<16xf32>
          %add3A_336 = arith.addf %add3A_280, %mul3A_335 : vector<16xf32>
          %mul3A_337 = arith.mulf %div3A_322, %div3A_322 : vector<16xf32>
          %add3A_338 = arith.addf %add3A_282, %mul3A_337 : vector<16xf32>
          %mul3A_339 = arith.constant 4 : i32
          %mul3A_340 = arith.muli %scan3A_168, %mul3A_339 : i32
          %add3A_341 = arith.constant 3 : i32
          %add3A_342 = arith.addi %mul3A_340, %add3A_341 : i32
          %get3A_343 = arith.index_cast %add3A_342 : i32 to index
          %get3A_344 = arith.constant 0 : index
          %get3A_345 = tpu.vector_load %arg16[%get3A_343, %get3A_344] {strides = array<i32>} : memref<128x32xf32, #tpu.memory_space<vmem>>, vector<1x16xf32>,
          %get3A_346 = vector.shape_cast %get3A_345 : vector<1x16xf32> to vector<16xf32>
          %get3A_347 = arith.index_cast %add3A_342 : i32 to index
          %get3A_348 = arith.constant 0 : index
          %get3A_349 = tpu.vector_load %arg18[%get3A_347, %get3A_348] {strides = array<i32>} : memref<128x32xf32, #tpu.memory_space<vmem>>, vector<1x16xf32>,
          %get3A_350 = vector.shape_cast %get3A_349 : vector<1x16xf32> to vector<16xf32>
          %add3A_351 = arith.addf %get3A_346, %get3A_350 : vector<16xf32>
          %add3A_352 = arith.addf %add3A_351, %get3A_17 : vector<16xf32>
          %get3A_353 = arith.index_cast %add3A_342 : i32 to index
          %get3A_354 = arith.constant 16 : index
          %get3A_355 = tpu.vector_load %arg16[%get3A_353, %get3A_354] {strides = array<i32>} : memref<128x32xf32, #tpu.memory_space<vmem>>, vector<1x16xf32>,
          %get3A_356 = vector.shape_cast %get3A_355 : vector<1x16xf32> to vector<16xf32>
          %get3A_357 = arith.index_cast %add3A_342 : i32 to index
          %get3A_358 = arith.constant 16 : index
          %get3A_359 = tpu.vector_load %arg18[%get3A_357, %get3A_358] {strides = array<i32>} : memref<128x32xf32, #tpu.memory_space<vmem>>, vector<1x16xf32>,
          %get3A_360 = vector.shape_cast %get3A_359 : vector<1x16xf32> to vector<16xf32>
          %add3A_361 = arith.addf %get3A_356, %get3A_360 : vector<16xf32>
          %add3A_362 = arith.addf %add3A_361, %get3A_20 : vector<16xf32>
          %neg3A_363 = arith.constant 0.000000e+00 : f32
          %neg3A_364 = vector.broadcast %neg3A_363 : f32 to vector<16xf32>
          %neg3A_365 = arith.subf %neg3A_364, %add3A_352 : vector<16xf32>
          %exp3A_366 = math.exp %neg3A_365 : vector<16xf32>
          %add3A_367 = arith.constant 1.000000e+00 : f32
          %add3A_368 = vector.broadcast %add3A_367 : f32 to vector<16xf32>
          %add3A_369 = arith.addf %add3A_368, %exp3A_366 : vector<16xf32>
          %div3A_370 = arith.divf %add3A_352, %add3A_369 : vector<16xf32>
          %neg3A_371 = arith.constant 0.000000e+00 : f32
          %neg3A_372 = vector.broadcast %neg3A_371 : f32 to vector<16xf32>
          %neg3A_373 = arith.subf %neg3A_372, %add3A_362 : vector<16xf32>
          %exp3A_374 = math.exp %neg3A_373 : vector<16xf32>
          %add3A_375 = arith.constant 1.000000e+00 : f32
          %add3A_376 = vector.broadcast %add3A_375 : f32 to vector<16xf32>
          %add3A_377 = arith.addf %add3A_376, %exp3A_374 : vector<16xf32>
          %div3A_378 = arith.divf %add3A_362, %add3A_377 : vector<16xf32>
          %swap3A_379 = arith.index_cast %add3A_342 : i32 to index
          %swap3A_380 = arith.constant 0 : index
          %swap3A_381 = tpu.vector_load %arg20[%swap3A_379, %swap3A_380] {strides = array<i32>} : memref<128x32xf32, #tpu.memory_space<vmem>>, vector<1x16xf32>,
          %swap3A_382 = vector.shape_cast %swap3A_381 : vector<1x16xf32> to vector<16xf32>
          %swap3A_383 = vector.shape_cast %div3A_370 : vector<16xf32> to vector<1x16xf32>
          tpu.vector_store %arg20[%swap3A_379, %swap3A_380], %swap3A_383 {strides = array<i32>} : memref<128x32xf32, #tpu.memory_space<vmem>>, vector<1x16xf32>,
          %swap3A_384 = arith.index_cast %add3A_342 : i32 to index
          %swap3A_385 = arith.constant 16 : index
          %swap3A_386 = tpu.vector_load %arg20[%swap3A_384, %swap3A_385] {strides = array<i32>} : memref<128x32xf32, #tpu.memory_space<vmem>>, vector<1x16xf32>,
          %swap3A_387 = vector.shape_cast %swap3A_386 : vector<1x16xf32> to vector<16xf32>
          %swap3A_388 = vector.shape_cast %div3A_378 : vector<16xf32> to vector<1x16xf32>
          tpu.vector_store %arg20[%swap3A_384, %swap3A_385], %swap3A_388 {strides = array<i32>} : memref<128x32xf32, #tpu.memory_space<vmem>>, vector<1x16xf32>,
          %add3A_389 = arith.addf %add3A_333, %div3A_370 : vector<16xf32>
          %add3A_390 = arith.addf %add3A_334, %div3A_378 : vector<16xf32>
          %mul3A_391 = arith.mulf %div3A_370, %div3A_370 : vector<16xf32>
          %add3A_392 = arith.addf %add3A_336, %mul3A_391 : vector<16xf32>
          %mul3A_393 = arith.mulf %div3A_378, %div3A_378 : vector<16xf32>
          %add3A_394 = arith.addf %add3A_338, %mul3A_393 : vector<16xf32>
          scf.yield %add3A_389, %add3A_390, %add3A_392, %add3A_394 : vector<16xf32>, vector<16xf32>, vector<16xf32>, vector<16xf32>
        }
        %scan3A_144 = arith.constant 32 : i32
        %swap3A_145 = arith.constant 0 : index
        %swap3A_146 = tpu.vector_load %arg23[%swap3A_145] {strides = array<i32>} : memref<64xf32, #tpu.memory_space<vmem>>, vector<16xf32>,
        %swap3A_147 = vector.shape_cast %swap3A_146 : vector<16xf32> to vector<16xf32>
        %swap3A_148 = vector.shape_cast %scan3A_143#0 : vector<16xf32> to vector<16xf32>
        tpu.vector_store %arg23[%swap3A_145], %swap3A_148 {strides = array<i32>} : memref<64xf32, #tpu.memory_space<vmem>>, vector<16xf32>,
        %swap3A_149 = arith.constant 16 : index
        %swap3A_150 = tpu.vector_load %arg23[%swap3A_149] {strides = array<i32>} : memref<64xf32, #tpu.memory_space<vmem>>, vector<16xf32>,
        %swap3A_151 = vector.shape_cast %swap3A_150 : vector<16xf32> to vector<16xf32>
        %swap3A_152 = vector.shape_cast %scan3A_143#1 : vector<16xf32> to vector<16xf32>
        tpu.vector_store %arg23[%swap3A_149], %swap3A_152 {strides = array<i32>} : memref<64xf32, #tpu.memory_space<vmem>>, vector<16xf32>,
        %swap3A_153 = arith.constant 32 : index
        %swap3A_154 = tpu.vector_load %arg23[%swap3A_153] {strides = array<i32>} : memref<64xf32, #tpu.memory_space<vmem>>, vector<16xf32>,
        %swap3A_155 = vector.shape_cast %swap3A_154 : vector<16xf32> to vector<16xf32>
        %swap3A_156 = vector.shape_cast %scan3A_143#2 : vector<16xf32> to vector<16xf32>
        tpu.vector_store %arg23[%swap3A_153], %swap3A_156 {strides = array<i32>} : memref<64xf32, #tpu.memory_space<vmem>>, vector<16xf32>,
        %swap3A_157 = arith.constant 48 : index
        %swap3A_158 = tpu.vector_load %arg23[%swap3A_157] {strides = array<i32>} : memref<64xf32, #tpu.memory_space<vmem>>, vector<16xf32>,
        %swap3A_159 = vector.shape_cast %swap3A_158 : vector<16xf32> to vector<16xf32>
        %swap3A_160 = vector.shape_cast %scan3A_143#3 : vector<16xf32> to vector<16xf32>
        tpu.vector_store %arg23[%swap3A_157], %swap3A_160 {strides = array<i32>} : memref<64xf32, #tpu.memory_space<vmem>>, vector<16xf32>,
        %add3A_161 = arith.addi %div3A_3, %add3A_94 : i32
        %mul3A_162 = arith.constant 128 : i32
        %mul3A_163 = arith.muli %add3A_161, %mul3A_162 : i32
        %dma_start3A_164 = arith.constant 0 : i32
        %dma_start3A_165 = tpu.memref_slice %arg9[%mul3A_163, %dma_start3A_164] : memref<1600000x32xf32, #tpu.memory_space<hbm>> -> memref<128x32xf32, #tpu.memory_space<hbm>>
        %dma_start3A_166 = arith.constant 0 : i32
        %dma_start3A_167 = tpu.memref_slice %arg9[%mul3A_163, %dma_start3A_166] : memref<1600000x32xf32, #tpu.memory_space<hbm>> -> memref<128x32xf32, #tpu.memory_space<hbm>>
        tpu.enqueue_dma source(%arg20 : memref<128x32xf32, #tpu.memory_space<vmem>>) target(%dma_start3A_167 : memref<128x32xf32, #tpu.memory_space<hbm>>) target_semaphore(%arg30 : memref<!tpu.dma_semaphore, #tpu.memory_space<semaphore_mem>>)
      } else {
      }
      %mul3A_96 = arith.constant 2 : i32
      %mul3A_97 = arith.muli %scan3A_89, %mul3A_96 : i32
      %add3A_98 = arith.constant 1 : i32
      %add3A_99 = arith.addi %mul3A_97, %add3A_98 : i32
      %lt3A_100 = arith.cmpi slt, %add3A_99, %sub3A : i32
      %convert_element_type3A_101 = arith.extui %lt3A_100 : i1 to i32
      %cond3A_102 = arith.constant 0 : i32
      %cond3A_103 = arith.cmpi ne, %convert_element_type3A_101, %cond3A_102 : i32
      scf.if %cond3A_103 {
        %dma_wait3A_105 = arith.constant 0 : i32
        %dma_wait3A_106 = arith.constant 0 : i32
        %dma_wait3A_107 = tpu.memref_slice %arg2[%dma_wait3A_105, %dma_wait3A_106] : memref<100000x32xf32, #tpu.memory_space<hbm>> -> memref<100000x32xf32, #tpu.memory_space<hbm>>
        tpu.wait_indirect_dma semaphore(%arg29 : memref<!tpu.dma_semaphore, #tpu.memory_space<semaphore_mem>>) src(%dma_wait3A_107 : memref<100000x32xf32, #tpu.memory_space<hbm>>) dst(%arg17 : memref<128x32xf32, #tpu.memory_space<vmem>>)
        %dma_wait3A_108 = arith.constant 0 : i32
        %dma_wait3A_109 = arith.constant 0 : i32
        %dma_wait3A_110 = tpu.memref_slice %arg3[%dma_wait3A_108, %dma_wait3A_109] : memref<100000x32xf32, #tpu.memory_space<hbm>> -> memref<100000x32xf32, #tpu.memory_space<hbm>>
        tpu.wait_indirect_dma semaphore(%arg29 : memref<!tpu.dma_semaphore, #tpu.memory_space<semaphore_mem>>) src(%dma_wait3A_110 : memref<100000x32xf32, #tpu.memory_space<hbm>>) dst(%arg19 : memref<128x32xf32, #tpu.memory_space<vmem>>)
        "tpu.region"() ({
          %run_scoped3A = tpu.sem_alloc : memref<!tpu.dma_semaphore, #tpu.memory_space<semaphore_mem>>
          %dma_start3A_168 = arith.constant 0 : i32
          %dma_start3A_169 = arith.constant 0 : i32
          %dma_start3A_170 = tpu.memref_slice %arg25[%dma_start3A_168, %dma_start3A_169] : memref<100352x8xf32, #tpu.memory_space<vmem_shared>> -> memref<100352x8xf32, #tpu.memory_space<vmem_shared>>
          tpu.enqueue_indirect_dma source(%arg24 : memref<128x8xf32, #tpu.memory_space<vmem>>) target(%dma_start3A_170 : memref<100352x8xf32, #tpu.memory_space<vmem_shared>>) offsets(%arg13 : memref<128xi32, #tpu.memory_space<vmem>>) semaphore(%run_scoped3A : memref<!tpu.dma_semaphore, #tpu.memory_space<semaphore_mem>>) {add = true}
          %dma_wait3A_171 = arith.constant 0 : i32
          %dma_wait3A_172 = arith.constant 0 : i32
          %dma_wait3A_173 = tpu.memref_slice %arg25[%dma_wait3A_171, %dma_wait3A_172] : memref<100352x8xf32, #tpu.memory_space<vmem_shared>> -> memref<100352x8xf32, #tpu.memory_space<vmem_shared>>
          tpu.wait_indirect_dma semaphore(%run_scoped3A : memref<!tpu.dma_semaphore, #tpu.memory_space<semaphore_mem>>) src(%arg24 : memref<128x8xf32, #tpu.memory_space<vmem>>) dst(%dma_wait3A_173 : memref<100352x8xf32, #tpu.memory_space<vmem_shared>>)
          tpu.yield
        }) : () -> ()
        %add3A_111 = arith.constant 2 : i32
        %add3A_112 = arith.addi %add3A_99, %add3A_111 : i32
        %lt3A_113 = arith.cmpi slt, %add3A_112, %sub3A : i32
        %convert_element_type3A_114 = arith.extui %lt3A_113 : i1 to i32
        %cond3A_115 = arith.constant 0 : i32
        %cond3A_116 = arith.cmpi ne, %convert_element_type3A_114, %cond3A_115 : i32
        scf.if %cond3A_116 {
          %add3A_168 = arith.constant 2 : i32
          %add3A_169 = arith.addi %add3A_99, %add3A_168 : i32
          %add3A_170 = arith.addi %div3A_3, %add3A_169 : i32
          %mul3A_171 = arith.constant 128 : i32
          %mul3A_172 = arith.muli %add3A_170, %mul3A_171 : i32
          %dma_start3A_173 = tpu.memref_slice %arg4[%mul3A_172] : memref<1600000xi32, #tpu.memory_space<hbm>> -> memref<128xi32, #tpu.memory_space<hbm>>
          %dma_start3A_174 = tpu.memref_slice %arg4[%mul3A_172] : memref<1600000xi32, #tpu.memory_space<hbm>> -> memref<128xi32, #tpu.memory_space<hbm>>
          tpu.enqueue_dma source(%dma_start3A_174 : memref<128xi32, #tpu.memory_space<hbm>>) target(%arg13 : memref<128xi32, #tpu.memory_space<vmem>>) target_semaphore(%arg27 : memref<!tpu.dma_semaphore, #tpu.memory_space<semaphore_mem>>)
          %dma_start3A_175 = tpu.memref_slice %arg5[%mul3A_172] : memref<1600000xi32, #tpu.memory_space<hbm>> -> memref<128xi32, #tpu.memory_space<hbm>>
          %dma_start3A_176 = tpu.memref_slice %arg5[%mul3A_172] : memref<1600000xi32, #tpu.memory_space<hbm>> -> memref<128xi32, #tpu.memory_space<hbm>>
          tpu.enqueue_dma source(%dma_start3A_176 : memref<128xi32, #tpu.memory_space<hbm>>) target(%arg15 : memref<128xi32, #tpu.memory_space<vmem>>) target_semaphore(%arg27 : memref<!tpu.dma_semaphore, #tpu.memory_space<semaphore_mem>>)
        } else {
        }
        %add3A_117 = arith.constant 1 : i32
        %add3A_118 = arith.addi %add3A_99, %add3A_117 : i32
        %lt3A_119 = arith.cmpi slt, %add3A_118, %sub3A : i32
        %convert_element_type3A_120 = arith.extui %lt3A_119 : i1 to i32
        %cond3A_121 = arith.constant 0 : i32
        %cond3A_122 = arith.cmpi ne, %convert_element_type3A_120, %cond3A_121 : i32
        scf.if %cond3A_122 {
          %dma_wait3A_168 = arith.constant 0 : i32
          %dma_wait3A_169 = tpu.memref_slice %arg4[%dma_wait3A_168] : memref<1600000xi32, #tpu.memory_space<hbm>> -> memref<128xi32, #tpu.memory_space<hbm>>
          %dma_wait3A_170 = arith.constant 0 : i32
          %dma_wait3A_171 = tpu.memref_slice %arg4[%dma_wait3A_170] : memref<1600000xi32, #tpu.memory_space<hbm>> -> memref<128xi32, #tpu.memory_space<hbm>>
          tpu.wait_dma2 semaphore(%arg26 : memref<!tpu.dma_semaphore, #tpu.memory_space<semaphore_mem>>) src(%dma_wait3A_171 : memref<128xi32, #tpu.memory_space<hbm>>) dst(%arg12 : memref<128xi32, #tpu.memory_space<vmem>>)
          %dma_wait3A_172 = arith.constant 0 : i32
          %dma_wait3A_173 = tpu.memref_slice %arg5[%dma_wait3A_172] : memref<1600000xi32, #tpu.memory_space<hbm>> -> memref<128xi32, #tpu.memory_space<hbm>>
          %dma_wait3A_174 = arith.constant 0 : i32
          %dma_wait3A_175 = tpu.memref_slice %arg5[%dma_wait3A_174] : memref<1600000xi32, #tpu.memory_space<hbm>> -> memref<128xi32, #tpu.memory_space<hbm>>
          tpu.wait_dma2 semaphore(%arg26 : memref<!tpu.dma_semaphore, #tpu.memory_space<semaphore_mem>>) src(%dma_wait3A_175 : memref<128xi32, #tpu.memory_space<hbm>>) dst(%arg14 : memref<128xi32, #tpu.memory_space<vmem>>)
          %dma_start3A_176 = arith.constant 0 : i32
          %dma_start3A_177 = arith.constant 0 : i32
          %dma_start3A_178 = tpu.memref_slice %arg2[%dma_start3A_176, %dma_start3A_177] : memref<100000x32xf32, #tpu.memory_space<hbm>> -> memref<100000x32xf32, #tpu.memory_space<hbm>>
          tpu.enqueue_indirect_dma source(%dma_start3A_178 : memref<100000x32xf32, #tpu.memory_space<hbm>>) target(%arg16 : memref<128x32xf32, #tpu.memory_space<vmem>>) offsets(%arg12 : memref<128xi32, #tpu.memory_space<vmem>>) semaphore(%arg28 : memref<!tpu.dma_semaphore, #tpu.memory_space<semaphore_mem>>)
          %dma_start3A_179 = arith.constant 0 : i32
          %dma_start3A_180 = arith.constant 0 : i32
          %dma_start3A_181 = tpu.memref_slice %arg3[%dma_start3A_179, %dma_start3A_180] : memref<100000x32xf32, #tpu.memory_space<hbm>> -> memref<100000x32xf32, #tpu.memory_space<hbm>>
          tpu.enqueue_indirect_dma source(%dma_start3A_181 : memref<100000x32xf32, #tpu.memory_space<hbm>>) target(%arg18 : memref<128x32xf32, #tpu.memory_space<vmem>>) offsets(%arg14 : memref<128xi32, #tpu.memory_space<vmem>>) semaphore(%arg28 : memref<!tpu.dma_semaphore, #tpu.memory_space<semaphore_mem>>)
        } else {
        }
        %ge3A = arith.constant 2 : i32
        %ge3A_123 = arith.cmpi sge, %add3A_99, %ge3A : i32
        %convert_element_type3A_124 = arith.extui %ge3A_123 : i1 to i32
        %cond3A_125 = arith.constant 0 : i32
        %cond3A_126 = arith.cmpi ne, %convert_element_type3A_124, %cond3A_125 : i32
        scf.if %cond3A_126 {
          %dma_wait3A_168 = arith.constant 0 : i32
          %dma_wait3A_169 = arith.constant 0 : i32
          %dma_wait3A_170 = tpu.memref_slice %arg9[%dma_wait3A_168, %dma_wait3A_169] : memref<1600000x32xf32, #tpu.memory_space<hbm>> -> memref<128x32xf32, #tpu.memory_space<hbm>>
          %dma_wait3A_171 = arith.constant 0 : i32
          %dma_wait3A_172 = arith.constant 0 : i32
          %dma_wait3A_173 = tpu.memref_slice %arg9[%dma_wait3A_171, %dma_wait3A_172] : memref<1600000x32xf32, #tpu.memory_space<hbm>> -> memref<128x32xf32, #tpu.memory_space<hbm>>
          tpu.wait_dma2 semaphore(%arg31 : memref<!tpu.dma_semaphore, #tpu.memory_space<semaphore_mem>>) src(%arg21 : memref<128x32xf32, #tpu.memory_space<vmem>>) dst(%dma_wait3A_173 : memref<128x32xf32, #tpu.memory_space<hbm>>)
        } else {
        }
        %get3A_127 = arith.constant 0 : index
        %get3A_128 = tpu.vector_load %arg23[%get3A_127] {strides = array<i32>} : memref<64xf32, #tpu.memory_space<vmem>>, vector<16xf32>,
        %get3A_129 = vector.shape_cast %get3A_128 : vector<16xf32> to vector<16xf32>
        %get3A_130 = arith.constant 16 : index
        %get3A_131 = tpu.vector_load %arg23[%get3A_130] {strides = array<i32>} : memref<64xf32, #tpu.memory_space<vmem>>, vector<16xf32>,
        %get3A_132 = vector.shape_cast %get3A_131 : vector<16xf32> to vector<16xf32>
        %get3A_133 = arith.constant 32 : index
        %get3A_134 = tpu.vector_load %arg23[%get3A_133] {strides = array<i32>} : memref<64xf32, #tpu.memory_space<vmem>>, vector<16xf32>,
        %get3A_135 = vector.shape_cast %get3A_134 : vector<16xf32> to vector<16xf32>
        %get3A_136 = arith.constant 48 : index
        %get3A_137 = tpu.vector_load %arg23[%get3A_136] {strides = array<i32>} : memref<64xf32, #tpu.memory_space<vmem>>, vector<16xf32>,
        %get3A_138 = vector.shape_cast %get3A_137 : vector<16xf32> to vector<16xf32>
        %scan3A_139 = arith.constant 0 : i32
        %scan3A_140 = arith.constant 32 : i32
        %scan3A_141 = arith.addi %scan3A_139, %scan3A_140 : i32
        %scan3A_142 = arith.constant 1 : i32
        %scan3A_143:4 = scf.for %scan3A_168 = %scan3A_139 to %scan3A_141 step %scan3A_142 iter_args(%scan3A_169 = %get3A_129, %scan3A_170 = %get3A_132, %scan3A_171 = %get3A_135, %scan3A_172 = %get3A_138) -> (vector<16xf32>, vector<16xf32>, vector<16xf32>, vector<16xf32>)  : i32 {
          %mul3A_173 = arith.constant 4 : i32
          %mul3A_174 = arith.muli %scan3A_168, %mul3A_173 : i32
          %add3A_175 = arith.constant 0 : i32
          %add3A_176 = arith.addi %mul3A_174, %add3A_175 : i32
          %get3A_177 = arith.index_cast %add3A_176 : i32 to index
          %get3A_178 = arith.constant 0 : index
          %get3A_179 = tpu.vector_load %arg17[%get3A_177, %get3A_178] {strides = array<i32>} : memref<128x32xf32, #tpu.memory_space<vmem>>, vector<1x16xf32>,
          %get3A_180 = vector.shape_cast %get3A_179 : vector<1x16xf32> to vector<16xf32>
          %get3A_181 = arith.index_cast %add3A_176 : i32 to index
          %get3A_182 = arith.constant 0 : index
          %get3A_183 = tpu.vector_load %arg19[%get3A_181, %get3A_182] {strides = array<i32>} : memref<128x32xf32, #tpu.memory_space<vmem>>, vector<1x16xf32>,
          %get3A_184 = vector.shape_cast %get3A_183 : vector<1x16xf32> to vector<16xf32>
          %add3A_185 = arith.addf %get3A_180, %get3A_184 : vector<16xf32>
          %add3A_186 = arith.addf %add3A_185, %get3A_17 : vector<16xf32>
          %get3A_187 = arith.index_cast %add3A_176 : i32 to index
          %get3A_188 = arith.constant 16 : index
          %get3A_189 = tpu.vector_load %arg17[%get3A_187, %get3A_188] {strides = array<i32>} : memref<128x32xf32, #tpu.memory_space<vmem>>, vector<1x16xf32>,
          %get3A_190 = vector.shape_cast %get3A_189 : vector<1x16xf32> to vector<16xf32>
          %get3A_191 = arith.index_cast %add3A_176 : i32 to index
          %get3A_192 = arith.constant 16 : index
          %get3A_193 = tpu.vector_load %arg19[%get3A_191, %get3A_192] {strides = array<i32>} : memref<128x32xf32, #tpu.memory_space<vmem>>, vector<1x16xf32>,
          %get3A_194 = vector.shape_cast %get3A_193 : vector<1x16xf32> to vector<16xf32>
          %add3A_195 = arith.addf %get3A_190, %get3A_194 : vector<16xf32>
          %add3A_196 = arith.addf %add3A_195, %get3A_20 : vector<16xf32>
          %neg3A = arith.constant 0.000000e+00 : f32
          %neg3A_197 = vector.broadcast %neg3A : f32 to vector<16xf32>
          %neg3A_198 = arith.subf %neg3A_197, %add3A_186 : vector<16xf32>
          %exp3A = math.exp %neg3A_198 : vector<16xf32>
          %add3A_199 = arith.constant 1.000000e+00 : f32
          %add3A_200 = vector.broadcast %add3A_199 : f32 to vector<16xf32>
          %add3A_201 = arith.addf %add3A_200, %exp3A : vector<16xf32>
          %div3A_202 = arith.divf %add3A_186, %add3A_201 : vector<16xf32>
          %neg3A_203 = arith.constant 0.000000e+00 : f32
          %neg3A_204 = vector.broadcast %neg3A_203 : f32 to vector<16xf32>
          %neg3A_205 = arith.subf %neg3A_204, %add3A_196 : vector<16xf32>
          %exp3A_206 = math.exp %neg3A_205 : vector<16xf32>
          %add3A_207 = arith.constant 1.000000e+00 : f32
          %add3A_208 = vector.broadcast %add3A_207 : f32 to vector<16xf32>
          %add3A_209 = arith.addf %add3A_208, %exp3A_206 : vector<16xf32>
          %div3A_210 = arith.divf %add3A_196, %add3A_209 : vector<16xf32>
          %swap3A_211 = arith.index_cast %add3A_176 : i32 to index
          %swap3A_212 = arith.constant 0 : index
          %swap3A_213 = tpu.vector_load %arg21[%swap3A_211, %swap3A_212] {strides = array<i32>} : memref<128x32xf32, #tpu.memory_space<vmem>>, vector<1x16xf32>,
          %swap3A_214 = vector.shape_cast %swap3A_213 : vector<1x16xf32> to vector<16xf32>
          %swap3A_215 = vector.shape_cast %div3A_202 : vector<16xf32> to vector<1x16xf32>
          tpu.vector_store %arg21[%swap3A_211, %swap3A_212], %swap3A_215 {strides = array<i32>} : memref<128x32xf32, #tpu.memory_space<vmem>>, vector<1x16xf32>,
          %swap3A_216 = arith.index_cast %add3A_176 : i32 to index
          %swap3A_217 = arith.constant 16 : index
          %swap3A_218 = tpu.vector_load %arg21[%swap3A_216, %swap3A_217] {strides = array<i32>} : memref<128x32xf32, #tpu.memory_space<vmem>>, vector<1x16xf32>,
          %swap3A_219 = vector.shape_cast %swap3A_218 : vector<1x16xf32> to vector<16xf32>
          %swap3A_220 = vector.shape_cast %div3A_210 : vector<16xf32> to vector<1x16xf32>
          tpu.vector_store %arg21[%swap3A_216, %swap3A_217], %swap3A_220 {strides = array<i32>} : memref<128x32xf32, #tpu.memory_space<vmem>>, vector<1x16xf32>,
          %add3A_221 = arith.addf %scan3A_169, %div3A_202 : vector<16xf32>
          %add3A_222 = arith.addf %scan3A_170, %div3A_210 : vector<16xf32>
          %mul3A_223 = arith.mulf %div3A_202, %div3A_202 : vector<16xf32>
          %add3A_224 = arith.addf %scan3A_171, %mul3A_223 : vector<16xf32>
          %mul3A_225 = arith.mulf %div3A_210, %div3A_210 : vector<16xf32>
          %add3A_226 = arith.addf %scan3A_172, %mul3A_225 : vector<16xf32>
          %mul3A_227 = arith.constant 4 : i32
          %mul3A_228 = arith.muli %scan3A_168, %mul3A_227 : i32
          %add3A_229 = arith.constant 1 : i32
          %add3A_230 = arith.addi %mul3A_228, %add3A_229 : i32
          %get3A_231 = arith.index_cast %add3A_230 : i32 to index
          %get3A_232 = arith.constant 0 : index
          %get3A_233 = tpu.vector_load %arg17[%get3A_231, %get3A_232] {strides = array<i32>} : memref<128x32xf32, #tpu.memory_space<vmem>>, vector<1x16xf32>,
          %get3A_234 = vector.shape_cast %get3A_233 : vector<1x16xf32> to vector<16xf32>
          %get3A_235 = arith.index_cast %add3A_230 : i32 to index
          %get3A_236 = arith.constant 0 : index
          %get3A_237 = tpu.vector_load %arg19[%get3A_235, %get3A_236] {strides = array<i32>} : memref<128x32xf32, #tpu.memory_space<vmem>>, vector<1x16xf32>,
          %get3A_238 = vector.shape_cast %get3A_237 : vector<1x16xf32> to vector<16xf32>
          %add3A_239 = arith.addf %get3A_234, %get3A_238 : vector<16xf32>
          %add3A_240 = arith.addf %add3A_239, %get3A_17 : vector<16xf32>
          %get3A_241 = arith.index_cast %add3A_230 : i32 to index
          %get3A_242 = arith.constant 16 : index
          %get3A_243 = tpu.vector_load %arg17[%get3A_241, %get3A_242] {strides = array<i32>} : memref<128x32xf32, #tpu.memory_space<vmem>>, vector<1x16xf32>,
          %get3A_244 = vector.shape_cast %get3A_243 : vector<1x16xf32> to vector<16xf32>
          %get3A_245 = arith.index_cast %add3A_230 : i32 to index
          %get3A_246 = arith.constant 16 : index
          %get3A_247 = tpu.vector_load %arg19[%get3A_245, %get3A_246] {strides = array<i32>} : memref<128x32xf32, #tpu.memory_space<vmem>>, vector<1x16xf32>,
          %get3A_248 = vector.shape_cast %get3A_247 : vector<1x16xf32> to vector<16xf32>
          %add3A_249 = arith.addf %get3A_244, %get3A_248 : vector<16xf32>
          %add3A_250 = arith.addf %add3A_249, %get3A_20 : vector<16xf32>
          %neg3A_251 = arith.constant 0.000000e+00 : f32
          %neg3A_252 = vector.broadcast %neg3A_251 : f32 to vector<16xf32>
          %neg3A_253 = arith.subf %neg3A_252, %add3A_240 : vector<16xf32>
          %exp3A_254 = math.exp %neg3A_253 : vector<16xf32>
          %add3A_255 = arith.constant 1.000000e+00 : f32
          %add3A_256 = vector.broadcast %add3A_255 : f32 to vector<16xf32>
          %add3A_257 = arith.addf %add3A_256, %exp3A_254 : vector<16xf32>
          %div3A_258 = arith.divf %add3A_240, %add3A_257 : vector<16xf32>
          %neg3A_259 = arith.constant 0.000000e+00 : f32
          %neg3A_260 = vector.broadcast %neg3A_259 : f32 to vector<16xf32>
          %neg3A_261 = arith.subf %neg3A_260, %add3A_250 : vector<16xf32>
          %exp3A_262 = math.exp %neg3A_261 : vector<16xf32>
          %add3A_263 = arith.constant 1.000000e+00 : f32
          %add3A_264 = vector.broadcast %add3A_263 : f32 to vector<16xf32>
          %add3A_265 = arith.addf %add3A_264, %exp3A_262 : vector<16xf32>
          %div3A_266 = arith.divf %add3A_250, %add3A_265 : vector<16xf32>
          %swap3A_267 = arith.index_cast %add3A_230 : i32 to index
          %swap3A_268 = arith.constant 0 : index
          %swap3A_269 = tpu.vector_load %arg21[%swap3A_267, %swap3A_268] {strides = array<i32>} : memref<128x32xf32, #tpu.memory_space<vmem>>, vector<1x16xf32>,
          %swap3A_270 = vector.shape_cast %swap3A_269 : vector<1x16xf32> to vector<16xf32>
          %swap3A_271 = vector.shape_cast %div3A_258 : vector<16xf32> to vector<1x16xf32>
          tpu.vector_store %arg21[%swap3A_267, %swap3A_268], %swap3A_271 {strides = array<i32>} : memref<128x32xf32, #tpu.memory_space<vmem>>, vector<1x16xf32>,
          %swap3A_272 = arith.index_cast %add3A_230 : i32 to index
          %swap3A_273 = arith.constant 16 : index
          %swap3A_274 = tpu.vector_load %arg21[%swap3A_272, %swap3A_273] {strides = array<i32>} : memref<128x32xf32, #tpu.memory_space<vmem>>, vector<1x16xf32>,
          %swap3A_275 = vector.shape_cast %swap3A_274 : vector<1x16xf32> to vector<16xf32>
          %swap3A_276 = vector.shape_cast %div3A_266 : vector<16xf32> to vector<1x16xf32>
          tpu.vector_store %arg21[%swap3A_272, %swap3A_273], %swap3A_276 {strides = array<i32>} : memref<128x32xf32, #tpu.memory_space<vmem>>, vector<1x16xf32>,
          %add3A_277 = arith.addf %add3A_221, %div3A_258 : vector<16xf32>
          %add3A_278 = arith.addf %add3A_222, %div3A_266 : vector<16xf32>
          %mul3A_279 = arith.mulf %div3A_258, %div3A_258 : vector<16xf32>
          %add3A_280 = arith.addf %add3A_224, %mul3A_279 : vector<16xf32>
          %mul3A_281 = arith.mulf %div3A_266, %div3A_266 : vector<16xf32>
          %add3A_282 = arith.addf %add3A_226, %mul3A_281 : vector<16xf32>
          %mul3A_283 = arith.constant 4 : i32
          %mul3A_284 = arith.muli %scan3A_168, %mul3A_283 : i32
          %add3A_285 = arith.constant 2 : i32
          %add3A_286 = arith.addi %mul3A_284, %add3A_285 : i32
          %get3A_287 = arith.index_cast %add3A_286 : i32 to index
          %get3A_288 = arith.constant 0 : index
          %get3A_289 = tpu.vector_load %arg17[%get3A_287, %get3A_288] {strides = array<i32>} : memref<128x32xf32, #tpu.memory_space<vmem>>, vector<1x16xf32>,
          %get3A_290 = vector.shape_cast %get3A_289 : vector<1x16xf32> to vector<16xf32>
          %get3A_291 = arith.index_cast %add3A_286 : i32 to index
          %get3A_292 = arith.constant 0 : index
          %get3A_293 = tpu.vector_load %arg19[%get3A_291, %get3A_292] {strides = array<i32>} : memref<128x32xf32, #tpu.memory_space<vmem>>, vector<1x16xf32>,
          %get3A_294 = vector.shape_cast %get3A_293 : vector<1x16xf32> to vector<16xf32>
          %add3A_295 = arith.addf %get3A_290, %get3A_294 : vector<16xf32>
          %add3A_296 = arith.addf %add3A_295, %get3A_17 : vector<16xf32>
          %get3A_297 = arith.index_cast %add3A_286 : i32 to index
          %get3A_298 = arith.constant 16 : index
          %get3A_299 = tpu.vector_load %arg17[%get3A_297, %get3A_298] {strides = array<i32>} : memref<128x32xf32, #tpu.memory_space<vmem>>, vector<1x16xf32>,
          %get3A_300 = vector.shape_cast %get3A_299 : vector<1x16xf32> to vector<16xf32>
          %get3A_301 = arith.index_cast %add3A_286 : i32 to index
          %get3A_302 = arith.constant 16 : index
          %get3A_303 = tpu.vector_load %arg19[%get3A_301, %get3A_302] {strides = array<i32>} : memref<128x32xf32, #tpu.memory_space<vmem>>, vector<1x16xf32>,
          %get3A_304 = vector.shape_cast %get3A_303 : vector<1x16xf32> to vector<16xf32>
          %add3A_305 = arith.addf %get3A_300, %get3A_304 : vector<16xf32>
          %add3A_306 = arith.addf %add3A_305, %get3A_20 : vector<16xf32>
          %neg3A_307 = arith.constant 0.000000e+00 : f32
          %neg3A_308 = vector.broadcast %neg3A_307 : f32 to vector<16xf32>
          %neg3A_309 = arith.subf %neg3A_308, %add3A_296 : vector<16xf32>
          %exp3A_310 = math.exp %neg3A_309 : vector<16xf32>
          %add3A_311 = arith.constant 1.000000e+00 : f32
          %add3A_312 = vector.broadcast %add3A_311 : f32 to vector<16xf32>
          %add3A_313 = arith.addf %add3A_312, %exp3A_310 : vector<16xf32>
          %div3A_314 = arith.divf %add3A_296, %add3A_313 : vector<16xf32>
          %neg3A_315 = arith.constant 0.000000e+00 : f32
          %neg3A_316 = vector.broadcast %neg3A_315 : f32 to vector<16xf32>
          %neg3A_317 = arith.subf %neg3A_316, %add3A_306 : vector<16xf32>
          %exp3A_318 = math.exp %neg3A_317 : vector<16xf32>
          %add3A_319 = arith.constant 1.000000e+00 : f32
          %add3A_320 = vector.broadcast %add3A_319 : f32 to vector<16xf32>
          %add3A_321 = arith.addf %add3A_320, %exp3A_318 : vector<16xf32>
          %div3A_322 = arith.divf %add3A_306, %add3A_321 : vector<16xf32>
          %swap3A_323 = arith.index_cast %add3A_286 : i32 to index
          %swap3A_324 = arith.constant 0 : index
          %swap3A_325 = tpu.vector_load %arg21[%swap3A_323, %swap3A_324] {strides = array<i32>} : memref<128x32xf32, #tpu.memory_space<vmem>>, vector<1x16xf32>,
          %swap3A_326 = vector.shape_cast %swap3A_325 : vector<1x16xf32> to vector<16xf32>
          %swap3A_327 = vector.shape_cast %div3A_314 : vector<16xf32> to vector<1x16xf32>
          tpu.vector_store %arg21[%swap3A_323, %swap3A_324], %swap3A_327 {strides = array<i32>} : memref<128x32xf32, #tpu.memory_space<vmem>>, vector<1x16xf32>,
          %swap3A_328 = arith.index_cast %add3A_286 : i32 to index
          %swap3A_329 = arith.constant 16 : index
          %swap3A_330 = tpu.vector_load %arg21[%swap3A_328, %swap3A_329] {strides = array<i32>} : memref<128x32xf32, #tpu.memory_space<vmem>>, vector<1x16xf32>,
          %swap3A_331 = vector.shape_cast %swap3A_330 : vector<1x16xf32> to vector<16xf32>
          %swap3A_332 = vector.shape_cast %div3A_322 : vector<16xf32> to vector<1x16xf32>
          tpu.vector_store %arg21[%swap3A_328, %swap3A_329], %swap3A_332 {strides = array<i32>} : memref<128x32xf32, #tpu.memory_space<vmem>>, vector<1x16xf32>,
          %add3A_333 = arith.addf %add3A_277, %div3A_314 : vector<16xf32>
          %add3A_334 = arith.addf %add3A_278, %div3A_322 : vector<16xf32>
          %mul3A_335 = arith.mulf %div3A_314, %div3A_314 : vector<16xf32>
          %add3A_336 = arith.addf %add3A_280, %mul3A_335 : vector<16xf32>
          %mul3A_337 = arith.mulf %div3A_322, %div3A_322 : vector<16xf32>
          %add3A_338 = arith.addf %add3A_282, %mul3A_337 : vector<16xf32>
          %mul3A_339 = arith.constant 4 : i32
          %mul3A_340 = arith.muli %scan3A_168, %mul3A_339 : i32
          %add3A_341 = arith.constant 3 : i32
          %add3A_342 = arith.addi %mul3A_340, %add3A_341 : i32
          %get3A_343 = arith.index_cast %add3A_342 : i32 to index
          %get3A_344 = arith.constant 0 : index
          %get3A_345 = tpu.vector_load %arg17[%get3A_343, %get3A_344] {strides = array<i32>} : memref<128x32xf32, #tpu.memory_space<vmem>>, vector<1x16xf32>,
          %get3A_346 = vector.shape_cast %get3A_345 : vector<1x16xf32> to vector<16xf32>
          %get3A_347 = arith.index_cast %add3A_342 : i32 to index
          %get3A_348 = arith.constant 0 : index
          %get3A_349 = tpu.vector_load %arg19[%get3A_347, %get3A_348] {strides = array<i32>} : memref<128x32xf32, #tpu.memory_space<vmem>>, vector<1x16xf32>,
          %get3A_350 = vector.shape_cast %get3A_349 : vector<1x16xf32> to vector<16xf32>
          %add3A_351 = arith.addf %get3A_346, %get3A_350 : vector<16xf32>
          %add3A_352 = arith.addf %add3A_351, %get3A_17 : vector<16xf32>
          %get3A_353 = arith.index_cast %add3A_342 : i32 to index
          %get3A_354 = arith.constant 16 : index
          %get3A_355 = tpu.vector_load %arg17[%get3A_353, %get3A_354] {strides = array<i32>} : memref<128x32xf32, #tpu.memory_space<vmem>>, vector<1x16xf32>,
          %get3A_356 = vector.shape_cast %get3A_355 : vector<1x16xf32> to vector<16xf32>
          %get3A_357 = arith.index_cast %add3A_342 : i32 to index
          %get3A_358 = arith.constant 16 : index
          %get3A_359 = tpu.vector_load %arg19[%get3A_357, %get3A_358] {strides = array<i32>} : memref<128x32xf32, #tpu.memory_space<vmem>>, vector<1x16xf32>,
          %get3A_360 = vector.shape_cast %get3A_359 : vector<1x16xf32> to vector<16xf32>
          %add3A_361 = arith.addf %get3A_356, %get3A_360 : vector<16xf32>
          %add3A_362 = arith.addf %add3A_361, %get3A_20 : vector<16xf32>
          %neg3A_363 = arith.constant 0.000000e+00 : f32
          %neg3A_364 = vector.broadcast %neg3A_363 : f32 to vector<16xf32>
          %neg3A_365 = arith.subf %neg3A_364, %add3A_352 : vector<16xf32>
          %exp3A_366 = math.exp %neg3A_365 : vector<16xf32>
          %add3A_367 = arith.constant 1.000000e+00 : f32
          %add3A_368 = vector.broadcast %add3A_367 : f32 to vector<16xf32>
          %add3A_369 = arith.addf %add3A_368, %exp3A_366 : vector<16xf32>
          %div3A_370 = arith.divf %add3A_352, %add3A_369 : vector<16xf32>
          %neg3A_371 = arith.constant 0.000000e+00 : f32
          %neg3A_372 = vector.broadcast %neg3A_371 : f32 to vector<16xf32>
          %neg3A_373 = arith.subf %neg3A_372, %add3A_362 : vector<16xf32>
          %exp3A_374 = math.exp %neg3A_373 : vector<16xf32>
          %add3A_375 = arith.constant 1.000000e+00 : f32
          %add3A_376 = vector.broadcast %add3A_375 : f32 to vector<16xf32>
          %add3A_377 = arith.addf %add3A_376, %exp3A_374 : vector<16xf32>
          %div3A_378 = arith.divf %add3A_362, %add3A_377 : vector<16xf32>
          %swap3A_379 = arith.index_cast %add3A_342 : i32 to index
          %swap3A_380 = arith.constant 0 : index
          %swap3A_381 = tpu.vector_load %arg21[%swap3A_379, %swap3A_380] {strides = array<i32>} : memref<128x32xf32, #tpu.memory_space<vmem>>, vector<1x16xf32>,
          %swap3A_382 = vector.shape_cast %swap3A_381 : vector<1x16xf32> to vector<16xf32>
          %swap3A_383 = vector.shape_cast %div3A_370 : vector<16xf32> to vector<1x16xf32>
          tpu.vector_store %arg21[%swap3A_379, %swap3A_380], %swap3A_383 {strides = array<i32>} : memref<128x32xf32, #tpu.memory_space<vmem>>, vector<1x16xf32>,
          %swap3A_384 = arith.index_cast %add3A_342 : i32 to index
          %swap3A_385 = arith.constant 16 : index
          %swap3A_386 = tpu.vector_load %arg21[%swap3A_384, %swap3A_385] {strides = array<i32>} : memref<128x32xf32, #tpu.memory_space<vmem>>, vector<1x16xf32>,
          %swap3A_387 = vector.shape_cast %swap3A_386 : vector<1x16xf32> to vector<16xf32>
          %swap3A_388 = vector.shape_cast %div3A_378 : vector<16xf32> to vector<1x16xf32>
          tpu.vector_store %arg21[%swap3A_384, %swap3A_385], %swap3A_388 {strides = array<i32>} : memref<128x32xf32, #tpu.memory_space<vmem>>, vector<1x16xf32>,
          %add3A_389 = arith.addf %add3A_333, %div3A_370 : vector<16xf32>
          %add3A_390 = arith.addf %add3A_334, %div3A_378 : vector<16xf32>
          %mul3A_391 = arith.mulf %div3A_370, %div3A_370 : vector<16xf32>
          %add3A_392 = arith.addf %add3A_336, %mul3A_391 : vector<16xf32>
          %mul3A_393 = arith.mulf %div3A_378, %div3A_378 : vector<16xf32>
          %add3A_394 = arith.addf %add3A_338, %mul3A_393 : vector<16xf32>
          scf.yield %add3A_389, %add3A_390, %add3A_392, %add3A_394 : vector<16xf32>, vector<16xf32>, vector<16xf32>, vector<16xf32>
        }
        %scan3A_144 = arith.constant 32 : i32
        %swap3A_145 = arith.constant 0 : index
        %swap3A_146 = tpu.vector_load %arg23[%swap3A_145] {strides = array<i32>} : memref<64xf32, #tpu.memory_space<vmem>>, vector<16xf32>,
        %swap3A_147 = vector.shape_cast %swap3A_146 : vector<16xf32> to vector<16xf32>
        %swap3A_148 = vector.shape_cast %scan3A_143#0 : vector<16xf32> to vector<16xf32>
        tpu.vector_store %arg23[%swap3A_145], %swap3A_148 {strides = array<i32>} : memref<64xf32, #tpu.memory_space<vmem>>, vector<16xf32>,
        %swap3A_149 = arith.constant 16 : index
        %swap3A_150 = tpu.vector_load %arg23[%swap3A_149] {strides = array<i32>} : memref<64xf32, #tpu.memory_space<vmem>>, vector<16xf32>,
        %swap3A_151 = vector.shape_cast %swap3A_150 : vector<16xf32> to vector<16xf32>
        %swap3A_152 = vector.shape_cast %scan3A_143#1 : vector<16xf32> to vector<16xf32>
        tpu.vector_store %arg23[%swap3A_149], %swap3A_152 {strides = array<i32>} : memref<64xf32, #tpu.memory_space<vmem>>, vector<16xf32>,
        %swap3A_153 = arith.constant 32 : index
        %swap3A_154 = tpu.vector_load %arg23[%swap3A_153] {strides = array<i32>} : memref<64xf32, #tpu.memory_space<vmem>>, vector<16xf32>,
        %swap3A_155 = vector.shape_cast %swap3A_154 : vector<16xf32> to vector<16xf32>
        %swap3A_156 = vector.shape_cast %scan3A_143#2 : vector<16xf32> to vector<16xf32>
        tpu.vector_store %arg23[%swap3A_153], %swap3A_156 {strides = array<i32>} : memref<64xf32, #tpu.memory_space<vmem>>, vector<16xf32>,
        %swap3A_157 = arith.constant 48 : index
        %swap3A_158 = tpu.vector_load %arg23[%swap3A_157] {strides = array<i32>} : memref<64xf32, #tpu.memory_space<vmem>>, vector<16xf32>,
        %swap3A_159 = vector.shape_cast %swap3A_158 : vector<16xf32> to vector<16xf32>
        %swap3A_160 = vector.shape_cast %scan3A_143#3 : vector<16xf32> to vector<16xf32>
        tpu.vector_store %arg23[%swap3A_157], %swap3A_160 {strides = array<i32>} : memref<64xf32, #tpu.memory_space<vmem>>, vector<16xf32>,
        %add3A_161 = arith.addi %div3A_3, %add3A_99 : i32
        %mul3A_162 = arith.constant 128 : i32
        %mul3A_163 = arith.muli %add3A_161, %mul3A_162 : i32
        %dma_start3A_164 = arith.constant 0 : i32
        %dma_start3A_165 = tpu.memref_slice %arg9[%mul3A_163, %dma_start3A_164] : memref<1600000x32xf32, #tpu.memory_space<hbm>> -> memref<128x32xf32, #tpu.memory_space<hbm>>
        %dma_start3A_166 = arith.constant 0 : i32
        %dma_start3A_167 = tpu.memref_slice %arg9[%mul3A_163, %dma_start3A_166] : memref<1600000x32xf32, #tpu.memory_space<hbm>> -> memref<128x32xf32, #tpu.memory_space<hbm>>
        tpu.enqueue_dma source(%arg21 : memref<128x32xf32, #tpu.memory_space<vmem>>) target(%dma_start3A_167 : memref<128x32xf32, #tpu.memory_space<hbm>>) target_semaphore(%arg31 : memref<!tpu.dma_semaphore, #tpu.memory_space<semaphore_mem>>)
      } else {
      }
      %scan3A_104 = arith.constant 0 : i32
      scf.yield %scan3A_104 : i32
    }
    %scan3A_71 = arith.constant 197 : i32
    %dma_wait3A_72 = arith.constant 0 : i32
    %dma_wait3A_73 = arith.constant 0 : i32
    %dma_wait3A_74 = tpu.memref_slice %arg9[%dma_wait3A_72, %dma_wait3A_73] : memref<1600000x32xf32, #tpu.memory_space<hbm>> -> memref<128x32xf32, #tpu.memory_space<hbm>>
    %dma_wait3A_75 = arith.constant 0 : i32
    %dma_wait3A_76 = arith.constant 0 : i32
    %dma_wait3A_77 = tpu.memref_slice %arg9[%dma_wait3A_75, %dma_wait3A_76] : memref<1600000x32xf32, #tpu.memory_space<hbm>> -> memref<128x32xf32, #tpu.memory_space<hbm>>
    tpu.wait_dma2 semaphore(%arg30 : memref<!tpu.dma_semaphore, #tpu.memory_space<semaphore_mem>>) src(%arg20 : memref<128x32xf32, #tpu.memory_space<vmem>>) dst(%dma_wait3A_77 : memref<128x32xf32, #tpu.memory_space<hbm>>)
    %dma_wait3A_78 = arith.constant 0 : i32
    %dma_wait3A_79 = arith.constant 0 : i32
    %dma_wait3A_80 = tpu.memref_slice %arg9[%dma_wait3A_78, %dma_wait3A_79] : memref<1600000x32xf32, #tpu.memory_space<hbm>> -> memref<128x32xf32, #tpu.memory_space<hbm>>
    %dma_wait3A_81 = arith.constant 0 : i32
    %dma_wait3A_82 = arith.constant 0 : i32
    %dma_wait3A_83 = tpu.memref_slice %arg9[%dma_wait3A_81, %dma_wait3A_82] : memref<1600000x32xf32, #tpu.memory_space<hbm>> -> memref<128x32xf32, #tpu.memory_space<hbm>>
    tpu.wait_dma2 semaphore(%arg31 : memref<!tpu.dma_semaphore, #tpu.memory_space<semaphore_mem>>) src(%arg21 : memref<128x32xf32, #tpu.memory_space<vmem>>) dst(%dma_wait3A_83 : memref<128x32xf32, #tpu.memory_space<hbm>>)
    "tpu.region"() ({
      %run_scoped3A = tpu.sem_alloc : memref<!tpu.dma_semaphore, #tpu.memory_space<semaphore_mem>>
      %dma_start3A_89 = arith.constant 0 : i32
      %dma_start3A_90 = tpu.memref_slice %arg10[%add3A, %dma_start3A_89] : memref<32x64xf32, #tpu.memory_space<hbm>> -> memref<1x64xf32, #tpu.memory_space<hbm>>
      %dma_start3A_91 = tpu.memref_squeeze %dma_start3A_90 : memref<1x64xf32, #tpu.memory_space<hbm>> -> memref<64xf32, #tpu.memory_space<hbm>>
      %dma_start3A_92 = arith.constant 0 : i32
      %dma_start3A_93 = tpu.memref_slice %arg10[%add3A, %dma_start3A_92] : memref<32x64xf32, #tpu.memory_space<hbm>> -> memref<1x64xf32, #tpu.memory_space<hbm>>
      %dma_start3A_94 = tpu.memref_squeeze %dma_start3A_93 : memref<1x64xf32, #tpu.memory_space<hbm>> -> memref<64xf32, #tpu.memory_space<hbm>>
      tpu.enqueue_dma source(%arg23 : memref<64xf32, #tpu.memory_space<vmem>>) target(%dma_start3A_94 : memref<64xf32, #tpu.memory_space<hbm>>) target_semaphore(%run_scoped3A : memref<!tpu.dma_semaphore, #tpu.memory_space<semaphore_mem>>)
      %dma_wait3A_95 = arith.constant 0 : i32
      %dma_wait3A_96 = tpu.memref_slice %arg10[%add3A, %dma_wait3A_95] : memref<32x64xf32, #tpu.memory_space<hbm>> -> memref<1x64xf32, #tpu.memory_space<hbm>>
      %dma_wait3A_97 = tpu.memref_squeeze %dma_wait3A_96 : memref<1x64xf32, #tpu.memory_space<hbm>> -> memref<64xf32, #tpu.memory_space<hbm>>
      %dma_wait3A_98 = arith.constant 0 : i32
      %dma_wait3A_99 = tpu.memref_slice %arg10[%add3A, %dma_wait3A_98] : memref<32x64xf32, #tpu.memory_space<hbm>> -> memref<1x64xf32, #tpu.memory_space<hbm>>
      %dma_wait3A_100 = tpu.memref_squeeze %dma_wait3A_99 : memref<1x64xf32, #tpu.memory_space<hbm>> -> memref<64xf32, #tpu.memory_space<hbm>>
      tpu.wait_dma2 semaphore(%run_scoped3A : memref<!tpu.dma_semaphore, #tpu.memory_space<semaphore_mem>>) src(%arg23 : memref<64xf32, #tpu.memory_space<vmem>>) dst(%dma_wait3A_100 : memref<64xf32, #tpu.memory_space<hbm>>)
      tpu.yield
    }) : () -> ()
    %barrier3A_84 = arith.constant 0 : index
    tpu.barrier barrier_id(%barrier3A_84)
    %mul3A_85 = arith.constant 6272 : i32
    %mul3A_86 = arith.muli %arg1, %mul3A_85 : i32
    %mul3A_87 = arith.constant 6272 : i32
    %mul3A_88 = arith.muli %arg1, %mul3A_87 : i32
    "tpu.region"() ({
      %run_scoped3A = tpu.sem_alloc : memref<!tpu.dma_semaphore, #tpu.memory_space<semaphore_mem>>
      %dma_start3A_89 = arith.constant 0 : i32
      %dma_start3A_90 = arith.constant 0 : i32
      %dma_start3A_91 = tpu.memref_slice %arg11[%arg0, %dma_start3A_89, %dma_start3A_90] : memref<2x100352x8xf32, #tpu.memory_space<hbm>> -> memref<1x100352x8xf32, #tpu.memory_space<hbm>>
      %dma_start3A_92 = tpu.memref_squeeze %dma_start3A_91 : memref<1x100352x8xf32, #tpu.memory_space<hbm>> -> memref<100352x8xf32, #tpu.memory_space<hbm>>
      %dma_start3A_93 = arith.constant 0 : i32
      %dma_start3A_94 = tpu.memref_slice %dma_start3A_92[%mul3A_88, %dma_start3A_93] : memref<100352x8xf32, #tpu.memory_space<hbm>> -> memref<6272x8xf32, #tpu.memory_space<hbm>>
      %dma_start3A_95 = arith.constant 0 : i32
      %dma_start3A_96 = tpu.memref_slice %arg25[%mul3A_86, %dma_start3A_95] : memref<100352x8xf32, #tpu.memory_space<vmem_shared>> -> memref<6272x8xf32, #tpu.memory_space<vmem_shared>>
      tpu.enqueue_dma source(%dma_start3A_96 : memref<6272x8xf32, #tpu.memory_space<vmem_shared>>) target(%dma_start3A_94 : memref<6272x8xf32, #tpu.memory_space<hbm>>) target_semaphore(%run_scoped3A : memref<!tpu.dma_semaphore, #tpu.memory_space<semaphore_mem>>)
      %dma_wait3A_97 = arith.constant 0 : i32
      %dma_wait3A_98 = arith.constant 0 : i32
      %dma_wait3A_99 = tpu.memref_slice %arg11[%arg0, %dma_wait3A_97, %dma_wait3A_98] : memref<2x100352x8xf32, #tpu.memory_space<hbm>> -> memref<1x100352x8xf32, #tpu.memory_space<hbm>>
      %dma_wait3A_100 = tpu.memref_squeeze %dma_wait3A_99 : memref<1x100352x8xf32, #tpu.memory_space<hbm>> -> memref<100352x8xf32, #tpu.memory_space<hbm>>
      %dma_wait3A_101 = arith.constant 0 : i32
      %dma_wait3A_102 = tpu.memref_slice %dma_wait3A_100[%mul3A_88, %dma_wait3A_101] : memref<100352x8xf32, #tpu.memory_space<hbm>> -> memref<6272x8xf32, #tpu.memory_space<hbm>>
      %dma_wait3A_103 = arith.constant 0 : i32
      %dma_wait3A_104 = tpu.memref_slice %arg25[%mul3A_86, %dma_wait3A_103] : memref<100352x8xf32, #tpu.memory_space<vmem_shared>> -> memref<6272x8xf32, #tpu.memory_space<vmem_shared>>
      tpu.wait_dma2 semaphore(%run_scoped3A : memref<!tpu.dma_semaphore, #tpu.memory_space<semaphore_mem>>) src(%dma_wait3A_104 : memref<6272x8xf32, #tpu.memory_space<vmem_shared>>) dst(%dma_wait3A_102 : memref<6272x8xf32, #tpu.memory_space<hbm>>)
      tpu.yield
    }) : () -> ()
    return
  }
}

#map = affine_map<(d0, d1) -> (0, 0)>
#map1 = affine_map<(d0, d1) -> (0)>
#map2 = affine_map<(d0, d1) -> (0, 0, 0)>
module attributes {stable_mosaic.version = 14 : i64} {
  func.func @_sc_scatter_body(%arg0: i32, %arg1: i32, %arg2: memref<1600000x32xf32, #tpu.memory_space<hbm>>, %arg3: memref<1600000xi32, #tpu.memory_space<hbm>>, %arg4: memref<2x100352x8xf32, #tpu.memory_space<hbm>>, %arg5: memref<32x32xf32, #tpu.memory_space<hbm>>, %arg6: memref<100000x32xf32, #tpu.memory_space<hbm>>, %arg7: memref<128xi32, #tpu.memory_space<vmem>>, %arg8: memref<128xi32, #tpu.memory_space<vmem>>, %arg9: memref<128xi32, #tpu.memory_space<vmem>>, %arg10: memref<128xi32, #tpu.memory_space<vmem>>, %arg11: memref<128x32xf32, #tpu.memory_space<vmem>>, %arg12: memref<128x32xf32, #tpu.memory_space<vmem>>, %arg13: memref<128x32xf32, #tpu.memory_space<vmem>>, %arg14: memref<128x32xf32, #tpu.memory_space<vmem>>, %arg15: memref<16x8xf32, #tpu.memory_space<vmem>>, %arg16: memref<16x8xf32, #tpu.memory_space<vmem>>, %arg17: memref<50176x32xf32, #tpu.memory_space<vmem_shared>>, %arg18: memref<!tpu.dma_semaphore, #tpu.memory_space<semaphore_mem>>, %arg19: memref<!tpu.dma_semaphore, #tpu.memory_space<semaphore_mem>>, %arg20: memref<!tpu.dma_semaphore, #tpu.memory_space<semaphore_mem>>, %arg21: memref<!tpu.dma_semaphore, #tpu.memory_space<semaphore_mem>>, %arg22: memref<!tpu.dma_semaphore, #tpu.memory_space<semaphore_mem>>, %arg23: memref<!tpu.dma_semaphore, #tpu.memory_space<semaphore_mem>>, %arg24: memref<!tpu.dma_semaphore, #tpu.memory_space<semaphore_mem>>, %arg25: memref<!tpu.dma_semaphore, #tpu.memory_space<semaphore_mem>>) attributes {dimension_semantics = [#tpu.dimension_semantics<core_parallel>, #tpu.dimension_semantics<subcore_parallel>], iteration_bounds = array<i64: 2, 16>, scalar_prefetch = 0 : i64, scratch_operands = 19 : i64, tpu.core_type = #tpu.core_type<sc_vector_subcore>, window_params = [{transform_indices = #map}, {transform_indices = #map1}, {transform_indices = #map2}, {transform_indices = #map}, {transform_indices = #map}]} {
    %mul3A = arith.constant 50000 : i32
    %mul3A_0 = arith.muli %arg0, %mul3A : i32
    %iota3A = tpu.iota {dimensions = array<i32: 0>} : vector<16xi32>
    %scan3A = arith.constant 0 : i32
    %scan3A_1 = arith.constant 0 : i32
    %scan3A_2 = arith.constant 98 : i32
    %scan3A_3 = arith.addi %scan3A_1, %scan3A_2 : i32
    %scan3A_4 = arith.constant 1 : i32
    %scan3A_5 = scf.for %scan3A_86 = %scan3A_1 to %scan3A_3 step %scan3A_4 iter_args(%scan3A_87 = %scan3A) -> (i32)  : i32 {
      %mul3A_88 = arith.constant 3136 : i32
      %mul3A_89 = arith.muli %arg1, %mul3A_88 : i32
      %mul3A_90 = arith.constant 32 : i32
      %mul3A_91 = arith.muli %scan3A_86, %mul3A_90 : i32
      %add3A_92 = arith.addi %mul3A_89, %mul3A_91 : i32
      "tpu.region"() ({
        %run_scoped3A = tpu.sem_alloc : memref<!tpu.dma_semaphore, #tpu.memory_space<semaphore_mem>>
        %dma_start3A_94 = arith.constant 0 : i32
        %dma_start3A_95 = tpu.memref_slice %arg17[%add3A_92, %dma_start3A_94] : memref<50176x32xf32, #tpu.memory_space<vmem_shared>> -> memref<32x32xf32, #tpu.memory_space<vmem_shared>>
        tpu.enqueue_dma source(%arg5 : memref<32x32xf32, #tpu.memory_space<hbm>>) target(%dma_start3A_95 : memref<32x32xf32, #tpu.memory_space<vmem_shared>>) target_semaphore(%run_scoped3A : memref<!tpu.dma_semaphore, #tpu.memory_space<semaphore_mem>>)
        %dma_wait3A = arith.constant 0 : i32
        %dma_wait3A_96 = tpu.memref_slice %arg17[%add3A_92, %dma_wait3A] : memref<50176x32xf32, #tpu.memory_space<vmem_shared>> -> memref<32x32xf32, #tpu.memory_space<vmem_shared>>
        tpu.wait_dma2 semaphore(%run_scoped3A : memref<!tpu.dma_semaphore, #tpu.memory_space<semaphore_mem>>) src(%arg5 : memref<32x32xf32, #tpu.memory_space<hbm>>) dst(%dma_wait3A_96 : memref<32x32xf32, #tpu.memory_space<vmem_shared>>)
        tpu.yield
      }) : () -> ()
      %scan3A_93 = arith.constant 0 : i32
      scf.yield %scan3A_93 : i32
    }
    %scan3A_6 = arith.constant 98 : i32
    %barrier3A = arith.constant 0 : index
    tpu.barrier barrier_id(%barrier3A)
    %mul3A_7 = arith.constant 12500 : i32
    %mul3A_8 = arith.muli %arg1, %mul3A_7 : i32
    %div3A = arith.constant 16 : i32
    %div3A_9 = arith.divsi %mul3A_8, %div3A : i32
    %add3A = arith.constant 1 : i32
    %add3A_10 = arith.addi %arg1, %add3A : i32
    %mul3A_11 = arith.constant 12500 : i32
    %mul3A_12 = arith.muli %add3A_10, %mul3A_11 : i32
    %div3A_13 = arith.constant 16 : i32
    %div3A_14 = arith.divsi %mul3A_12, %div3A_13 : i32
    %sub3A = arith.subi %div3A_14, %div3A_9 : i32
    %add3A_15 = arith.constant 0 : i32
    %add3A_16 = arith.addi %div3A_9, %add3A_15 : i32
    %mul3A_17 = arith.constant 128 : i32
    %mul3A_18 = arith.muli %add3A_16, %mul3A_17 : i32
    %dma_start3A = tpu.memref_slice %arg3[%mul3A_18] : memref<1600000xi32, #tpu.memory_space<hbm>> -> memref<128xi32, #tpu.memory_space<hbm>>
    %dma_start3A_19 = tpu.memref_slice %arg3[%mul3A_18] : memref<1600000xi32, #tpu.memory_space<hbm>> -> memref<128xi32, #tpu.memory_space<hbm>>
    tpu.enqueue_dma source(%dma_start3A_19 : memref<128xi32, #tpu.memory_space<hbm>>) target(%arg7 : memref<128xi32, #tpu.memory_space<vmem>>) target_semaphore(%arg18 : memref<!tpu.dma_semaphore, #tpu.memory_space<semaphore_mem>>)
    %dma_start3A_20 = arith.constant 0 : i32
    %dma_start3A_21 = tpu.memref_slice %arg2[%mul3A_18, %dma_start3A_20] : memref<1600000x32xf32, #tpu.memory_space<hbm>> -> memref<128x32xf32, #tpu.memory_space<hbm>>
    %dma_start3A_22 = arith.constant 0 : i32
    %dma_start3A_23 = tpu.memref_slice %arg2[%mul3A_18, %dma_start3A_22] : memref<1600000x32xf32, #tpu.memory_space<hbm>> -> memref<128x32xf32, #tpu.memory_space<hbm>>
    tpu.enqueue_dma source(%dma_start3A_23 : memref<128x32xf32, #tpu.memory_space<hbm>>) target(%arg11 : memref<128x32xf32, #tpu.memory_space<vmem>>) target_semaphore(%arg18 : memref<!tpu.dma_semaphore, #tpu.memory_space<semaphore_mem>>)
    %add3A_24 = arith.constant 1 : i32
    %add3A_25 = arith.addi %div3A_9, %add3A_24 : i32
    %mul3A_26 = arith.constant 128 : i32
    %mul3A_27 = arith.muli %add3A_25, %mul3A_26 : i32
    %dma_start3A_28 = tpu.memref_slice %arg3[%mul3A_27] : memref<1600000xi32, #tpu.memory_space<hbm>> -> memref<128xi32, #tpu.memory_space<hbm>>
    %dma_start3A_29 = tpu.memref_slice %arg3[%mul3A_27] : memref<1600000xi32, #tpu.memory_space<hbm>> -> memref<128xi32, #tpu.memory_space<hbm>>
    tpu.enqueue_dma source(%dma_start3A_29 : memref<128xi32, #tpu.memory_space<hbm>>) target(%arg8 : memref<128xi32, #tpu.memory_space<vmem>>) target_semaphore(%arg19 : memref<!tpu.dma_semaphore, #tpu.memory_space<semaphore_mem>>)
    %dma_start3A_30 = arith.constant 0 : i32
    %dma_start3A_31 = tpu.memref_slice %arg2[%mul3A_27, %dma_start3A_30] : memref<1600000x32xf32, #tpu.memory_space<hbm>> -> memref<128x32xf32, #tpu.memory_space<hbm>>
    %dma_start3A_32 = arith.constant 0 : i32
    %dma_start3A_33 = tpu.memref_slice %arg2[%mul3A_27, %dma_start3A_32] : memref<1600000x32xf32, #tpu.memory_space<hbm>> -> memref<128x32xf32, #tpu.memory_space<hbm>>
    tpu.enqueue_dma source(%dma_start3A_33 : memref<128x32xf32, #tpu.memory_space<hbm>>) target(%arg12 : memref<128x32xf32, #tpu.memory_space<vmem>>) target_semaphore(%arg19 : memref<!tpu.dma_semaphore, #tpu.memory_space<semaphore_mem>>)
    %scan3A_34 = arith.constant 0 : i32
    %scan3A_35 = arith.constant 0 : i32
    %scan3A_36 = arith.constant 197 : i32
    %scan3A_37 = arith.addi %scan3A_35, %scan3A_36 : i32
    %scan3A_38 = arith.constant 1 : i32
    %scan3A_39 = scf.for %scan3A_86 = %scan3A_35 to %scan3A_37 step %scan3A_38 iter_args(%scan3A_87 = %scan3A_34) -> (i32)  : i32 {
      %mul3A_88 = arith.constant 4 : i32
      %mul3A_89 = arith.muli %scan3A_86, %mul3A_88 : i32
      %add3A_90 = arith.constant 0 : i32
      %add3A_91 = arith.addi %mul3A_89, %add3A_90 : i32
      %lt3A = arith.cmpi slt, %add3A_91, %sub3A : i32
      %convert_element_type3A_92 = arith.extui %lt3A : i1 to i32
      %cond3A_93 = arith.constant 0 : i32
      %cond3A_94 = arith.cmpi ne, %convert_element_type3A_92, %cond3A_93 : i32
      scf.if %cond3A_94 {
        %ge3A = arith.constant 2 : i32
        %ge3A_120 = arith.cmpi sge, %add3A_91, %ge3A : i32
        %convert_element_type3A_121 = arith.extui %ge3A_120 : i1 to i32
        %cond3A_122 = arith.constant 0 : i32
        %cond3A_123 = arith.cmpi ne, %convert_element_type3A_121, %cond3A_122 : i32
        scf.if %cond3A_123 {
          %dma_wait3A_149 = arith.constant 0 : i32
          %dma_wait3A_150 = arith.constant 0 : i32
          %dma_wait3A_151 = tpu.memref_slice %arg17[%dma_wait3A_149, %dma_wait3A_150] : memref<50176x32xf32, #tpu.memory_space<vmem_shared>> -> memref<50176x32xf32, #tpu.memory_space<vmem_shared>>
          tpu.wait_indirect_dma semaphore(%arg24 : memref<!tpu.dma_semaphore, #tpu.memory_space<semaphore_mem>>) src(%arg13 : memref<128x32xf32, #tpu.memory_space<vmem>>) dst(%dma_wait3A_151 : memref<50176x32xf32, #tpu.memory_space<vmem_shared>>)
        } else {
        }
        %add3A_124 = arith.constant 2 : i32
        %add3A_125 = arith.addi %add3A_91, %add3A_124 : i32
        %lt3A_126 = arith.cmpi slt, %add3A_125, %sub3A : i32
        %convert_element_type3A_127 = arith.extui %lt3A_126 : i1 to i32
        %cond3A_128 = arith.constant 0 : i32
        %cond3A_129 = arith.cmpi ne, %convert_element_type3A_127, %cond3A_128 : i32
        scf.if %cond3A_129 {
          %add3A_149 = arith.constant 2 : i32
          %add3A_150 = arith.addi %add3A_91, %add3A_149 : i32
          %add3A_151 = arith.addi %div3A_9, %add3A_150 : i32
          %mul3A_152 = arith.constant 128 : i32
          %mul3A_153 = arith.muli %add3A_151, %mul3A_152 : i32
          %dma_start3A_154 = tpu.memref_slice %arg3[%mul3A_153] : memref<1600000xi32, #tpu.memory_space<hbm>> -> memref<128xi32, #tpu.memory_space<hbm>>
          %dma_start3A_155 = tpu.memref_slice %arg3[%mul3A_153] : memref<1600000xi32, #tpu.memory_space<hbm>> -> memref<128xi32, #tpu.memory_space<hbm>>
          tpu.enqueue_dma source(%dma_start3A_155 : memref<128xi32, #tpu.memory_space<hbm>>) target(%arg9 : memref<128xi32, #tpu.memory_space<vmem>>) target_semaphore(%arg20 : memref<!tpu.dma_semaphore, #tpu.memory_space<semaphore_mem>>)
          %dma_start3A_156 = arith.constant 0 : i32
          %dma_start3A_157 = tpu.memref_slice %arg2[%mul3A_153, %dma_start3A_156] : memref<1600000x32xf32, #tpu.memory_space<hbm>> -> memref<128x32xf32, #tpu.memory_space<hbm>>
          %dma_start3A_158 = arith.constant 0 : i32
          %dma_start3A_159 = tpu.memref_slice %arg2[%mul3A_153, %dma_start3A_158] : memref<1600000x32xf32, #tpu.memory_space<hbm>> -> memref<128x32xf32, #tpu.memory_space<hbm>>
          tpu.enqueue_dma source(%dma_start3A_159 : memref<128x32xf32, #tpu.memory_space<hbm>>) target(%arg13 : memref<128x32xf32, #tpu.memory_space<vmem>>) target_semaphore(%arg20 : memref<!tpu.dma_semaphore, #tpu.memory_space<semaphore_mem>>)
        } else {
        }
        %dma_wait3A = arith.constant 0 : i32
        %dma_wait3A_130 = tpu.memref_slice %arg3[%dma_wait3A] : memref<1600000xi32, #tpu.memory_space<hbm>> -> memref<128xi32, #tpu.memory_space<hbm>>
        %dma_wait3A_131 = arith.constant 0 : i32
        %dma_wait3A_132 = tpu.memref_slice %arg3[%dma_wait3A_131] : memref<1600000xi32, #tpu.memory_space<hbm>> -> memref<128xi32, #tpu.memory_space<hbm>>
        tpu.wait_dma2 semaphore(%arg18 : memref<!tpu.dma_semaphore, #tpu.memory_space<semaphore_mem>>) src(%dma_wait3A_132 : memref<128xi32, #tpu.memory_space<hbm>>) dst(%arg7 : memref<128xi32, #tpu.memory_space<vmem>>)
        %dma_wait3A_133 = arith.constant 0 : i32
        %dma_wait3A_134 = arith.constant 0 : i32
        %dma_wait3A_135 = tpu.memref_slice %arg2[%dma_wait3A_133, %dma_wait3A_134] : memref<1600000x32xf32, #tpu.memory_space<hbm>> -> memref<128x32xf32, #tpu.memory_space<hbm>>
        %dma_wait3A_136 = arith.constant 0 : i32
        %dma_wait3A_137 = arith.constant 0 : i32
        %dma_wait3A_138 = tpu.memref_slice %arg2[%dma_wait3A_136, %dma_wait3A_137] : memref<1600000x32xf32, #tpu.memory_space<hbm>> -> memref<128x32xf32, #tpu.memory_space<hbm>>
        tpu.wait_dma2 semaphore(%arg18 : memref<!tpu.dma_semaphore, #tpu.memory_space<semaphore_mem>>) src(%dma_wait3A_138 : memref<128x32xf32, #tpu.memory_space<hbm>>) dst(%arg11 : memref<128x32xf32, #tpu.memory_space<vmem>>)
        %scan3A_139 = arith.constant 0 : i32
        %scan3A_140 = arith.constant 0 : i32
        %scan3A_141 = arith.constant 8 : i32
        %scan3A_142 = arith.addi %scan3A_140, %scan3A_141 : i32
        %scan3A_143 = arith.constant 1 : i32
        %scan3A_144 = scf.for %scan3A_149 = %scan3A_140 to %scan3A_142 step %scan3A_143 iter_args(%scan3A_150 = %scan3A_139) -> (i32)  : i32 {
          %mul3A_151 = arith.constant 16 : i32
          %mul3A_152 = arith.muli %scan3A_149, %mul3A_151 : i32
          %get3A = arith.index_cast %mul3A_152 : i32 to index
          %get3A_153 = tpu.vector_load %arg7[%get3A] {strides = array<i32>} : memref<128xi32, #tpu.memory_space<vmem>>, vector<16xi32>,
          %ge3A_154 = vector.broadcast %mul3A_0 : i32 to vector<16xi32>
          %ge3A_155 = arith.cmpi sge, %get3A_153, %ge3A_154 : vector<16xi32>
          %add3A_156 = arith.constant 50000 : i32
          %add3A_157 = arith.addi %mul3A_0, %add3A_156 : i32
          %lt3A_158 = vector.broadcast %add3A_157 : i32 to vector<16xi32>
          %lt3A_159 = arith.cmpi slt, %get3A_153, %lt3A_158 : vector<16xi32>
          %and3A = arith.andi %ge3A_155, %lt3A_159 : vector<16xi1>
          %rem3A_160 = arith.constant 128 : i32
          %rem3A_161 = vector.broadcast %rem3A_160 : i32 to vector<16xi32>
          %rem3A_162 = arith.remsi %get3A_153, %rem3A_161 : vector<16xi32>
          %add3A_163 = arith.constant 50000 : i32
          %add3A_164 = vector.broadcast %add3A_163 : i32 to vector<16xi32>
          %add3A_165 = arith.addi %add3A_164, %rem3A_162 : vector<16xi32>
          %sub3A_166 = vector.broadcast %mul3A_0 : i32 to vector<16xi32>
          %sub3A_167 = arith.subi %get3A_153, %sub3A_166 : vector<16xi32>
          %select_n3A = arith.select %and3A, %sub3A_167, %add3A_165 : vector<16xi1>, vector<16xi32>
          %mul3A_168 = arith.constant 16 : i32
          %mul3A_169 = arith.muli %scan3A_149, %mul3A_168 : i32
          %swap3A = arith.index_cast %mul3A_169 : i32 to index
          %swap3A_170 = tpu.vector_load %arg7[%swap3A] {strides = array<i32>} : memref<128xi32, #tpu.memory_space<vmem>>, vector<16xi32>,
          tpu.vector_store %arg7[%swap3A], %select_n3A {strides = array<i32>} : memref<128xi32, #tpu.memory_space<vmem>>, vector<16xi32>,
          %scan3A_171 = arith.constant 0 : i32
          scf.yield %scan3A_171 : i32
        }
        %scan3A_145 = arith.constant 8 : i32
        %dma_start3A_146 = arith.constant 0 : i32
        %dma_start3A_147 = arith.constant 0 : i32
        %dma_start3A_148 = tpu.memref_slice %arg17[%dma_start3A_146, %dma_start3A_147] : memref<50176x32xf32, #tpu.memory_space<vmem_shared>> -> memref<50176x32xf32, #tpu.memory_space<vmem_shared>>
        tpu.enqueue_indirect_dma source(%arg11 : memref<128x32xf32, #tpu.memory_space<vmem>>) target(%dma_start3A_148 : memref<50176x32xf32, #tpu.memory_space<vmem_shared>>) offsets(%arg7 : memref<128xi32, #tpu.memory_space<vmem>>) semaphore(%arg22 : memref<!tpu.dma_semaphore, #tpu.memory_space<semaphore_mem>>) {add = true}
      } else {
      }
      %mul3A_95 = arith.constant 4 : i32
      %mul3A_96 = arith.muli %scan3A_86, %mul3A_95 : i32
      %add3A_97 = arith.constant 1 : i32
      %add3A_98 = arith.addi %mul3A_96, %add3A_97 : i32
      %lt3A_99 = arith.cmpi slt, %add3A_98, %sub3A : i32
      %convert_element_type3A_100 = arith.extui %lt3A_99 : i1 to i32
      %cond3A_101 = arith.constant 0 : i32
      %cond3A_102 = arith.cmpi ne, %convert_element_type3A_100, %cond3A_101 : i32
      scf.if %cond3A_102 {
        %ge3A = arith.constant 2 : i32
        %ge3A_120 = arith.cmpi sge, %add3A_98, %ge3A : i32
        %convert_element_type3A_121 = arith.extui %ge3A_120 : i1 to i32
        %cond3A_122 = arith.constant 0 : i32
        %cond3A_123 = arith.cmpi ne, %convert_element_type3A_121, %cond3A_122 : i32
        scf.if %cond3A_123 {
          %dma_wait3A_149 = arith.constant 0 : i32
          %dma_wait3A_150 = arith.constant 0 : i32
          %dma_wait3A_151 = tpu.memref_slice %arg17[%dma_wait3A_149, %dma_wait3A_150] : memref<50176x32xf32, #tpu.memory_space<vmem_shared>> -> memref<50176x32xf32, #tpu.memory_space<vmem_shared>>
          tpu.wait_indirect_dma semaphore(%arg25 : memref<!tpu.dma_semaphore, #tpu.memory_space<semaphore_mem>>) src(%arg14 : memref<128x32xf32, #tpu.memory_space<vmem>>) dst(%dma_wait3A_151 : memref<50176x32xf32, #tpu.memory_space<vmem_shared>>)
        } else {
        }
        %add3A_124 = arith.constant 2 : i32
        %add3A_125 = arith.addi %add3A_98, %add3A_124 : i32
        %lt3A_126 = arith.cmpi slt, %add3A_125, %sub3A : i32
        %convert_element_type3A_127 = arith.extui %lt3A_126 : i1 to i32
        %cond3A_128 = arith.constant 0 : i32
        %cond3A_129 = arith.cmpi ne, %convert_element_type3A_127, %cond3A_128 : i32
        scf.if %cond3A_129 {
          %add3A_149 = arith.constant 2 : i32
          %add3A_150 = arith.addi %add3A_98, %add3A_149 : i32
          %add3A_151 = arith.addi %div3A_9, %add3A_150 : i32
          %mul3A_152 = arith.constant 128 : i32
          %mul3A_153 = arith.muli %add3A_151, %mul3A_152 : i32
          %dma_start3A_154 = tpu.memref_slice %arg3[%mul3A_153] : memref<1600000xi32, #tpu.memory_space<hbm>> -> memref<128xi32, #tpu.memory_space<hbm>>
          %dma_start3A_155 = tpu.memref_slice %arg3[%mul3A_153] : memref<1600000xi32, #tpu.memory_space<hbm>> -> memref<128xi32, #tpu.memory_space<hbm>>
          tpu.enqueue_dma source(%dma_start3A_155 : memref<128xi32, #tpu.memory_space<hbm>>) target(%arg10 : memref<128xi32, #tpu.memory_space<vmem>>) target_semaphore(%arg21 : memref<!tpu.dma_semaphore, #tpu.memory_space<semaphore_mem>>)
          %dma_start3A_156 = arith.constant 0 : i32
          %dma_start3A_157 = tpu.memref_slice %arg2[%mul3A_153, %dma_start3A_156] : memref<1600000x32xf32, #tpu.memory_space<hbm>> -> memref<128x32xf32, #tpu.memory_space<hbm>>
          %dma_start3A_158 = arith.constant 0 : i32
          %dma_start3A_159 = tpu.memref_slice %arg2[%mul3A_153, %dma_start3A_158] : memref<1600000x32xf32, #tpu.memory_space<hbm>> -> memref<128x32xf32, #tpu.memory_space<hbm>>
          tpu.enqueue_dma source(%dma_start3A_159 : memref<128x32xf32, #tpu.memory_space<hbm>>) target(%arg14 : memref<128x32xf32, #tpu.memory_space<vmem>>) target_semaphore(%arg21 : memref<!tpu.dma_semaphore, #tpu.memory_space<semaphore_mem>>)
        } else {
        }
        %dma_wait3A = arith.constant 0 : i32
        %dma_wait3A_130 = tpu.memref_slice %arg3[%dma_wait3A] : memref<1600000xi32, #tpu.memory_space<hbm>> -> memref<128xi32, #tpu.memory_space<hbm>>
        %dma_wait3A_131 = arith.constant 0 : i32
        %dma_wait3A_132 = tpu.memref_slice %arg3[%dma_wait3A_131] : memref<1600000xi32, #tpu.memory_space<hbm>> -> memref<128xi32, #tpu.memory_space<hbm>>
        tpu.wait_dma2 semaphore(%arg19 : memref<!tpu.dma_semaphore, #tpu.memory_space<semaphore_mem>>) src(%dma_wait3A_132 : memref<128xi32, #tpu.memory_space<hbm>>) dst(%arg8 : memref<128xi32, #tpu.memory_space<vmem>>)
        %dma_wait3A_133 = arith.constant 0 : i32
        %dma_wait3A_134 = arith.constant 0 : i32
        %dma_wait3A_135 = tpu.memref_slice %arg2[%dma_wait3A_133, %dma_wait3A_134] : memref<1600000x32xf32, #tpu.memory_space<hbm>> -> memref<128x32xf32, #tpu.memory_space<hbm>>
        %dma_wait3A_136 = arith.constant 0 : i32
        %dma_wait3A_137 = arith.constant 0 : i32
        %dma_wait3A_138 = tpu.memref_slice %arg2[%dma_wait3A_136, %dma_wait3A_137] : memref<1600000x32xf32, #tpu.memory_space<hbm>> -> memref<128x32xf32, #tpu.memory_space<hbm>>
        tpu.wait_dma2 semaphore(%arg19 : memref<!tpu.dma_semaphore, #tpu.memory_space<semaphore_mem>>) src(%dma_wait3A_138 : memref<128x32xf32, #tpu.memory_space<hbm>>) dst(%arg12 : memref<128x32xf32, #tpu.memory_space<vmem>>)
        %scan3A_139 = arith.constant 0 : i32
        %scan3A_140 = arith.constant 0 : i32
        %scan3A_141 = arith.constant 8 : i32
        %scan3A_142 = arith.addi %scan3A_140, %scan3A_141 : i32
        %scan3A_143 = arith.constant 1 : i32
        %scan3A_144 = scf.for %scan3A_149 = %scan3A_140 to %scan3A_142 step %scan3A_143 iter_args(%scan3A_150 = %scan3A_139) -> (i32)  : i32 {
          %mul3A_151 = arith.constant 16 : i32
          %mul3A_152 = arith.muli %scan3A_149, %mul3A_151 : i32
          %get3A = arith.index_cast %mul3A_152 : i32 to index
          %get3A_153 = tpu.vector_load %arg8[%get3A] {strides = array<i32>} : memref<128xi32, #tpu.memory_space<vmem>>, vector<16xi32>,
          %ge3A_154 = vector.broadcast %mul3A_0 : i32 to vector<16xi32>
          %ge3A_155 = arith.cmpi sge, %get3A_153, %ge3A_154 : vector<16xi32>
          %add3A_156 = arith.constant 50000 : i32
          %add3A_157 = arith.addi %mul3A_0, %add3A_156 : i32
          %lt3A_158 = vector.broadcast %add3A_157 : i32 to vector<16xi32>
          %lt3A_159 = arith.cmpi slt, %get3A_153, %lt3A_158 : vector<16xi32>
          %and3A = arith.andi %ge3A_155, %lt3A_159 : vector<16xi1>
          %rem3A_160 = arith.constant 128 : i32
          %rem3A_161 = vector.broadcast %rem3A_160 : i32 to vector<16xi32>
          %rem3A_162 = arith.remsi %get3A_153, %rem3A_161 : vector<16xi32>
          %add3A_163 = arith.constant 50000 : i32
          %add3A_164 = vector.broadcast %add3A_163 : i32 to vector<16xi32>
          %add3A_165 = arith.addi %add3A_164, %rem3A_162 : vector<16xi32>
          %sub3A_166 = vector.broadcast %mul3A_0 : i32 to vector<16xi32>
          %sub3A_167 = arith.subi %get3A_153, %sub3A_166 : vector<16xi32>
          %select_n3A = arith.select %and3A, %sub3A_167, %add3A_165 : vector<16xi1>, vector<16xi32>
          %mul3A_168 = arith.constant 16 : i32
          %mul3A_169 = arith.muli %scan3A_149, %mul3A_168 : i32
          %swap3A = arith.index_cast %mul3A_169 : i32 to index
          %swap3A_170 = tpu.vector_load %arg8[%swap3A] {strides = array<i32>} : memref<128xi32, #tpu.memory_space<vmem>>, vector<16xi32>,
          tpu.vector_store %arg8[%swap3A], %select_n3A {strides = array<i32>} : memref<128xi32, #tpu.memory_space<vmem>>, vector<16xi32>,
          %scan3A_171 = arith.constant 0 : i32
          scf.yield %scan3A_171 : i32
        }
        %scan3A_145 = arith.constant 8 : i32
        %dma_start3A_146 = arith.constant 0 : i32
        %dma_start3A_147 = arith.constant 0 : i32
        %dma_start3A_148 = tpu.memref_slice %arg17[%dma_start3A_146, %dma_start3A_147] : memref<50176x32xf32, #tpu.memory_space<vmem_shared>> -> memref<50176x32xf32, #tpu.memory_space<vmem_shared>>
        tpu.enqueue_indirect_dma source(%arg12 : memref<128x32xf32, #tpu.memory_space<vmem>>) target(%dma_start3A_148 : memref<50176x32xf32, #tpu.memory_space<vmem_shared>>) offsets(%arg8 : memref<128xi32, #tpu.memory_space<vmem>>) semaphore(%arg23 : memref<!tpu.dma_semaphore, #tpu.memory_space<semaphore_mem>>) {add = true}
      } else {
      }
      %mul3A_103 = arith.constant 4 : i32
      %mul3A_104 = arith.muli %scan3A_86, %mul3A_103 : i32
      %add3A_105 = arith.constant 2 : i32
      %add3A_106 = arith.addi %mul3A_104, %add3A_105 : i32
      %lt3A_107 = arith.cmpi slt, %add3A_106, %sub3A : i32
      %convert_element_type3A_108 = arith.extui %lt3A_107 : i1 to i32
      %cond3A_109 = arith.constant 0 : i32
      %cond3A_110 = arith.cmpi ne, %convert_element_type3A_108, %cond3A_109 : i32
      scf.if %cond3A_110 {
        %ge3A = arith.constant 2 : i32
        %ge3A_120 = arith.cmpi sge, %add3A_106, %ge3A : i32
        %convert_element_type3A_121 = arith.extui %ge3A_120 : i1 to i32
        %cond3A_122 = arith.constant 0 : i32
        %cond3A_123 = arith.cmpi ne, %convert_element_type3A_121, %cond3A_122 : i32
        scf.if %cond3A_123 {
          %dma_wait3A_149 = arith.constant 0 : i32
          %dma_wait3A_150 = arith.constant 0 : i32
          %dma_wait3A_151 = tpu.memref_slice %arg17[%dma_wait3A_149, %dma_wait3A_150] : memref<50176x32xf32, #tpu.memory_space<vmem_shared>> -> memref<50176x32xf32, #tpu.memory_space<vmem_shared>>
          tpu.wait_indirect_dma semaphore(%arg22 : memref<!tpu.dma_semaphore, #tpu.memory_space<semaphore_mem>>) src(%arg11 : memref<128x32xf32, #tpu.memory_space<vmem>>) dst(%dma_wait3A_151 : memref<50176x32xf32, #tpu.memory_space<vmem_shared>>)
        } else {
        }
        %add3A_124 = arith.constant 2 : i32
        %add3A_125 = arith.addi %add3A_106, %add3A_124 : i32
        %lt3A_126 = arith.cmpi slt, %add3A_125, %sub3A : i32
        %convert_element_type3A_127 = arith.extui %lt3A_126 : i1 to i32
        %cond3A_128 = arith.constant 0 : i32
        %cond3A_129 = arith.cmpi ne, %convert_element_type3A_127, %cond3A_128 : i32
        scf.if %cond3A_129 {
          %add3A_149 = arith.constant 2 : i32
          %add3A_150 = arith.addi %add3A_106, %add3A_149 : i32
          %add3A_151 = arith.addi %div3A_9, %add3A_150 : i32
          %mul3A_152 = arith.constant 128 : i32
          %mul3A_153 = arith.muli %add3A_151, %mul3A_152 : i32
          %dma_start3A_154 = tpu.memref_slice %arg3[%mul3A_153] : memref<1600000xi32, #tpu.memory_space<hbm>> -> memref<128xi32, #tpu.memory_space<hbm>>
          %dma_start3A_155 = tpu.memref_slice %arg3[%mul3A_153] : memref<1600000xi32, #tpu.memory_space<hbm>> -> memref<128xi32, #tpu.memory_space<hbm>>
          tpu.enqueue_dma source(%dma_start3A_155 : memref<128xi32, #tpu.memory_space<hbm>>) target(%arg7 : memref<128xi32, #tpu.memory_space<vmem>>) target_semaphore(%arg18 : memref<!tpu.dma_semaphore, #tpu.memory_space<semaphore_mem>>)
          %dma_start3A_156 = arith.constant 0 : i32
          %dma_start3A_157 = tpu.memref_slice %arg2[%mul3A_153, %dma_start3A_156] : memref<1600000x32xf32, #tpu.memory_space<hbm>> -> memref<128x32xf32, #tpu.memory_space<hbm>>
          %dma_start3A_158 = arith.constant 0 : i32
          %dma_start3A_159 = tpu.memref_slice %arg2[%mul3A_153, %dma_start3A_158] : memref<1600000x32xf32, #tpu.memory_space<hbm>> -> memref<128x32xf32, #tpu.memory_space<hbm>>
          tpu.enqueue_dma source(%dma_start3A_159 : memref<128x32xf32, #tpu.memory_space<hbm>>) target(%arg11 : memref<128x32xf32, #tpu.memory_space<vmem>>) target_semaphore(%arg18 : memref<!tpu.dma_semaphore, #tpu.memory_space<semaphore_mem>>)
        } else {
        }
        %dma_wait3A = arith.constant 0 : i32
        %dma_wait3A_130 = tpu.memref_slice %arg3[%dma_wait3A] : memref<1600000xi32, #tpu.memory_space<hbm>> -> memref<128xi32, #tpu.memory_space<hbm>>
        %dma_wait3A_131 = arith.constant 0 : i32
        %dma_wait3A_132 = tpu.memref_slice %arg3[%dma_wait3A_131] : memref<1600000xi32, #tpu.memory_space<hbm>> -> memref<128xi32, #tpu.memory_space<hbm>>
        tpu.wait_dma2 semaphore(%arg20 : memref<!tpu.dma_semaphore, #tpu.memory_space<semaphore_mem>>) src(%dma_wait3A_132 : memref<128xi32, #tpu.memory_space<hbm>>) dst(%arg9 : memref<128xi32, #tpu.memory_space<vmem>>)
        %dma_wait3A_133 = arith.constant 0 : i32
        %dma_wait3A_134 = arith.constant 0 : i32
        %dma_wait3A_135 = tpu.memref_slice %arg2[%dma_wait3A_133, %dma_wait3A_134] : memref<1600000x32xf32, #tpu.memory_space<hbm>> -> memref<128x32xf32, #tpu.memory_space<hbm>>
        %dma_wait3A_136 = arith.constant 0 : i32
        %dma_wait3A_137 = arith.constant 0 : i32
        %dma_wait3A_138 = tpu.memref_slice %arg2[%dma_wait3A_136, %dma_wait3A_137] : memref<1600000x32xf32, #tpu.memory_space<hbm>> -> memref<128x32xf32, #tpu.memory_space<hbm>>
        tpu.wait_dma2 semaphore(%arg20 : memref<!tpu.dma_semaphore, #tpu.memory_space<semaphore_mem>>) src(%dma_wait3A_138 : memref<128x32xf32, #tpu.memory_space<hbm>>) dst(%arg13 : memref<128x32xf32, #tpu.memory_space<vmem>>)
        %scan3A_139 = arith.constant 0 : i32
        %scan3A_140 = arith.constant 0 : i32
        %scan3A_141 = arith.constant 8 : i32
        %scan3A_142 = arith.addi %scan3A_140, %scan3A_141 : i32
        %scan3A_143 = arith.constant 1 : i32
        %scan3A_144 = scf.for %scan3A_149 = %scan3A_140 to %scan3A_142 step %scan3A_143 iter_args(%scan3A_150 = %scan3A_139) -> (i32)  : i32 {
          %mul3A_151 = arith.constant 16 : i32
          %mul3A_152 = arith.muli %scan3A_149, %mul3A_151 : i32
          %get3A = arith.index_cast %mul3A_152 : i32 to index
          %get3A_153 = tpu.vector_load %arg9[%get3A] {strides = array<i32>} : memref<128xi32, #tpu.memory_space<vmem>>, vector<16xi32>,
          %ge3A_154 = vector.broadcast %mul3A_0 : i32 to vector<16xi32>
          %ge3A_155 = arith.cmpi sge, %get3A_153, %ge3A_154 : vector<16xi32>
          %add3A_156 = arith.constant 50000 : i32
          %add3A_157 = arith.addi %mul3A_0, %add3A_156 : i32
          %lt3A_158 = vector.broadcast %add3A_157 : i32 to vector<16xi32>
          %lt3A_159 = arith.cmpi slt, %get3A_153, %lt3A_158 : vector<16xi32>
          %and3A = arith.andi %ge3A_155, %lt3A_159 : vector<16xi1>
          %rem3A_160 = arith.constant 128 : i32
          %rem3A_161 = vector.broadcast %rem3A_160 : i32 to vector<16xi32>
          %rem3A_162 = arith.remsi %get3A_153, %rem3A_161 : vector<16xi32>
          %add3A_163 = arith.constant 50000 : i32
          %add3A_164 = vector.broadcast %add3A_163 : i32 to vector<16xi32>
          %add3A_165 = arith.addi %add3A_164, %rem3A_162 : vector<16xi32>
          %sub3A_166 = vector.broadcast %mul3A_0 : i32 to vector<16xi32>
          %sub3A_167 = arith.subi %get3A_153, %sub3A_166 : vector<16xi32>
          %select_n3A = arith.select %and3A, %sub3A_167, %add3A_165 : vector<16xi1>, vector<16xi32>
          %mul3A_168 = arith.constant 16 : i32
          %mul3A_169 = arith.muli %scan3A_149, %mul3A_168 : i32
          %swap3A = arith.index_cast %mul3A_169 : i32 to index
          %swap3A_170 = tpu.vector_load %arg9[%swap3A] {strides = array<i32>} : memref<128xi32, #tpu.memory_space<vmem>>, vector<16xi32>,
          tpu.vector_store %arg9[%swap3A], %select_n3A {strides = array<i32>} : memref<128xi32, #tpu.memory_space<vmem>>, vector<16xi32>,
          %scan3A_171 = arith.constant 0 : i32
          scf.yield %scan3A_171 : i32
        }
        %scan3A_145 = arith.constant 8 : i32
        %dma_start3A_146 = arith.constant 0 : i32
        %dma_start3A_147 = arith.constant 0 : i32
        %dma_start3A_148 = tpu.memref_slice %arg17[%dma_start3A_146, %dma_start3A_147] : memref<50176x32xf32, #tpu.memory_space<vmem_shared>> -> memref<50176x32xf32, #tpu.memory_space<vmem_shared>>
        tpu.enqueue_indirect_dma source(%arg13 : memref<128x32xf32, #tpu.memory_space<vmem>>) target(%dma_start3A_148 : memref<50176x32xf32, #tpu.memory_space<vmem_shared>>) offsets(%arg9 : memref<128xi32, #tpu.memory_space<vmem>>) semaphore(%arg24 : memref<!tpu.dma_semaphore, #tpu.memory_space<semaphore_mem>>) {add = true}
      } else {
      }
      %mul3A_111 = arith.constant 4 : i32
      %mul3A_112 = arith.muli %scan3A_86, %mul3A_111 : i32
      %add3A_113 = arith.constant 3 : i32
      %add3A_114 = arith.addi %mul3A_112, %add3A_113 : i32
      %lt3A_115 = arith.cmpi slt, %add3A_114, %sub3A : i32
      %convert_element_type3A_116 = arith.extui %lt3A_115 : i1 to i32
      %cond3A_117 = arith.constant 0 : i32
      %cond3A_118 = arith.cmpi ne, %convert_element_type3A_116, %cond3A_117 : i32
      scf.if %cond3A_118 {
        %ge3A = arith.constant 2 : i32
        %ge3A_120 = arith.cmpi sge, %add3A_114, %ge3A : i32
        %convert_element_type3A_121 = arith.extui %ge3A_120 : i1 to i32
        %cond3A_122 = arith.constant 0 : i32
        %cond3A_123 = arith.cmpi ne, %convert_element_type3A_121, %cond3A_122 : i32
        scf.if %cond3A_123 {
          %dma_wait3A_149 = arith.constant 0 : i32
          %dma_wait3A_150 = arith.constant 0 : i32
          %dma_wait3A_151 = tpu.memref_slice %arg17[%dma_wait3A_149, %dma_wait3A_150] : memref<50176x32xf32, #tpu.memory_space<vmem_shared>> -> memref<50176x32xf32, #tpu.memory_space<vmem_shared>>
          tpu.wait_indirect_dma semaphore(%arg23 : memref<!tpu.dma_semaphore, #tpu.memory_space<semaphore_mem>>) src(%arg12 : memref<128x32xf32, #tpu.memory_space<vmem>>) dst(%dma_wait3A_151 : memref<50176x32xf32, #tpu.memory_space<vmem_shared>>)
        } else {
        }
        %add3A_124 = arith.constant 2 : i32
        %add3A_125 = arith.addi %add3A_114, %add3A_124 : i32
        %lt3A_126 = arith.cmpi slt, %add3A_125, %sub3A : i32
        %convert_element_type3A_127 = arith.extui %lt3A_126 : i1 to i32
        %cond3A_128 = arith.constant 0 : i32
        %cond3A_129 = arith.cmpi ne, %convert_element_type3A_127, %cond3A_128 : i32
        scf.if %cond3A_129 {
          %add3A_149 = arith.constant 2 : i32
          %add3A_150 = arith.addi %add3A_114, %add3A_149 : i32
          %add3A_151 = arith.addi %div3A_9, %add3A_150 : i32
          %mul3A_152 = arith.constant 128 : i32
          %mul3A_153 = arith.muli %add3A_151, %mul3A_152 : i32
          %dma_start3A_154 = tpu.memref_slice %arg3[%mul3A_153] : memref<1600000xi32, #tpu.memory_space<hbm>> -> memref<128xi32, #tpu.memory_space<hbm>>
          %dma_start3A_155 = tpu.memref_slice %arg3[%mul3A_153] : memref<1600000xi32, #tpu.memory_space<hbm>> -> memref<128xi32, #tpu.memory_space<hbm>>
          tpu.enqueue_dma source(%dma_start3A_155 : memref<128xi32, #tpu.memory_space<hbm>>) target(%arg8 : memref<128xi32, #tpu.memory_space<vmem>>) target_semaphore(%arg19 : memref<!tpu.dma_semaphore, #tpu.memory_space<semaphore_mem>>)
          %dma_start3A_156 = arith.constant 0 : i32
          %dma_start3A_157 = tpu.memref_slice %arg2[%mul3A_153, %dma_start3A_156] : memref<1600000x32xf32, #tpu.memory_space<hbm>> -> memref<128x32xf32, #tpu.memory_space<hbm>>
          %dma_start3A_158 = arith.constant 0 : i32
          %dma_start3A_159 = tpu.memref_slice %arg2[%mul3A_153, %dma_start3A_158] : memref<1600000x32xf32, #tpu.memory_space<hbm>> -> memref<128x32xf32, #tpu.memory_space<hbm>>
          tpu.enqueue_dma source(%dma_start3A_159 : memref<128x32xf32, #tpu.memory_space<hbm>>) target(%arg12 : memref<128x32xf32, #tpu.memory_space<vmem>>) target_semaphore(%arg19 : memref<!tpu.dma_semaphore, #tpu.memory_space<semaphore_mem>>)
        } else {
        }
        %dma_wait3A = arith.constant 0 : i32
        %dma_wait3A_130 = tpu.memref_slice %arg3[%dma_wait3A] : memref<1600000xi32, #tpu.memory_space<hbm>> -> memref<128xi32, #tpu.memory_space<hbm>>
        %dma_wait3A_131 = arith.constant 0 : i32
        %dma_wait3A_132 = tpu.memref_slice %arg3[%dma_wait3A_131] : memref<1600000xi32, #tpu.memory_space<hbm>> -> memref<128xi32, #tpu.memory_space<hbm>>
        tpu.wait_dma2 semaphore(%arg21 : memref<!tpu.dma_semaphore, #tpu.memory_space<semaphore_mem>>) src(%dma_wait3A_132 : memref<128xi32, #tpu.memory_space<hbm>>) dst(%arg10 : memref<128xi32, #tpu.memory_space<vmem>>)
        %dma_wait3A_133 = arith.constant 0 : i32
        %dma_wait3A_134 = arith.constant 0 : i32
        %dma_wait3A_135 = tpu.memref_slice %arg2[%dma_wait3A_133, %dma_wait3A_134] : memref<1600000x32xf32, #tpu.memory_space<hbm>> -> memref<128x32xf32, #tpu.memory_space<hbm>>
        %dma_wait3A_136 = arith.constant 0 : i32
        %dma_wait3A_137 = arith.constant 0 : i32
        %dma_wait3A_138 = tpu.memref_slice %arg2[%dma_wait3A_136, %dma_wait3A_137] : memref<1600000x32xf32, #tpu.memory_space<hbm>> -> memref<128x32xf32, #tpu.memory_space<hbm>>
        tpu.wait_dma2 semaphore(%arg21 : memref<!tpu.dma_semaphore, #tpu.memory_space<semaphore_mem>>) src(%dma_wait3A_138 : memref<128x32xf32, #tpu.memory_space<hbm>>) dst(%arg14 : memref<128x32xf32, #tpu.memory_space<vmem>>)
        %scan3A_139 = arith.constant 0 : i32
        %scan3A_140 = arith.constant 0 : i32
        %scan3A_141 = arith.constant 8 : i32
        %scan3A_142 = arith.addi %scan3A_140, %scan3A_141 : i32
        %scan3A_143 = arith.constant 1 : i32
        %scan3A_144 = scf.for %scan3A_149 = %scan3A_140 to %scan3A_142 step %scan3A_143 iter_args(%scan3A_150 = %scan3A_139) -> (i32)  : i32 {
          %mul3A_151 = arith.constant 16 : i32
          %mul3A_152 = arith.muli %scan3A_149, %mul3A_151 : i32
          %get3A = arith.index_cast %mul3A_152 : i32 to index
          %get3A_153 = tpu.vector_load %arg10[%get3A] {strides = array<i32>} : memref<128xi32, #tpu.memory_space<vmem>>, vector<16xi32>,
          %ge3A_154 = vector.broadcast %mul3A_0 : i32 to vector<16xi32>
          %ge3A_155 = arith.cmpi sge, %get3A_153, %ge3A_154 : vector<16xi32>
          %add3A_156 = arith.constant 50000 : i32
          %add3A_157 = arith.addi %mul3A_0, %add3A_156 : i32
          %lt3A_158 = vector.broadcast %add3A_157 : i32 to vector<16xi32>
          %lt3A_159 = arith.cmpi slt, %get3A_153, %lt3A_158 : vector<16xi32>
          %and3A = arith.andi %ge3A_155, %lt3A_159 : vector<16xi1>
          %rem3A_160 = arith.constant 128 : i32
          %rem3A_161 = vector.broadcast %rem3A_160 : i32 to vector<16xi32>
          %rem3A_162 = arith.remsi %get3A_153, %rem3A_161 : vector<16xi32>
          %add3A_163 = arith.constant 50000 : i32
          %add3A_164 = vector.broadcast %add3A_163 : i32 to vector<16xi32>
          %add3A_165 = arith.addi %add3A_164, %rem3A_162 : vector<16xi32>
          %sub3A_166 = vector.broadcast %mul3A_0 : i32 to vector<16xi32>
          %sub3A_167 = arith.subi %get3A_153, %sub3A_166 : vector<16xi32>
          %select_n3A = arith.select %and3A, %sub3A_167, %add3A_165 : vector<16xi1>, vector<16xi32>
          %mul3A_168 = arith.constant 16 : i32
          %mul3A_169 = arith.muli %scan3A_149, %mul3A_168 : i32
          %swap3A = arith.index_cast %mul3A_169 : i32 to index
          %swap3A_170 = tpu.vector_load %arg10[%swap3A] {strides = array<i32>} : memref<128xi32, #tpu.memory_space<vmem>>, vector<16xi32>,
          tpu.vector_store %arg10[%swap3A], %select_n3A {strides = array<i32>} : memref<128xi32, #tpu.memory_space<vmem>>, vector<16xi32>,
          %scan3A_171 = arith.constant 0 : i32
          scf.yield %scan3A_171 : i32
        }
        %scan3A_145 = arith.constant 8 : i32
        %dma_start3A_146 = arith.constant 0 : i32
        %dma_start3A_147 = arith.constant 0 : i32
        %dma_start3A_148 = tpu.memref_slice %arg17[%dma_start3A_146, %dma_start3A_147] : memref<50176x32xf32, #tpu.memory_space<vmem_shared>> -> memref<50176x32xf32, #tpu.memory_space<vmem_shared>>
        tpu.enqueue_indirect_dma source(%arg14 : memref<128x32xf32, #tpu.memory_space<vmem>>) target(%dma_start3A_148 : memref<50176x32xf32, #tpu.memory_space<vmem_shared>>) offsets(%arg10 : memref<128xi32, #tpu.memory_space<vmem>>) semaphore(%arg25 : memref<!tpu.dma_semaphore, #tpu.memory_space<semaphore_mem>>) {add = true}
      } else {
      }
      %scan3A_119 = arith.constant 0 : i32
      scf.yield %scan3A_119 : i32
    }
    %scan3A_40 = arith.constant 197 : i32
    %sub3A_41 = arith.constant 1 : i32
    %sub3A_42 = arith.subi %sub3A, %sub3A_41 : i32
    %rem3A = arith.constant 4 : i32
    %rem3A_43 = arith.remsi %sub3A_42, %rem3A : i32
    %sub3A_44 = arith.constant 2 : i32
    %sub3A_45 = arith.subi %sub3A, %sub3A_44 : i32
    %rem3A_46 = arith.constant 4 : i32
    %rem3A_47 = arith.remsi %sub3A_45, %rem3A_46 : i32
    %eq3A = arith.constant 0 : i32
    %eq3A_48 = arith.cmpi eq, %rem3A_43, %eq3A : i32
    %eq3A_49 = arith.constant 0 : i32
    %eq3A_50 = arith.cmpi eq, %rem3A_47, %eq3A_49 : i32
    %or3A = arith.ori %eq3A_48, %eq3A_50 : i1
    %convert_element_type3A = arith.extui %or3A : i1 to i32
    %cond3A = arith.constant 0 : i32
    %cond3A_51 = arith.cmpi ne, %convert_element_type3A, %cond3A : i32
    scf.if %cond3A_51 {
      %dma_wait3A = arith.constant 0 : i32
      %dma_wait3A_86 = arith.constant 0 : i32
      %dma_wait3A_87 = tpu.memref_slice %arg17[%dma_wait3A, %dma_wait3A_86] : memref<50176x32xf32, #tpu.memory_space<vmem_shared>> -> memref<50176x32xf32, #tpu.memory_space<vmem_shared>>
      tpu.wait_indirect_dma semaphore(%arg22 : memref<!tpu.dma_semaphore, #tpu.memory_space<semaphore_mem>>) src(%arg11 : memref<128x32xf32, #tpu.memory_space<vmem>>) dst(%dma_wait3A_87 : memref<50176x32xf32, #tpu.memory_space<vmem_shared>>)
    } else {
    }
    %eq3A_52 = arith.constant 1 : i32
    %eq3A_53 = arith.cmpi eq, %rem3A_43, %eq3A_52 : i32
    %eq3A_54 = arith.constant 1 : i32
    %eq3A_55 = arith.cmpi eq, %rem3A_47, %eq3A_54 : i32
    %or3A_56 = arith.ori %eq3A_53, %eq3A_55 : i1
    %convert_element_type3A_57 = arith.extui %or3A_56 : i1 to i32
    %cond3A_58 = arith.constant 0 : i32
    %cond3A_59 = arith.cmpi ne, %convert_element_type3A_57, %cond3A_58 : i32
    scf.if %cond3A_59 {
      %dma_wait3A = arith.constant 0 : i32
      %dma_wait3A_86 = arith.constant 0 : i32
      %dma_wait3A_87 = tpu.memref_slice %arg17[%dma_wait3A, %dma_wait3A_86] : memref<50176x32xf32, #tpu.memory_space<vmem_shared>> -> memref<50176x32xf32, #tpu.memory_space<vmem_shared>>
      tpu.wait_indirect_dma semaphore(%arg23 : memref<!tpu.dma_semaphore, #tpu.memory_space<semaphore_mem>>) src(%arg12 : memref<128x32xf32, #tpu.memory_space<vmem>>) dst(%dma_wait3A_87 : memref<50176x32xf32, #tpu.memory_space<vmem_shared>>)
    } else {
    }
    %eq3A_60 = arith.constant 2 : i32
    %eq3A_61 = arith.cmpi eq, %rem3A_43, %eq3A_60 : i32
    %eq3A_62 = arith.constant 2 : i32
    %eq3A_63 = arith.cmpi eq, %rem3A_47, %eq3A_62 : i32
    %or3A_64 = arith.ori %eq3A_61, %eq3A_63 : i1
    %convert_element_type3A_65 = arith.extui %or3A_64 : i1 to i32
    %cond3A_66 = arith.constant 0 : i32
    %cond3A_67 = arith.cmpi ne, %convert_element_type3A_65, %cond3A_66 : i32
    scf.if %cond3A_67 {
      %dma_wait3A = arith.constant 0 : i32
      %dma_wait3A_86 = arith.constant 0 : i32
      %dma_wait3A_87 = tpu.memref_slice %arg17[%dma_wait3A, %dma_wait3A_86] : memref<50176x32xf32, #tpu.memory_space<vmem_shared>> -> memref<50176x32xf32, #tpu.memory_space<vmem_shared>>
      tpu.wait_indirect_dma semaphore(%arg24 : memref<!tpu.dma_semaphore, #tpu.memory_space<semaphore_mem>>) src(%arg13 : memref<128x32xf32, #tpu.memory_space<vmem>>) dst(%dma_wait3A_87 : memref<50176x32xf32, #tpu.memory_space<vmem_shared>>)
    } else {
    }
    %eq3A_68 = arith.constant 3 : i32
    %eq3A_69 = arith.cmpi eq, %rem3A_43, %eq3A_68 : i32
    %eq3A_70 = arith.constant 3 : i32
    %eq3A_71 = arith.cmpi eq, %rem3A_47, %eq3A_70 : i32
    %or3A_72 = arith.ori %eq3A_69, %eq3A_71 : i1
    %convert_element_type3A_73 = arith.extui %or3A_72 : i1 to i32
    %cond3A_74 = arith.constant 0 : i32
    %cond3A_75 = arith.cmpi ne, %convert_element_type3A_73, %cond3A_74 : i32
    scf.if %cond3A_75 {
      %dma_wait3A = arith.constant 0 : i32
      %dma_wait3A_86 = arith.constant 0 : i32
      %dma_wait3A_87 = tpu.memref_slice %arg17[%dma_wait3A, %dma_wait3A_86] : memref<50176x32xf32, #tpu.memory_space<vmem_shared>> -> memref<50176x32xf32, #tpu.memory_space<vmem_shared>>
      tpu.wait_indirect_dma semaphore(%arg25 : memref<!tpu.dma_semaphore, #tpu.memory_space<semaphore_mem>>) src(%arg14 : memref<128x32xf32, #tpu.memory_space<vmem>>) dst(%dma_wait3A_87 : memref<50176x32xf32, #tpu.memory_space<vmem_shared>>)
    } else {
    }
    %barrier3A_76 = arith.constant 0 : index
    tpu.barrier barrier_id(%barrier3A_76)
    %mul3A_77 = arith.constant 3136 : i32
    %mul3A_78 = arith.muli %arg1, %mul3A_77 : i32
    %scan3A_79 = arith.constant 0 : i32
    %scan3A_80 = arith.constant 0 : i32
    %scan3A_81 = arith.constant 196 : i32
    %scan3A_82 = arith.addi %scan3A_80, %scan3A_81 : i32
    %scan3A_83 = arith.constant 1 : i32
    %scan3A_84 = scf.for %scan3A_86 = %scan3A_80 to %scan3A_82 step %scan3A_83 iter_args(%scan3A_87 = %scan3A_79) -> (i32)  : i32 {
      %mul3A_88 = arith.constant 16 : i32
      %mul3A_89 = arith.muli %scan3A_86, %mul3A_88 : i32
      %add3A_90 = arith.addi %mul3A_78, %mul3A_89 : i32
      %lt3A = arith.constant 50000 : i32
      %lt3A_91 = arith.cmpi slt, %add3A_90, %lt3A : i32
      %convert_element_type3A_92 = arith.extui %lt3A_91 : i1 to i32
      %cond3A_93 = arith.constant 0 : i32
      %cond3A_94 = arith.cmpi ne, %convert_element_type3A_92, %cond3A_93 : i32
      scf.if %cond3A_94 {
        "tpu.region"() ({
          %run_scoped3A_236 = tpu.sem_alloc : memref<!tpu.dma_semaphore, #tpu.memory_space<semaphore_mem>>
          %dma_start3A_237 = arith.constant 0 : i32
          %dma_start3A_238 = arith.constant 0 : i32
          %dma_start3A_239 = tpu.memref_slice %arg11[%dma_start3A_237, %dma_start3A_238] : memref<128x32xf32, #tpu.memory_space<vmem>> -> memref<16x32xf32, #tpu.memory_space<vmem>>
          %dma_start3A_240 = arith.constant 0 : i32
          %dma_start3A_241 = tpu.memref_slice %arg17[%add3A_90, %dma_start3A_240] : memref<50176x32xf32, #tpu.memory_space<vmem_shared>> -> memref<16x32xf32, #tpu.memory_space<vmem_shared>>
          %dma_start3A_242 = arith.constant 0 : i32
          %dma_start3A_243 = arith.constant 0 : i32
          %dma_start3A_244 = tpu.memref_slice %arg11[%dma_start3A_242, %dma_start3A_243] : memref<128x32xf32, #tpu.memory_space<vmem>> -> memref<16x32xf32, #tpu.memory_space<vmem>>
          %dma_start3A_245 = arith.constant 0 : i32
          %dma_start3A_246 = tpu.memref_slice %arg17[%add3A_90, %dma_start3A_245] : memref<50176x32xf32, #tpu.memory_space<vmem_shared>> -> memref<16x32xf32, #tpu.memory_space<vmem_shared>>
          tpu.enqueue_dma source(%dma_start3A_246 : memref<16x32xf32, #tpu.memory_space<vmem_shared>>) target(%dma_start3A_244 : memref<16x32xf32, #tpu.memory_space<vmem>>) target_semaphore(%run_scoped3A_236 : memref<!tpu.dma_semaphore, #tpu.memory_space<semaphore_mem>>)
          %dma_wait3A = arith.constant 0 : i32
          %dma_wait3A_247 = arith.constant 0 : i32
          %dma_wait3A_248 = tpu.memref_slice %arg11[%dma_wait3A, %dma_wait3A_247] : memref<128x32xf32, #tpu.memory_space<vmem>> -> memref<16x32xf32, #tpu.memory_space<vmem>>
          %dma_wait3A_249 = arith.constant 0 : i32
          %dma_wait3A_250 = tpu.memref_slice %arg17[%add3A_90, %dma_wait3A_249] : memref<50176x32xf32, #tpu.memory_space<vmem_shared>> -> memref<16x32xf32, #tpu.memory_space<vmem_shared>>
          %dma_wait3A_251 = arith.constant 0 : i32
          %dma_wait3A_252 = arith.constant 0 : i32
          %dma_wait3A_253 = tpu.memref_slice %arg11[%dma_wait3A_251, %dma_wait3A_252] : memref<128x32xf32, #tpu.memory_space<vmem>> -> memref<16x32xf32, #tpu.memory_space<vmem>>
          %dma_wait3A_254 = arith.constant 0 : i32
          %dma_wait3A_255 = tpu.memref_slice %arg17[%add3A_90, %dma_wait3A_254] : memref<50176x32xf32, #tpu.memory_space<vmem_shared>> -> memref<16x32xf32, #tpu.memory_space<vmem_shared>>
          tpu.wait_dma2 semaphore(%run_scoped3A_236 : memref<!tpu.dma_semaphore, #tpu.memory_space<semaphore_mem>>) src(%dma_wait3A_255 : memref<16x32xf32, #tpu.memory_space<vmem_shared>>) dst(%dma_wait3A_253 : memref<16x32xf32, #tpu.memory_space<vmem>>)
          tpu.yield
        }) : () -> ()
        %add3A_96 = arith.addi %mul3A_0, %add3A_90 : i32
        %run_scoped3A = arith.constant 0 : i32
        "tpu.region"() ({
          %run_scoped3A_236 = tpu.sem_alloc : memref<!tpu.dma_semaphore, #tpu.memory_space<semaphore_mem>>
          %dma_start3A_237 = arith.constant 0 : i32
          %dma_start3A_238 = arith.constant 0 : i32
          %dma_start3A_239 = tpu.memref_slice %arg4[%run_scoped3A, %dma_start3A_237, %dma_start3A_238] : memref<2x100352x8xf32, #tpu.memory_space<hbm>> -> memref<1x100352x8xf32, #tpu.memory_space<hbm>>
          %dma_start3A_240 = tpu.memref_squeeze %dma_start3A_239 : memref<1x100352x8xf32, #tpu.memory_space<hbm>> -> memref<100352x8xf32, #tpu.memory_space<hbm>>
          %dma_start3A_241 = arith.constant 0 : i32
          %dma_start3A_242 = tpu.memref_slice %dma_start3A_240[%add3A_96, %dma_start3A_241] : memref<100352x8xf32, #tpu.memory_space<hbm>> -> memref<16x8xf32, #tpu.memory_space<hbm>>
          %dma_start3A_243 = arith.constant 0 : i32
          %dma_start3A_244 = arith.constant 0 : i32
          %dma_start3A_245 = tpu.memref_slice %arg4[%run_scoped3A, %dma_start3A_243, %dma_start3A_244] : memref<2x100352x8xf32, #tpu.memory_space<hbm>> -> memref<1x100352x8xf32, #tpu.memory_space<hbm>>
          %dma_start3A_246 = tpu.memref_squeeze %dma_start3A_245 : memref<1x100352x8xf32, #tpu.memory_space<hbm>> -> memref<100352x8xf32, #tpu.memory_space<hbm>>
          %dma_start3A_247 = arith.constant 0 : i32
          %dma_start3A_248 = tpu.memref_slice %dma_start3A_246[%add3A_96, %dma_start3A_247] : memref<100352x8xf32, #tpu.memory_space<hbm>> -> memref<16x8xf32, #tpu.memory_space<hbm>>
          tpu.enqueue_dma source(%dma_start3A_248 : memref<16x8xf32, #tpu.memory_space<hbm>>) target(%arg15 : memref<16x8xf32, #tpu.memory_space<vmem>>) target_semaphore(%run_scoped3A_236 : memref<!tpu.dma_semaphore, #tpu.memory_space<semaphore_mem>>)
          %dma_wait3A = arith.constant 0 : i32
          %dma_wait3A_249 = arith.constant 0 : i32
          %dma_wait3A_250 = tpu.memref_slice %arg4[%run_scoped3A, %dma_wait3A, %dma_wait3A_249] : memref<2x100352x8xf32, #tpu.memory_space<hbm>> -> memref<1x100352x8xf32, #tpu.memory_space<hbm>>
          %dma_wait3A_251 = tpu.memref_squeeze %dma_wait3A_250 : memref<1x100352x8xf32, #tpu.memory_space<hbm>> -> memref<100352x8xf32, #tpu.memory_space<hbm>>
          %dma_wait3A_252 = arith.constant 0 : i32
          %dma_wait3A_253 = tpu.memref_slice %dma_wait3A_251[%add3A_96, %dma_wait3A_252] : memref<100352x8xf32, #tpu.memory_space<hbm>> -> memref<16x8xf32, #tpu.memory_space<hbm>>
          %dma_wait3A_254 = arith.constant 0 : i32
          %dma_wait3A_255 = arith.constant 0 : i32
          %dma_wait3A_256 = tpu.memref_slice %arg4[%run_scoped3A, %dma_wait3A_254, %dma_wait3A_255] : memref<2x100352x8xf32, #tpu.memory_space<hbm>> -> memref<1x100352x8xf32, #tpu.memory_space<hbm>>
          %dma_wait3A_257 = tpu.memref_squeeze %dma_wait3A_256 : memref<1x100352x8xf32, #tpu.memory_space<hbm>> -> memref<100352x8xf32, #tpu.memory_space<hbm>>
          %dma_wait3A_258 = arith.constant 0 : i32
          %dma_wait3A_259 = tpu.memref_slice %dma_wait3A_257[%add3A_96, %dma_wait3A_258] : memref<100352x8xf32, #tpu.memory_space<hbm>> -> memref<16x8xf32, #tpu.memory_space<hbm>>
          tpu.wait_dma2 semaphore(%run_scoped3A_236 : memref<!tpu.dma_semaphore, #tpu.memory_space<semaphore_mem>>) src(%dma_wait3A_259 : memref<16x8xf32, #tpu.memory_space<hbm>>) dst(%arg15 : memref<16x8xf32, #tpu.memory_space<vmem>>)
          tpu.yield
        }) : () -> ()
        %add3A_97 = arith.addi %mul3A_0, %add3A_90 : i32
        %run_scoped3A_98 = arith.constant 1 : i32
        "tpu.region"() ({
          %run_scoped3A_236 = tpu.sem_alloc : memref<!tpu.dma_semaphore, #tpu.memory_space<semaphore_mem>>
          %dma_start3A_237 = arith.constant 0 : i32
          %dma_start3A_238 = arith.constant 0 : i32
          %dma_start3A_239 = tpu.memref_slice %arg4[%run_scoped3A_98, %dma_start3A_237, %dma_start3A_238] : memref<2x100352x8xf32, #tpu.memory_space<hbm>> -> memref<1x100352x8xf32, #tpu.memory_space<hbm>>
          %dma_start3A_240 = tpu.memref_squeeze %dma_start3A_239 : memref<1x100352x8xf32, #tpu.memory_space<hbm>> -> memref<100352x8xf32, #tpu.memory_space<hbm>>
          %dma_start3A_241 = arith.constant 0 : i32
          %dma_start3A_242 = tpu.memref_slice %dma_start3A_240[%add3A_97, %dma_start3A_241] : memref<100352x8xf32, #tpu.memory_space<hbm>> -> memref<16x8xf32, #tpu.memory_space<hbm>>
          %dma_start3A_243 = arith.constant 0 : i32
          %dma_start3A_244 = arith.constant 0 : i32
          %dma_start3A_245 = tpu.memref_slice %arg4[%run_scoped3A_98, %dma_start3A_243, %dma_start3A_244] : memref<2x100352x8xf32, #tpu.memory_space<hbm>> -> memref<1x100352x8xf32, #tpu.memory_space<hbm>>
          %dma_start3A_246 = tpu.memref_squeeze %dma_start3A_245 : memref<1x100352x8xf32, #tpu.memory_space<hbm>> -> memref<100352x8xf32, #tpu.memory_space<hbm>>
          %dma_start3A_247 = arith.constant 0 : i32
          %dma_start3A_248 = tpu.memref_slice %dma_start3A_246[%add3A_97, %dma_start3A_247] : memref<100352x8xf32, #tpu.memory_space<hbm>> -> memref<16x8xf32, #tpu.memory_space<hbm>>
          tpu.enqueue_dma source(%dma_start3A_248 : memref<16x8xf32, #tpu.memory_space<hbm>>) target(%arg16 : memref<16x8xf32, #tpu.memory_space<vmem>>) target_semaphore(%run_scoped3A_236 : memref<!tpu.dma_semaphore, #tpu.memory_space<semaphore_mem>>)
          %dma_wait3A = arith.constant 0 : i32
          %dma_wait3A_249 = arith.constant 0 : i32
          %dma_wait3A_250 = tpu.memref_slice %arg4[%run_scoped3A_98, %dma_wait3A, %dma_wait3A_249] : memref<2x100352x8xf32, #tpu.memory_space<hbm>> -> memref<1x100352x8xf32, #tpu.memory_space<hbm>>
          %dma_wait3A_251 = tpu.memref_squeeze %dma_wait3A_250 : memref<1x100352x8xf32, #tpu.memory_space<hbm>> -> memref<100352x8xf32, #tpu.memory_space<hbm>>
          %dma_wait3A_252 = arith.constant 0 : i32
          %dma_wait3A_253 = tpu.memref_slice %dma_wait3A_251[%add3A_97, %dma_wait3A_252] : memref<100352x8xf32, #tpu.memory_space<hbm>> -> memref<16x8xf32, #tpu.memory_space<hbm>>
          %dma_wait3A_254 = arith.constant 0 : i32
          %dma_wait3A_255 = arith.constant 0 : i32
          %dma_wait3A_256 = tpu.memref_slice %arg4[%run_scoped3A_98, %dma_wait3A_254, %dma_wait3A_255] : memref<2x100352x8xf32, #tpu.memory_space<hbm>> -> memref<1x100352x8xf32, #tpu.memory_space<hbm>>
          %dma_wait3A_257 = tpu.memref_squeeze %dma_wait3A_256 : memref<1x100352x8xf32, #tpu.memory_space<hbm>> -> memref<100352x8xf32, #tpu.memory_space<hbm>>
          %dma_wait3A_258 = arith.constant 0 : i32
          %dma_wait3A_259 = tpu.memref_slice %dma_wait3A_257[%add3A_97, %dma_wait3A_258] : memref<100352x8xf32, #tpu.memory_space<hbm>> -> memref<16x8xf32, #tpu.memory_space<hbm>>
          tpu.wait_dma2 semaphore(%run_scoped3A_236 : memref<!tpu.dma_semaphore, #tpu.memory_space<semaphore_mem>>) src(%dma_wait3A_259 : memref<16x8xf32, #tpu.memory_space<hbm>>) dst(%arg16 : memref<16x8xf32, #tpu.memory_space<vmem>>)
          tpu.yield
        }) : () -> ()
        %broadcast_in_dim3A = arith.constant 0 : i32
        %broadcast_in_dim3A_99 = vector.broadcast %broadcast_in_dim3A : i32 to vector<16xi32>
        %gather3A = tpu.vector_load_idx %arg15[%iota3A, %broadcast_in_dim3A_99] : memref<16x8xf32, #tpu.memory_space<vmem>>[vector<16xi32>, vector<16xi32>], vector<16xf32>,
        %gather3A_100 = tpu.vector_load_idx %arg16[%iota3A, %broadcast_in_dim3A_99] : memref<16x8xf32, #tpu.memory_space<vmem>>[vector<16xi32>, vector<16xi32>], vector<16xf32>,
        %add3A_101 = arith.addf %gather3A, %gather3A_100 : vector<16xf32>
        %max3A = arith.constant 1.000000e+00 : f32
        %max3A_102 = vector.broadcast %max3A : f32 to vector<16xf32>
        %max3A_103 = arith.maximumf %add3A_101, %max3A_102 : vector<16xf32>
        %div3A_104 = arith.constant 1.000000e+00 : f32
        %div3A_105 = vector.broadcast %div3A_104 : f32 to vector<16xf32>
        %div3A_106 = arith.divf %div3A_105, %max3A_103 : vector<16xf32>
        %broadcast_in_dim3A_107 = arith.constant 0 : i32
        %broadcast_in_dim3A_108 = vector.broadcast %broadcast_in_dim3A_107 : i32 to vector<16xi32>
        %gather3A_109 = tpu.vector_load_idx %arg11[%iota3A, %broadcast_in_dim3A_108] : memref<128x32xf32, #tpu.memory_space<vmem>>[vector<16xi32>, vector<16xi32>], vector<16xf32>,
        %mul3A_110 = arith.mulf %gather3A_109, %div3A_106 : vector<16xf32>
        tpu.vector_store_idx %arg11[%iota3A, %broadcast_in_dim3A_108], %mul3A_110 : memref<128x32xf32, #tpu.memory_space<vmem>>[vector<16xi32>, vector<16xi32>], vector<16xf32>,
        %broadcast_in_dim3A_111 = arith.constant 1 : i32
        %broadcast_in_dim3A_112 = vector.broadcast %broadcast_in_dim3A_111 : i32 to vector<16xi32>
        %gather3A_113 = tpu.vector_load_idx %arg11[%iota3A, %broadcast_in_dim3A_112] : memref<128x32xf32, #tpu.memory_space<vmem>>[vector<16xi32>, vector<16xi32>], vector<16xf32>,
        %mul3A_114 = arith.mulf %gather3A_113, %div3A_106 : vector<16xf32>
        tpu.vector_store_idx %arg11[%iota3A, %broadcast_in_dim3A_112], %mul3A_114 : memref<128x32xf32, #tpu.memory_space<vmem>>[vector<16xi32>, vector<16xi32>], vector<16xf32>,
        %broadcast_in_dim3A_115 = arith.constant 2 : i32
        %broadcast_in_dim3A_116 = vector.broadcast %broadcast_in_dim3A_115 : i32 to vector<16xi32>
        %gather3A_117 = tpu.vector_load_idx %arg11[%iota3A, %broadcast_in_dim3A_116] : memref<128x32xf32, #tpu.memory_space<vmem>>[vector<16xi32>, vector<16xi32>], vector<16xf32>,
        %mul3A_118 = arith.mulf %gather3A_117, %div3A_106 : vector<16xf32>
        tpu.vector_store_idx %arg11[%iota3A, %broadcast_in_dim3A_116], %mul3A_118 : memref<128x32xf32, #tpu.memory_space<vmem>>[vector<16xi32>, vector<16xi32>], vector<16xf32>,
        %broadcast_in_dim3A_119 = arith.constant 3 : i32
        %broadcast_in_dim3A_120 = vector.broadcast %broadcast_in_dim3A_119 : i32 to vector<16xi32>
        %gather3A_121 = tpu.vector_load_idx %arg11[%iota3A, %broadcast_in_dim3A_120] : memref<128x32xf32, #tpu.memory_space<vmem>>[vector<16xi32>, vector<16xi32>], vector<16xf32>,
        %mul3A_122 = arith.mulf %gather3A_121, %div3A_106 : vector<16xf32>
        tpu.vector_store_idx %arg11[%iota3A, %broadcast_in_dim3A_120], %mul3A_122 : memref<128x32xf32, #tpu.memory_space<vmem>>[vector<16xi32>, vector<16xi32>], vector<16xf32>,
        %broadcast_in_dim3A_123 = arith.constant 4 : i32
        %broadcast_in_dim3A_124 = vector.broadcast %broadcast_in_dim3A_123 : i32 to vector<16xi32>
        %gather3A_125 = tpu.vector_load_idx %arg11[%iota3A, %broadcast_in_dim3A_124] : memref<128x32xf32, #tpu.memory_space<vmem>>[vector<16xi32>, vector<16xi32>], vector<16xf32>,
        %mul3A_126 = arith.mulf %gather3A_125, %div3A_106 : vector<16xf32>
        tpu.vector_store_idx %arg11[%iota3A, %broadcast_in_dim3A_124], %mul3A_126 : memref<128x32xf32, #tpu.memory_space<vmem>>[vector<16xi32>, vector<16xi32>], vector<16xf32>,
        %broadcast_in_dim3A_127 = arith.constant 5 : i32
        %broadcast_in_dim3A_128 = vector.broadcast %broadcast_in_dim3A_127 : i32 to vector<16xi32>
        %gather3A_129 = tpu.vector_load_idx %arg11[%iota3A, %broadcast_in_dim3A_128] : memref<128x32xf32, #tpu.memory_space<vmem>>[vector<16xi32>, vector<16xi32>], vector<16xf32>,
        %mul3A_130 = arith.mulf %gather3A_129, %div3A_106 : vector<16xf32>
        tpu.vector_store_idx %arg11[%iota3A, %broadcast_in_dim3A_128], %mul3A_130 : memref<128x32xf32, #tpu.memory_space<vmem>>[vector<16xi32>, vector<16xi32>], vector<16xf32>,
        %broadcast_in_dim3A_131 = arith.constant 6 : i32
        %broadcast_in_dim3A_132 = vector.broadcast %broadcast_in_dim3A_131 : i32 to vector<16xi32>
        %gather3A_133 = tpu.vector_load_idx %arg11[%iota3A, %broadcast_in_dim3A_132] : memref<128x32xf32, #tpu.memory_space<vmem>>[vector<16xi32>, vector<16xi32>], vector<16xf32>,
        %mul3A_134 = arith.mulf %gather3A_133, %div3A_106 : vector<16xf32>
        tpu.vector_store_idx %arg11[%iota3A, %broadcast_in_dim3A_132], %mul3A_134 : memref<128x32xf32, #tpu.memory_space<vmem>>[vector<16xi32>, vector<16xi32>], vector<16xf32>,
        %broadcast_in_dim3A_135 = arith.constant 7 : i32
        %broadcast_in_dim3A_136 = vector.broadcast %broadcast_in_dim3A_135 : i32 to vector<16xi32>
        %gather3A_137 = tpu.vector_load_idx %arg11[%iota3A, %broadcast_in_dim3A_136] : memref<128x32xf32, #tpu.memory_space<vmem>>[vector<16xi32>, vector<16xi32>], vector<16xf32>,
        %mul3A_138 = arith.mulf %gather3A_137, %div3A_106 : vector<16xf32>
        tpu.vector_store_idx %arg11[%iota3A, %broadcast_in_dim3A_136], %mul3A_138 : memref<128x32xf32, #tpu.memory_space<vmem>>[vector<16xi32>, vector<16xi32>], vector<16xf32>,
        %broadcast_in_dim3A_139 = arith.constant 8 : i32
        %broadcast_in_dim3A_140 = vector.broadcast %broadcast_in_dim3A_139 : i32 to vector<16xi32>
        %gather3A_141 = tpu.vector_load_idx %arg11[%iota3A, %broadcast_in_dim3A_140] : memref<128x32xf32, #tpu.memory_space<vmem>>[vector<16xi32>, vector<16xi32>], vector<16xf32>,
        %mul3A_142 = arith.mulf %gather3A_141, %div3A_106 : vector<16xf32>
        tpu.vector_store_idx %arg11[%iota3A, %broadcast_in_dim3A_140], %mul3A_142 : memref<128x32xf32, #tpu.memory_space<vmem>>[vector<16xi32>, vector<16xi32>], vector<16xf32>,
        %broadcast_in_dim3A_143 = arith.constant 9 : i32
        %broadcast_in_dim3A_144 = vector.broadcast %broadcast_in_dim3A_143 : i32 to vector<16xi32>
        %gather3A_145 = tpu.vector_load_idx %arg11[%iota3A, %broadcast_in_dim3A_144] : memref<128x32xf32, #tpu.memory_space<vmem>>[vector<16xi32>, vector<16xi32>], vector<16xf32>,
        %mul3A_146 = arith.mulf %gather3A_145, %div3A_106 : vector<16xf32>
        tpu.vector_store_idx %arg11[%iota3A, %broadcast_in_dim3A_144], %mul3A_146 : memref<128x32xf32, #tpu.memory_space<vmem>>[vector<16xi32>, vector<16xi32>], vector<16xf32>,
        %broadcast_in_dim3A_147 = arith.constant 10 : i32
        %broadcast_in_dim3A_148 = vector.broadcast %broadcast_in_dim3A_147 : i32 to vector<16xi32>
        %gather3A_149 = tpu.vector_load_idx %arg11[%iota3A, %broadcast_in_dim3A_148] : memref<128x32xf32, #tpu.memory_space<vmem>>[vector<16xi32>, vector<16xi32>], vector<16xf32>,
        %mul3A_150 = arith.mulf %gather3A_149, %div3A_106 : vector<16xf32>
        tpu.vector_store_idx %arg11[%iota3A, %broadcast_in_dim3A_148], %mul3A_150 : memref<128x32xf32, #tpu.memory_space<vmem>>[vector<16xi32>, vector<16xi32>], vector<16xf32>,
        %broadcast_in_dim3A_151 = arith.constant 11 : i32
        %broadcast_in_dim3A_152 = vector.broadcast %broadcast_in_dim3A_151 : i32 to vector<16xi32>
        %gather3A_153 = tpu.vector_load_idx %arg11[%iota3A, %broadcast_in_dim3A_152] : memref<128x32xf32, #tpu.memory_space<vmem>>[vector<16xi32>, vector<16xi32>], vector<16xf32>,
        %mul3A_154 = arith.mulf %gather3A_153, %div3A_106 : vector<16xf32>
        tpu.vector_store_idx %arg11[%iota3A, %broadcast_in_dim3A_152], %mul3A_154 : memref<128x32xf32, #tpu.memory_space<vmem>>[vector<16xi32>, vector<16xi32>], vector<16xf32>,
        %broadcast_in_dim3A_155 = arith.constant 12 : i32
        %broadcast_in_dim3A_156 = vector.broadcast %broadcast_in_dim3A_155 : i32 to vector<16xi32>
        %gather3A_157 = tpu.vector_load_idx %arg11[%iota3A, %broadcast_in_dim3A_156] : memref<128x32xf32, #tpu.memory_space<vmem>>[vector<16xi32>, vector<16xi32>], vector<16xf32>,
        %mul3A_158 = arith.mulf %gather3A_157, %div3A_106 : vector<16xf32>
        tpu.vector_store_idx %arg11[%iota3A, %broadcast_in_dim3A_156], %mul3A_158 : memref<128x32xf32, #tpu.memory_space<vmem>>[vector<16xi32>, vector<16xi32>], vector<16xf32>,
        %broadcast_in_dim3A_159 = arith.constant 13 : i32
        %broadcast_in_dim3A_160 = vector.broadcast %broadcast_in_dim3A_159 : i32 to vector<16xi32>
        %gather3A_161 = tpu.vector_load_idx %arg11[%iota3A, %broadcast_in_dim3A_160] : memref<128x32xf32, #tpu.memory_space<vmem>>[vector<16xi32>, vector<16xi32>], vector<16xf32>,
        %mul3A_162 = arith.mulf %gather3A_161, %div3A_106 : vector<16xf32>
        tpu.vector_store_idx %arg11[%iota3A, %broadcast_in_dim3A_160], %mul3A_162 : memref<128x32xf32, #tpu.memory_space<vmem>>[vector<16xi32>, vector<16xi32>], vector<16xf32>,
        %broadcast_in_dim3A_163 = arith.constant 14 : i32
        %broadcast_in_dim3A_164 = vector.broadcast %broadcast_in_dim3A_163 : i32 to vector<16xi32>
        %gather3A_165 = tpu.vector_load_idx %arg11[%iota3A, %broadcast_in_dim3A_164] : memref<128x32xf32, #tpu.memory_space<vmem>>[vector<16xi32>, vector<16xi32>], vector<16xf32>,
        %mul3A_166 = arith.mulf %gather3A_165, %div3A_106 : vector<16xf32>
        tpu.vector_store_idx %arg11[%iota3A, %broadcast_in_dim3A_164], %mul3A_166 : memref<128x32xf32, #tpu.memory_space<vmem>>[vector<16xi32>, vector<16xi32>], vector<16xf32>,
        %broadcast_in_dim3A_167 = arith.constant 15 : i32
        %broadcast_in_dim3A_168 = vector.broadcast %broadcast_in_dim3A_167 : i32 to vector<16xi32>
        %gather3A_169 = tpu.vector_load_idx %arg11[%iota3A, %broadcast_in_dim3A_168] : memref<128x32xf32, #tpu.memory_space<vmem>>[vector<16xi32>, vector<16xi32>], vector<16xf32>,
        %mul3A_170 = arith.mulf %gather3A_169, %div3A_106 : vector<16xf32>
        tpu.vector_store_idx %arg11[%iota3A, %broadcast_in_dim3A_168], %mul3A_170 : memref<128x32xf32, #tpu.memory_space<vmem>>[vector<16xi32>, vector<16xi32>], vector<16xf32>,
        %broadcast_in_dim3A_171 = arith.constant 16 : i32
        %broadcast_in_dim3A_172 = vector.broadcast %broadcast_in_dim3A_171 : i32 to vector<16xi32>
        %gather3A_173 = tpu.vector_load_idx %arg11[%iota3A, %broadcast_in_dim3A_172] : memref<128x32xf32, #tpu.memory_space<vmem>>[vector<16xi32>, vector<16xi32>], vector<16xf32>,
        %mul3A_174 = arith.mulf %gather3A_173, %div3A_106 : vector<16xf32>
        tpu.vector_store_idx %arg11[%iota3A, %broadcast_in_dim3A_172], %mul3A_174 : memref<128x32xf32, #tpu.memory_space<vmem>>[vector<16xi32>, vector<16xi32>], vector<16xf32>,
        %broadcast_in_dim3A_175 = arith.constant 17 : i32
        %broadcast_in_dim3A_176 = vector.broadcast %broadcast_in_dim3A_175 : i32 to vector<16xi32>
        %gather3A_177 = tpu.vector_load_idx %arg11[%iota3A, %broadcast_in_dim3A_176] : memref<128x32xf32, #tpu.memory_space<vmem>>[vector<16xi32>, vector<16xi32>], vector<16xf32>,
        %mul3A_178 = arith.mulf %gather3A_177, %div3A_106 : vector<16xf32>
        tpu.vector_store_idx %arg11[%iota3A, %broadcast_in_dim3A_176], %mul3A_178 : memref<128x32xf32, #tpu.memory_space<vmem>>[vector<16xi32>, vector<16xi32>], vector<16xf32>,
        %broadcast_in_dim3A_179 = arith.constant 18 : i32
        %broadcast_in_dim3A_180 = vector.broadcast %broadcast_in_dim3A_179 : i32 to vector<16xi32>
        %gather3A_181 = tpu.vector_load_idx %arg11[%iota3A, %broadcast_in_dim3A_180] : memref<128x32xf32, #tpu.memory_space<vmem>>[vector<16xi32>, vector<16xi32>], vector<16xf32>,
        %mul3A_182 = arith.mulf %gather3A_181, %div3A_106 : vector<16xf32>
        tpu.vector_store_idx %arg11[%iota3A, %broadcast_in_dim3A_180], %mul3A_182 : memref<128x32xf32, #tpu.memory_space<vmem>>[vector<16xi32>, vector<16xi32>], vector<16xf32>,
        %broadcast_in_dim3A_183 = arith.constant 19 : i32
        %broadcast_in_dim3A_184 = vector.broadcast %broadcast_in_dim3A_183 : i32 to vector<16xi32>
        %gather3A_185 = tpu.vector_load_idx %arg11[%iota3A, %broadcast_in_dim3A_184] : memref<128x32xf32, #tpu.memory_space<vmem>>[vector<16xi32>, vector<16xi32>], vector<16xf32>,
        %mul3A_186 = arith.mulf %gather3A_185, %div3A_106 : vector<16xf32>
        tpu.vector_store_idx %arg11[%iota3A, %broadcast_in_dim3A_184], %mul3A_186 : memref<128x32xf32, #tpu.memory_space<vmem>>[vector<16xi32>, vector<16xi32>], vector<16xf32>,
        %broadcast_in_dim3A_187 = arith.constant 20 : i32
        %broadcast_in_dim3A_188 = vector.broadcast %broadcast_in_dim3A_187 : i32 to vector<16xi32>
        %gather3A_189 = tpu.vector_load_idx %arg11[%iota3A, %broadcast_in_dim3A_188] : memref<128x32xf32, #tpu.memory_space<vmem>>[vector<16xi32>, vector<16xi32>], vector<16xf32>,
        %mul3A_190 = arith.mulf %gather3A_189, %div3A_106 : vector<16xf32>
        tpu.vector_store_idx %arg11[%iota3A, %broadcast_in_dim3A_188], %mul3A_190 : memref<128x32xf32, #tpu.memory_space<vmem>>[vector<16xi32>, vector<16xi32>], vector<16xf32>,
        %broadcast_in_dim3A_191 = arith.constant 21 : i32
        %broadcast_in_dim3A_192 = vector.broadcast %broadcast_in_dim3A_191 : i32 to vector<16xi32>
        %gather3A_193 = tpu.vector_load_idx %arg11[%iota3A, %broadcast_in_dim3A_192] : memref<128x32xf32, #tpu.memory_space<vmem>>[vector<16xi32>, vector<16xi32>], vector<16xf32>,
        %mul3A_194 = arith.mulf %gather3A_193, %div3A_106 : vector<16xf32>
        tpu.vector_store_idx %arg11[%iota3A, %broadcast_in_dim3A_192], %mul3A_194 : memref<128x32xf32, #tpu.memory_space<vmem>>[vector<16xi32>, vector<16xi32>], vector<16xf32>,
        %broadcast_in_dim3A_195 = arith.constant 22 : i32
        %broadcast_in_dim3A_196 = vector.broadcast %broadcast_in_dim3A_195 : i32 to vector<16xi32>
        %gather3A_197 = tpu.vector_load_idx %arg11[%iota3A, %broadcast_in_dim3A_196] : memref<128x32xf32, #tpu.memory_space<vmem>>[vector<16xi32>, vector<16xi32>], vector<16xf32>,
        %mul3A_198 = arith.mulf %gather3A_197, %div3A_106 : vector<16xf32>
        tpu.vector_store_idx %arg11[%iota3A, %broadcast_in_dim3A_196], %mul3A_198 : memref<128x32xf32, #tpu.memory_space<vmem>>[vector<16xi32>, vector<16xi32>], vector<16xf32>,
        %broadcast_in_dim3A_199 = arith.constant 23 : i32
        %broadcast_in_dim3A_200 = vector.broadcast %broadcast_in_dim3A_199 : i32 to vector<16xi32>
        %gather3A_201 = tpu.vector_load_idx %arg11[%iota3A, %broadcast_in_dim3A_200] : memref<128x32xf32, #tpu.memory_space<vmem>>[vector<16xi32>, vector<16xi32>], vector<16xf32>,
        %mul3A_202 = arith.mulf %gather3A_201, %div3A_106 : vector<16xf32>
        tpu.vector_store_idx %arg11[%iota3A, %broadcast_in_dim3A_200], %mul3A_202 : memref<128x32xf32, #tpu.memory_space<vmem>>[vector<16xi32>, vector<16xi32>], vector<16xf32>,
        %broadcast_in_dim3A_203 = arith.constant 24 : i32
        %broadcast_in_dim3A_204 = vector.broadcast %broadcast_in_dim3A_203 : i32 to vector<16xi32>
        %gather3A_205 = tpu.vector_load_idx %arg11[%iota3A, %broadcast_in_dim3A_204] : memref<128x32xf32, #tpu.memory_space<vmem>>[vector<16xi32>, vector<16xi32>], vector<16xf32>,
        %mul3A_206 = arith.mulf %gather3A_205, %div3A_106 : vector<16xf32>
        tpu.vector_store_idx %arg11[%iota3A, %broadcast_in_dim3A_204], %mul3A_206 : memref<128x32xf32, #tpu.memory_space<vmem>>[vector<16xi32>, vector<16xi32>], vector<16xf32>,
        %broadcast_in_dim3A_207 = arith.constant 25 : i32
        %broadcast_in_dim3A_208 = vector.broadcast %broadcast_in_dim3A_207 : i32 to vector<16xi32>
        %gather3A_209 = tpu.vector_load_idx %arg11[%iota3A, %broadcast_in_dim3A_208] : memref<128x32xf32, #tpu.memory_space<vmem>>[vector<16xi32>, vector<16xi32>], vector<16xf32>,
        %mul3A_210 = arith.mulf %gather3A_209, %div3A_106 : vector<16xf32>
        tpu.vector_store_idx %arg11[%iota3A, %broadcast_in_dim3A_208], %mul3A_210 : memref<128x32xf32, #tpu.memory_space<vmem>>[vector<16xi32>, vector<16xi32>], vector<16xf32>,
        %broadcast_in_dim3A_211 = arith.constant 26 : i32
        %broadcast_in_dim3A_212 = vector.broadcast %broadcast_in_dim3A_211 : i32 to vector<16xi32>
        %gather3A_213 = tpu.vector_load_idx %arg11[%iota3A, %broadcast_in_dim3A_212] : memref<128x32xf32, #tpu.memory_space<vmem>>[vector<16xi32>, vector<16xi32>], vector<16xf32>,
        %mul3A_214 = arith.mulf %gather3A_213, %div3A_106 : vector<16xf32>
        tpu.vector_store_idx %arg11[%iota3A, %broadcast_in_dim3A_212], %mul3A_214 : memref<128x32xf32, #tpu.memory_space<vmem>>[vector<16xi32>, vector<16xi32>], vector<16xf32>,
        %broadcast_in_dim3A_215 = arith.constant 27 : i32
        %broadcast_in_dim3A_216 = vector.broadcast %broadcast_in_dim3A_215 : i32 to vector<16xi32>
        %gather3A_217 = tpu.vector_load_idx %arg11[%iota3A, %broadcast_in_dim3A_216] : memref<128x32xf32, #tpu.memory_space<vmem>>[vector<16xi32>, vector<16xi32>], vector<16xf32>,
        %mul3A_218 = arith.mulf %gather3A_217, %div3A_106 : vector<16xf32>
        tpu.vector_store_idx %arg11[%iota3A, %broadcast_in_dim3A_216], %mul3A_218 : memref<128x32xf32, #tpu.memory_space<vmem>>[vector<16xi32>, vector<16xi32>], vector<16xf32>,
        %broadcast_in_dim3A_219 = arith.constant 28 : i32
        %broadcast_in_dim3A_220 = vector.broadcast %broadcast_in_dim3A_219 : i32 to vector<16xi32>
        %gather3A_221 = tpu.vector_load_idx %arg11[%iota3A, %broadcast_in_dim3A_220] : memref<128x32xf32, #tpu.memory_space<vmem>>[vector<16xi32>, vector<16xi32>], vector<16xf32>,
        %mul3A_222 = arith.mulf %gather3A_221, %div3A_106 : vector<16xf32>
        tpu.vector_store_idx %arg11[%iota3A, %broadcast_in_dim3A_220], %mul3A_222 : memref<128x32xf32, #tpu.memory_space<vmem>>[vector<16xi32>, vector<16xi32>], vector<16xf32>,
        %broadcast_in_dim3A_223 = arith.constant 29 : i32
        %broadcast_in_dim3A_224 = vector.broadcast %broadcast_in_dim3A_223 : i32 to vector<16xi32>
        %gather3A_225 = tpu.vector_load_idx %arg11[%iota3A, %broadcast_in_dim3A_224] : memref<128x32xf32, #tpu.memory_space<vmem>>[vector<16xi32>, vector<16xi32>], vector<16xf32>,
        %mul3A_226 = arith.mulf %gather3A_225, %div3A_106 : vector<16xf32>
        tpu.vector_store_idx %arg11[%iota3A, %broadcast_in_dim3A_224], %mul3A_226 : memref<128x32xf32, #tpu.memory_space<vmem>>[vector<16xi32>, vector<16xi32>], vector<16xf32>,
        %broadcast_in_dim3A_227 = arith.constant 30 : i32
        %broadcast_in_dim3A_228 = vector.broadcast %broadcast_in_dim3A_227 : i32 to vector<16xi32>
        %gather3A_229 = tpu.vector_load_idx %arg11[%iota3A, %broadcast_in_dim3A_228] : memref<128x32xf32, #tpu.memory_space<vmem>>[vector<16xi32>, vector<16xi32>], vector<16xf32>,
        %mul3A_230 = arith.mulf %gather3A_229, %div3A_106 : vector<16xf32>
        tpu.vector_store_idx %arg11[%iota3A, %broadcast_in_dim3A_228], %mul3A_230 : memref<128x32xf32, #tpu.memory_space<vmem>>[vector<16xi32>, vector<16xi32>], vector<16xf32>,
        %broadcast_in_dim3A_231 = arith.constant 31 : i32
        %broadcast_in_dim3A_232 = vector.broadcast %broadcast_in_dim3A_231 : i32 to vector<16xi32>
        %gather3A_233 = tpu.vector_load_idx %arg11[%iota3A, %broadcast_in_dim3A_232] : memref<128x32xf32, #tpu.memory_space<vmem>>[vector<16xi32>, vector<16xi32>], vector<16xf32>,
        %mul3A_234 = arith.mulf %gather3A_233, %div3A_106 : vector<16xf32>
        tpu.vector_store_idx %arg11[%iota3A, %broadcast_in_dim3A_232], %mul3A_234 : memref<128x32xf32, #tpu.memory_space<vmem>>[vector<16xi32>, vector<16xi32>], vector<16xf32>,
        %add3A_235 = arith.addi %mul3A_0, %add3A_90 : i32
        "tpu.region"() ({
          %run_scoped3A_236 = tpu.sem_alloc : memref<!tpu.dma_semaphore, #tpu.memory_space<semaphore_mem>>
          %dma_start3A_237 = arith.constant 0 : i32
          %dma_start3A_238 = arith.constant 0 : i32
          %dma_start3A_239 = tpu.memref_slice %arg11[%dma_start3A_237, %dma_start3A_238] : memref<128x32xf32, #tpu.memory_space<vmem>> -> memref<16x32xf32, #tpu.memory_space<vmem>>
          %dma_start3A_240 = arith.constant 0 : i32
          %dma_start3A_241 = tpu.memref_slice %arg6[%add3A_235, %dma_start3A_240] : memref<100000x32xf32, #tpu.memory_space<hbm>> -> memref<16x32xf32, #tpu.memory_space<hbm>>
          %dma_start3A_242 = arith.constant 0 : i32
          %dma_start3A_243 = tpu.memref_slice %arg6[%add3A_235, %dma_start3A_242] : memref<100000x32xf32, #tpu.memory_space<hbm>> -> memref<16x32xf32, #tpu.memory_space<hbm>>
          %dma_start3A_244 = arith.constant 0 : i32
          %dma_start3A_245 = arith.constant 0 : i32
          %dma_start3A_246 = tpu.memref_slice %arg11[%dma_start3A_244, %dma_start3A_245] : memref<128x32xf32, #tpu.memory_space<vmem>> -> memref<16x32xf32, #tpu.memory_space<vmem>>
          tpu.enqueue_dma source(%dma_start3A_246 : memref<16x32xf32, #tpu.memory_space<vmem>>) target(%dma_start3A_243 : memref<16x32xf32, #tpu.memory_space<hbm>>) target_semaphore(%run_scoped3A_236 : memref<!tpu.dma_semaphore, #tpu.memory_space<semaphore_mem>>)
          %dma_wait3A = arith.constant 0 : i32
          %dma_wait3A_247 = arith.constant 0 : i32
          %dma_wait3A_248 = tpu.memref_slice %arg11[%dma_wait3A, %dma_wait3A_247] : memref<128x32xf32, #tpu.memory_space<vmem>> -> memref<16x32xf32, #tpu.memory_space<vmem>>
          %dma_wait3A_249 = arith.constant 0 : i32
          %dma_wait3A_250 = tpu.memref_slice %arg6[%add3A_235, %dma_wait3A_249] : memref<100000x32xf32, #tpu.memory_space<hbm>> -> memref<16x32xf32, #tpu.memory_space<hbm>>
          %dma_wait3A_251 = arith.constant 0 : i32
          %dma_wait3A_252 = tpu.memref_slice %arg6[%add3A_235, %dma_wait3A_251] : memref<100000x32xf32, #tpu.memory_space<hbm>> -> memref<16x32xf32, #tpu.memory_space<hbm>>
          %dma_wait3A_253 = arith.constant 0 : i32
          %dma_wait3A_254 = arith.constant 0 : i32
          %dma_wait3A_255 = tpu.memref_slice %arg11[%dma_wait3A_253, %dma_wait3A_254] : memref<128x32xf32, #tpu.memory_space<vmem>> -> memref<16x32xf32, #tpu.memory_space<vmem>>
          tpu.wait_dma2 semaphore(%run_scoped3A_236 : memref<!tpu.dma_semaphore, #tpu.memory_space<semaphore_mem>>) src(%dma_wait3A_255 : memref<16x32xf32, #tpu.memory_space<vmem>>) dst(%dma_wait3A_252 : memref<16x32xf32, #tpu.memory_space<hbm>>)
          tpu.yield
        }) : () -> ()
      } else {
      }
      %scan3A_95 = arith.constant 0 : i32
      scf.yield %scan3A_95 : i32
    }
    %scan3A_85 = arith.constant 196 : i32
    return
  }
}

module attributes {stable_mosaic.version = 14 : i64} {
  func.func @_tables_body(%arg0: i32, %arg1: memref<1000x4xf32, #tpu.memory_space<vmem>>, %arg2: memref<4x32xf32, #tpu.memory_space<vmem>>, %arg3: memref<1x32xf32, #tpu.memory_space<vmem>>, %arg4: memref<32x32xf32, #tpu.memory_space<vmem>>, %arg5: memref<32x32xf32, #tpu.memory_space<vmem>>, %arg6: memref<1000x32xf32, #tpu.memory_space<vmem>>, %arg7: memref<1000x32xf32, #tpu.memory_space<vmem>>, %arg8: memref<1000x32xf32, #tpu.memory_space<vmem>>) attributes {dimension_semantics = [#tpu.dimension_semantics<arbitrary>], iteration_bounds = array<i64: 100>, scalar_prefetch = 0 : i64, scratch_operands = 0 : i64, tpu.core_type = #tpu.core_type<tc>, window_params = [{transform_indices = @transform_0, window_bounds = array<i64: 1000, 4>}, {pipeline_mode = #tpu.pipeline_mode<synchronous>, transform_indices = @transform_1, window_bounds = array<i64: 4, 32>}, {pipeline_mode = #tpu.pipeline_mode<synchronous>, transform_indices = @transform_2, window_bounds = array<i64: 1, 32>}, {pipeline_mode = #tpu.pipeline_mode<synchronous>, transform_indices = @transform_3, window_bounds = array<i64: 32, 32>}, {pipeline_mode = #tpu.pipeline_mode<synchronous>, transform_indices = @transform_4, window_bounds = array<i64: 32, 32>}, {transform_indices = @transform_5, window_bounds = array<i64: 1000, 32>}, {transform_indices = @transform_6, window_bounds = array<i64: 1000, 32>}, {transform_indices = @transform_7, window_bounds = array<i64: 1000, 32>}]} {
    %get3A = arith.constant 0 : index
    %get3A_0 = arith.constant 0 : index
    %get3A_1 = vector.load %arg1[%get3A, %get3A_0] : memref<1000x4xf32, #tpu.memory_space<vmem>>, vector<1000x4xf32>
    %get3A_2 = arith.constant 0 : index
    %get3A_3 = arith.constant 0 : index
    %get3A_4 = vector.load %arg2[%get3A_2, %get3A_3] : memref<4x32xf32, #tpu.memory_space<vmem>>, vector<4x32xf32>
    %dot_general3A = arith.constant dense<0.000000e+00> : vector<1000x32xf32>
    %dot_general3A_5 = tpu.matmul %get3A_1, %get3A_4, %dot_general3A {dimension_numbers = #tpu.dot_dimension_numbers<[1], [0], [0], [1], [0, 0, 1, 1], [], []>, transpose_lhs_hint = false} : vector<1000x4xf32>, vector<4x32xf32>, vector<1000x32xf32> -> vector<1000x32xf32>
    %get3A_6 = arith.constant 0 : index
    %get3A_7 = arith.constant 0 : index
    %get3A_8 = vector.load %arg3[%get3A_6, %get3A_7] : memref<1x32xf32, #tpu.memory_space<vmem>>, vector<1x32xf32>
    %add3A = vector.broadcast %get3A_8 : vector<1x32xf32> to vector<1000x32xf32>
    %add3A_9 = arith.addf %dot_general3A_5, %add3A : vector<1000x32xf32>
    %swap3A = arith.constant 0 : index
    %swap3A_10 = arith.constant 0 : index
    %swap3A_11 = vector.load %arg6[%swap3A, %swap3A_10] : memref<1000x32xf32, #tpu.memory_space<vmem>>, vector<1000x32xf32>
    tpu.vector_store %arg6[%swap3A, %swap3A_10], %add3A_9 {strides = array<i32>} : memref<1000x32xf32, #tpu.memory_space<vmem>>, vector<1000x32xf32>,
    %get3A_12 = arith.constant 0 : index
    %get3A_13 = arith.constant 0 : index
    %get3A_14 = vector.load %arg4[%get3A_12, %get3A_13] : memref<32x32xf32, #tpu.memory_space<vmem>>, vector<32x32xf32>
    %dot_general3A_15 = arith.constant dense<0.000000e+00> : vector<1000x32xf32>
    %dot_general3A_16 = tpu.matmul %add3A_9, %get3A_14, %dot_general3A_15 {dimension_numbers = #tpu.dot_dimension_numbers<[1], [0], [0], [1], [0, 0, 1, 1], [], []>, transpose_lhs_hint = false} : vector<1000x32xf32>, vector<32x32xf32>, vector<1000x32xf32> -> vector<1000x32xf32>
    %swap3A_17 = arith.constant 0 : index
    %swap3A_18 = arith.constant 0 : index
    %swap3A_19 = vector.load %arg7[%swap3A_17, %swap3A_18] : memref<1000x32xf32, #tpu.memory_space<vmem>>, vector<1000x32xf32>
    tpu.vector_store %arg7[%swap3A_17, %swap3A_18], %dot_general3A_16 {strides = array<i32>} : memref<1000x32xf32, #tpu.memory_space<vmem>>, vector<1000x32xf32>,
    %get3A_20 = arith.constant 0 : index
    %get3A_21 = arith.constant 0 : index
    %get3A_22 = vector.load %arg5[%get3A_20, %get3A_21] : memref<32x32xf32, #tpu.memory_space<vmem>>, vector<32x32xf32>
    %dot_general3A_23 = arith.constant dense<0.000000e+00> : vector<1000x32xf32>
    %dot_general3A_24 = tpu.matmul %add3A_9, %get3A_22, %dot_general3A_23 {dimension_numbers = #tpu.dot_dimension_numbers<[1], [0], [0], [1], [0, 0, 1, 1], [], []>, transpose_lhs_hint = false} : vector<1000x32xf32>, vector<32x32xf32>, vector<1000x32xf32> -> vector<1000x32xf32>
    %swap3A_25 = arith.constant 0 : index
    %swap3A_26 = arith.constant 0 : index
    %swap3A_27 = vector.load %arg8[%swap3A_25, %swap3A_26] : memref<1000x32xf32, #tpu.memory_space<vmem>>, vector<1000x32xf32>
    tpu.vector_store %arg8[%swap3A_25, %swap3A_26], %dot_general3A_24 {strides = array<i32>} : memref<1000x32xf32, #tpu.memory_space<vmem>>, vector<1000x32xf32>,
    return
  }
  func.func @transform_0(%arg0: i32) -> (i32, i32) {
    %c0_i32 = arith.constant 0 : i32
    %c0_i32_0 = arith.constant 0 : i32
    return %arg0, %c0_i32 : i32, i32
  }
  func.func @transform_1(%arg0: i32) -> (i32, i32) {
    %c0_i32 = arith.constant 0 : i32
    %c0_i32_0 = arith.constant 0 : i32
    %c0_i32_1 = arith.constant 0 : i32
    return %c0_i32, %c0_i32_0 : i32, i32
  }
  func.func @transform_2(%arg0: i32) -> (i32, i32) {
    %c0_i32 = arith.constant 0 : i32
    %c0_i32_0 = arith.constant 0 : i32
    %c0_i32_1 = arith.constant 0 : i32
    return %c0_i32, %c0_i32_0 : i32, i32
  }
  func.func @transform_3(%arg0: i32) -> (i32, i32) {
    %c0_i32 = arith.constant 0 : i32
    %c0_i32_0 = arith.constant 0 : i32
    %c0_i32_1 = arith.constant 0 : i32
    return %c0_i32, %c0_i32_0 : i32, i32
  }
  func.func @transform_4(%arg0: i32) -> (i32, i32) {
    %c0_i32 = arith.constant 0 : i32
    %c0_i32_0 = arith.constant 0 : i32
    %c0_i32_1 = arith.constant 0 : i32
    return %c0_i32, %c0_i32_0 : i32, i32
  }
  func.func @transform_5(%arg0: i32) -> (i32, i32) {
    %c0_i32 = arith.constant 0 : i32
    %c0_i32_0 = arith.constant 0 : i32
    return %arg0, %c0_i32 : i32, i32
  }
  func.func @transform_6(%arg0: i32) -> (i32, i32) {
    %c0_i32 = arith.constant 0 : i32
    %c0_i32_0 = arith.constant 0 : i32
    return %arg0, %c0_i32 : i32, i32
  }
  func.func @transform_7(%arg0: i32) -> (i32, i32) {
    %c0_i32 = arith.constant 0 : i32
    %c0_i32_0 = arith.constant 0 : i32
    return %arg0, %c0_i32 : i32, i32
  }
}

module attributes {stable_mosaic.version = 14 : i64} {
  func.func @_bn_body(%arg0: i32, %arg1: memref<4000x128xf32, #tpu.memory_space<vmem>>, %arg2: memref<32x64xf32, #tpu.memory_space<vmem>>, %arg3: memref<1x32xf32, #tpu.memory_space<vmem>>, %arg4: memref<1x32xf32, #tpu.memory_space<vmem>>, %arg5: memref<128x128xf32, #tpu.memory_space<vmem>>, %arg6: memref<1x128xf32, #tpu.memory_space<vmem>>, %arg7: memref<4000x128xf32, #tpu.memory_space<vmem>>) attributes {dimension_semantics = [#tpu.dimension_semantics<arbitrary>], iteration_bounds = array<i64: 100>, scalar_prefetch = 0 : i64, scratch_operands = 0 : i64, tpu.core_type = #tpu.core_type<tc>, window_params = [{transform_indices = @transform_0, window_bounds = array<i64: 4000, 128>}, {pipeline_mode = #tpu.pipeline_mode<synchronous>, transform_indices = @transform_1, window_bounds = array<i64: 32, 64>}, {pipeline_mode = #tpu.pipeline_mode<synchronous>, transform_indices = @transform_2, window_bounds = array<i64: 1, 32>}, {pipeline_mode = #tpu.pipeline_mode<synchronous>, transform_indices = @transform_3, window_bounds = array<i64: 1, 32>}, {pipeline_mode = #tpu.pipeline_mode<synchronous>, transform_indices = @transform_4, window_bounds = array<i64: 128, 128>}, {pipeline_mode = #tpu.pipeline_mode<synchronous>, transform_indices = @transform_5, window_bounds = array<i64: 1, 128>}, {transform_indices = @transform_6, window_bounds = array<i64: 4000, 128>}]} {
    %get3A = arith.constant 0 : index
    %get3A_0 = arith.constant 0 : index
    %get3A_1 = vector.load %arg2[%get3A, %get3A_0] : memref<32x64xf32, #tpu.memory_space<vmem>>, vector<32x64xf32>
    %slice3A = vector.extract_strided_slice %get3A_1 {offsets = [0, 0], sizes = [32, 32], strides = [1, 1]} : vector<32x64xf32> to vector<32x32xf32>
    %reduce_sum3A = arith.constant dense<0.000000e+00> : vector<32xf32>
    %reduce_sum3A_2 = vector.multi_reduction <add>, %slice3A, %reduce_sum3A [0] : vector<32x32xf32> to vector<32xf32>
    %broadcast_in_dim3A = vector.shape_cast %reduce_sum3A_2 : vector<32xf32> to vector<1x32xf32>
    %slice3A_3 = vector.extract_strided_slice %get3A_1 {offsets = [0, 32], sizes = [32, 32], strides = [1, 1]} : vector<32x64xf32> to vector<32x32xf32>
    %reduce_sum3A_4 = arith.constant dense<0.000000e+00> : vector<32xf32>
    %reduce_sum3A_5 = vector.multi_reduction <add>, %slice3A_3, %reduce_sum3A_4 [0] : vector<32x32xf32> to vector<32xf32>
    %broadcast_in_dim3A_6 = vector.shape_cast %reduce_sum3A_5 : vector<32xf32> to vector<1x32xf32>
    %div3A = arith.constant 1.600000e+06 : f32
    %div3A_7 = vector.broadcast %div3A : f32 to vector<1x32xf32>
    %div3A_8 = arith.divf %broadcast_in_dim3A, %div3A_7 : vector<1x32xf32>
    %div3A_9 = arith.constant 1.600000e+06 : f32
    %div3A_10 = vector.broadcast %div3A_9 : f32 to vector<1x32xf32>
    %div3A_11 = arith.divf %broadcast_in_dim3A_6, %div3A_10 : vector<1x32xf32>
    %mul3A = arith.mulf %div3A_8, %div3A_8 : vector<1x32xf32>
    %sub3A = arith.subf %div3A_11, %mul3A : vector<1x32xf32>
    %add3A = arith.constant 9.99999974E-6 : f32
    %add3A_12 = vector.broadcast %add3A : f32 to vector<1x32xf32>
    %add3A_13 = arith.addf %sub3A, %add3A_12 : vector<1x32xf32>
    %rsqrt3A = math.rsqrt %add3A_13 : vector<1x32xf32>
    %get3A_14 = arith.constant 0 : index
    %get3A_15 = arith.constant 0 : index
    %get3A_16 = vector.load %arg3[%get3A_14, %get3A_15] : memref<1x32xf32, #tpu.memory_space<vmem>>, vector<1x32xf32>
    %mul3A_17 = arith.mulf %get3A_16, %rsqrt3A : vector<1x32xf32>
    %get3A_18 = arith.constant 0 : index
    %get3A_19 = arith.constant 0 : index
    %get3A_20 = vector.load %arg4[%get3A_18, %get3A_19] : memref<1x32xf32, #tpu.memory_space<vmem>>, vector<1x32xf32>
    %mul3A_21 = arith.mulf %div3A_8, %mul3A_17 : vector<1x32xf32>
    %sub3A_22 = arith.subf %get3A_20, %mul3A_21 : vector<1x32xf32>
    %concatenate3A = tpu.concatenate %mul3A_17, %mul3A_17, %mul3A_17, %mul3A_17 in 1 : vector<1x32xf32>, vector<1x32xf32>, vector<1x32xf32>, vector<1x32xf32> -> vector<1x128xf32>
    %concatenate3A_23 = tpu.concatenate %sub3A_22, %sub3A_22, %sub3A_22, %sub3A_22 in 1 : vector<1x32xf32>, vector<1x32xf32>, vector<1x32xf32>, vector<1x32xf32> -> vector<1x128xf32>
    %get3A_24 = arith.constant 0 : index
    %get3A_25 = arith.constant 0 : index
    %get3A_26 = vector.load %arg1[%get3A_24, %get3A_25] : memref<4000x128xf32, #tpu.memory_space<vmem>>, vector<4000x128xf32>
    %mul3A_27 = vector.broadcast %concatenate3A : vector<1x128xf32> to vector<4000x128xf32>
    %mul3A_28 = arith.mulf %get3A_26, %mul3A_27 : vector<4000x128xf32>
    %add3A_29 = vector.broadcast %concatenate3A_23 : vector<1x128xf32> to vector<4000x128xf32>
    %add3A_30 = arith.addf %mul3A_28, %add3A_29 : vector<4000x128xf32>
    %get3A_31 = arith.constant 0 : index
    %get3A_32 = arith.constant 0 : index
    %get3A_33 = vector.load %arg5[%get3A_31, %get3A_32] : memref<128x128xf32, #tpu.memory_space<vmem>>, vector<128x128xf32>
    %dot_general3A = arith.constant dense<0.000000e+00> : vector<4000x128xf32>
    %dot_general3A_34 = tpu.matmul %add3A_30, %get3A_33, %dot_general3A {dimension_numbers = #tpu.dot_dimension_numbers<[1], [0], [0], [1], [0, 0, 1, 1], [], []>, transpose_lhs_hint = false} : vector<4000x128xf32>, vector<128x128xf32>, vector<4000x128xf32> -> vector<4000x128xf32>
    %get3A_35 = arith.constant 0 : index
    %get3A_36 = arith.constant 0 : index
    %get3A_37 = vector.load %arg6[%get3A_35, %get3A_36] : memref<1x128xf32, #tpu.memory_space<vmem>>, vector<1x128xf32>
    %add3A_38 = vector.broadcast %get3A_37 : vector<1x128xf32> to vector<4000x128xf32>
    %add3A_39 = arith.addf %dot_general3A_34, %add3A_38 : vector<4000x128xf32>
    %logistic3A = arith.negf %add3A_39 : vector<4000x128xf32>
    %logistic3A_40 = math.exp %logistic3A : vector<4000x128xf32>
    %logistic3A_41 = arith.constant 1.000000e+00 : f32
    %logistic3A_42 = vector.broadcast %logistic3A_41 : f32 to vector<4000x128xf32>
    %logistic3A_43 = arith.addf %logistic3A_42, %logistic3A_40 : vector<4000x128xf32>
    %logistic3A_44 = arith.divf %logistic3A_42, %logistic3A_43 : vector<4000x128xf32>
    %mul3A_45 = arith.mulf %add3A_39, %logistic3A_44 : vector<4000x128xf32>
    %swap3A = arith.constant 0 : index
    %swap3A_46 = arith.constant 0 : index
    %swap3A_47 = vector.load %arg7[%swap3A, %swap3A_46] : memref<4000x128xf32, #tpu.memory_space<vmem>>, vector<4000x128xf32>
    tpu.vector_store %arg7[%swap3A, %swap3A_46], %mul3A_45 {strides = array<i32>} : memref<4000x128xf32, #tpu.memory_space<vmem>>, vector<4000x128xf32>,
    return
  }
  func.func @transform_0(%arg0: i32) -> (i32, i32) {
    %c0_i32 = arith.constant 0 : i32
    %c0_i32_0 = arith.constant 0 : i32
    return %arg0, %c0_i32 : i32, i32
  }
  func.func @transform_1(%arg0: i32) -> (i32, i32) {
    %c0_i32 = arith.constant 0 : i32
    %c0_i32_0 = arith.constant 0 : i32
    %c0_i32_1 = arith.constant 0 : i32
    return %c0_i32, %c0_i32_0 : i32, i32
  }
  func.func @transform_2(%arg0: i32) -> (i32, i32) {
    %c0_i32 = arith.constant 0 : i32
    %c0_i32_0 = arith.constant 0 : i32
    %c0_i32_1 = arith.constant 0 : i32
    return %c0_i32, %c0_i32_0 : i32, i32
  }
  func.func @transform_3(%arg0: i32) -> (i32, i32) {
    %c0_i32 = arith.constant 0 : i32
    %c0_i32_0 = arith.constant 0 : i32
    %c0_i32_1 = arith.constant 0 : i32
    return %c0_i32, %c0_i32_0 : i32, i32
  }
  func.func @transform_4(%arg0: i32) -> (i32, i32) {
    %c0_i32 = arith.constant 0 : i32
    %c0_i32_0 = arith.constant 0 : i32
    %c0_i32_1 = arith.constant 0 : i32
    return %c0_i32, %c0_i32_0 : i32, i32
  }
  func.func @transform_5(%arg0: i32) -> (i32, i32) {
    %c0_i32 = arith.constant 0 : i32
    %c0_i32_0 = arith.constant 0 : i32
    %c0_i32_1 = arith.constant 0 : i32
    return %c0_i32, %c0_i32_0 : i32, i32
  }
  func.func @transform_6(%arg0: i32) -> (i32, i32) {
    %c0_i32 = arith.constant 0 : i32
    %c0_i32_0 = arith.constant 0 : i32
    return %arg0, %c0_i32 : i32, i32
  }
}

module attributes {stable_mosaic.version = 14 : i64} {
  func.func @_update_body(%arg0: i32, %arg1: memref<1000x32xf32, #tpu.memory_space<vmem>>, %arg2: memref<1000x32xf32, #tpu.memory_space<vmem>>, %arg3: memref<32x32xf32, #tpu.memory_space<vmem>>, %arg4: memref<32x32xf32, #tpu.memory_space<vmem>>, %arg5: memref<1x32xf32, #tpu.memory_space<vmem>>, %arg6: memref<32x32xf32, #tpu.memory_space<vmem>>, %arg7: memref<1x32xf32, #tpu.memory_space<vmem>>, %arg8: memref<1000x32xf32, #tpu.memory_space<vmem>>) attributes {dimension_semantics = [#tpu.dimension_semantics<arbitrary>], iteration_bounds = array<i64: 100>, scalar_prefetch = 0 : i64, scratch_operands = 0 : i64, tpu.core_type = #tpu.core_type<tc>, window_params = [{transform_indices = @transform_0, window_bounds = array<i64: 1000, 32>}, {transform_indices = @transform_1, window_bounds = array<i64: 1000, 32>}, {pipeline_mode = #tpu.pipeline_mode<synchronous>, transform_indices = @transform_2, window_bounds = array<i64: 32, 32>}, {pipeline_mode = #tpu.pipeline_mode<synchronous>, transform_indices = @transform_3, window_bounds = array<i64: 32, 32>}, {pipeline_mode = #tpu.pipeline_mode<synchronous>, transform_indices = @transform_4, window_bounds = array<i64: 1, 32>}, {pipeline_mode = #tpu.pipeline_mode<synchronous>, transform_indices = @transform_5, window_bounds = array<i64: 32, 32>}, {pipeline_mode = #tpu.pipeline_mode<synchronous>, transform_indices = @transform_6, window_bounds = array<i64: 1, 32>}, {transform_indices = @transform_7, window_bounds = array<i64: 1000, 32>}]} {
    %get3A = arith.constant 0 : index
    %get3A_0 = arith.constant 0 : index
    %get3A_1 = vector.load %arg2[%get3A, %get3A_0] : memref<1000x32xf32, #tpu.memory_space<vmem>>, vector<1000x32xf32>
    %get3A_2 = arith.constant 0 : index
    %get3A_3 = arith.constant 0 : index
    %get3A_4 = vector.load %arg1[%get3A_2, %get3A_3] : memref<1000x32xf32, #tpu.memory_space<vmem>>, vector<1000x32xf32>
    %get3A_5 = arith.constant 0 : index
    %get3A_6 = arith.constant 0 : index
    %get3A_7 = vector.load %arg3[%get3A_5, %get3A_6] : memref<32x32xf32, #tpu.memory_space<vmem>>, vector<32x32xf32>
    %dot_general3A = arith.constant dense<0.000000e+00> : vector<1000x32xf32>
    %dot_general3A_8 = tpu.matmul %get3A_4, %get3A_7, %dot_general3A {dimension_numbers = #tpu.dot_dimension_numbers<[1], [0], [0], [1], [0, 0, 1, 1], [], []>, transpose_lhs_hint = false} : vector<1000x32xf32>, vector<32x32xf32>, vector<1000x32xf32> -> vector<1000x32xf32>
    %get3A_9 = arith.constant 0 : index
    %get3A_10 = arith.constant 0 : index
    %get3A_11 = vector.load %arg4[%get3A_9, %get3A_10] : memref<32x32xf32, #tpu.memory_space<vmem>>, vector<32x32xf32>
    %dot_general3A_12 = arith.constant dense<0.000000e+00> : vector<1000x32xf32>
    %dot_general3A_13 = tpu.matmul %get3A_1, %get3A_11, %dot_general3A_12 {dimension_numbers = #tpu.dot_dimension_numbers<[1], [0], [0], [1], [0, 0, 1, 1], [], []>, transpose_lhs_hint = false} : vector<1000x32xf32>, vector<32x32xf32>, vector<1000x32xf32> -> vector<1000x32xf32>
    %add3A = arith.addf %dot_general3A_8, %dot_general3A_13 : vector<1000x32xf32>
    %get3A_14 = arith.constant 0 : index
    %get3A_15 = arith.constant 0 : index
    %get3A_16 = vector.load %arg5[%get3A_14, %get3A_15] : memref<1x32xf32, #tpu.memory_space<vmem>>, vector<1x32xf32>
    %add3A_17 = vector.broadcast %get3A_16 : vector<1x32xf32> to vector<1000x32xf32>
    %add3A_18 = arith.addf %add3A, %add3A_17 : vector<1000x32xf32>
    %logistic3A = arith.negf %add3A_18 : vector<1000x32xf32>
    %logistic3A_19 = math.exp %logistic3A : vector<1000x32xf32>
    %logistic3A_20 = arith.constant 1.000000e+00 : f32
    %logistic3A_21 = vector.broadcast %logistic3A_20 : f32 to vector<1000x32xf32>
    %logistic3A_22 = arith.addf %logistic3A_21, %logistic3A_19 : vector<1000x32xf32>
    %logistic3A_23 = arith.divf %logistic3A_21, %logistic3A_22 : vector<1000x32xf32>
    %mul3A = arith.mulf %add3A_18, %logistic3A_23 : vector<1000x32xf32>
    %get3A_24 = arith.constant 0 : index
    %get3A_25 = arith.constant 0 : index
    %get3A_26 = vector.load %arg6[%get3A_24, %get3A_25] : memref<32x32xf32, #tpu.memory_space<vmem>>, vector<32x32xf32>
    %dot_general3A_27 = arith.constant dense<0.000000e+00> : vector<1000x32xf32>
    %dot_general3A_28 = tpu.matmul %mul3A, %get3A_26, %dot_general3A_27 {dimension_numbers = #tpu.dot_dimension_numbers<[1], [0], [0], [1], [0, 0, 1, 1], [], []>, transpose_lhs_hint = false} : vector<1000x32xf32>, vector<32x32xf32>, vector<1000x32xf32> -> vector<1000x32xf32>
    %get3A_29 = arith.constant 0 : index
    %get3A_30 = arith.constant 0 : index
    %get3A_31 = vector.load %arg7[%get3A_29, %get3A_30] : memref<1x32xf32, #tpu.memory_space<vmem>>, vector<1x32xf32>
    %add3A_32 = vector.broadcast %get3A_31 : vector<1x32xf32> to vector<1000x32xf32>
    %add3A_33 = arith.addf %dot_general3A_28, %add3A_32 : vector<1000x32xf32>
    %logistic3A_34 = arith.negf %add3A_33 : vector<1000x32xf32>
    %logistic3A_35 = math.exp %logistic3A_34 : vector<1000x32xf32>
    %logistic3A_36 = arith.constant 1.000000e+00 : f32
    %logistic3A_37 = vector.broadcast %logistic3A_36 : f32 to vector<1000x32xf32>
    %logistic3A_38 = arith.addf %logistic3A_37, %logistic3A_35 : vector<1000x32xf32>
    %logistic3A_39 = arith.divf %logistic3A_37, %logistic3A_38 : vector<1000x32xf32>
    %mul3A_40 = arith.mulf %add3A_33, %logistic3A_39 : vector<1000x32xf32>
    %add3A_41 = arith.addf %get3A_4, %mul3A_40 : vector<1000x32xf32>
    %swap3A = arith.constant 0 : index
    %swap3A_42 = arith.constant 0 : index
    %swap3A_43 = vector.load %arg8[%swap3A, %swap3A_42] : memref<1000x32xf32, #tpu.memory_space<vmem>>, vector<1000x32xf32>
    tpu.vector_store %arg8[%swap3A, %swap3A_42], %add3A_41 {strides = array<i32>} : memref<1000x32xf32, #tpu.memory_space<vmem>>, vector<1000x32xf32>,
    return
  }
  func.func @transform_0(%arg0: i32) -> (i32, i32) {
    %c0_i32 = arith.constant 0 : i32
    %c0_i32_0 = arith.constant 0 : i32
    return %arg0, %c0_i32 : i32, i32
  }
  func.func @transform_1(%arg0: i32) -> (i32, i32) {
    %c0_i32 = arith.constant 0 : i32
    %c0_i32_0 = arith.constant 0 : i32
    return %arg0, %c0_i32 : i32, i32
  }
  func.func @transform_2(%arg0: i32) -> (i32, i32) {
    %c0_i32 = arith.constant 0 : i32
    %c0_i32_0 = arith.constant 0 : i32
    %c0_i32_1 = arith.constant 0 : i32
    return %c0_i32, %c0_i32_0 : i32, i32
  }
  func.func @transform_3(%arg0: i32) -> (i32, i32) {
    %c0_i32 = arith.constant 0 : i32
    %c0_i32_0 = arith.constant 0 : i32
    %c0_i32_1 = arith.constant 0 : i32
    return %c0_i32, %c0_i32_0 : i32, i32
  }
  func.func @transform_4(%arg0: i32) -> (i32, i32) {
    %c0_i32 = arith.constant 0 : i32
    %c0_i32_0 = arith.constant 0 : i32
    %c0_i32_1 = arith.constant 0 : i32
    return %c0_i32, %c0_i32_0 : i32, i32
  }
  func.func @transform_5(%arg0: i32) -> (i32, i32) {
    %c0_i32 = arith.constant 0 : i32
    %c0_i32_0 = arith.constant 0 : i32
    %c0_i32_1 = arith.constant 0 : i32
    return %c0_i32, %c0_i32_0 : i32, i32
  }
  func.func @transform_6(%arg0: i32) -> (i32, i32) {
    %c0_i32 = arith.constant 0 : i32
    %c0_i32_0 = arith.constant 0 : i32
    %c0_i32_1 = arith.constant 0 : i32
    return %c0_i32, %c0_i32_0 : i32, i32
  }
  func.func @transform_7(%arg0: i32) -> (i32, i32) {
    %c0_i32 = arith.constant 0 : i32
    %c0_i32_0 = arith.constant 0 : i32
    return %arg0, %c0_i32 : i32, i32
  }
}

</mosaic_0001>

<sc_bundles>
// kernel: kernel.10.cloned.1.call-start
scs
__scs_entry_jumppad:
0x0: {  	(pc) =	sbr.rel $0x88, $3  }
0x1: {  	(tag) =	ssettag $0x0;
	lr =	simm.s32 $0x1  }
0x2: {  	[smem:$0x3F93] =	sst lr;
	_ =	strace $0xD0000000  }
0x3: {  	_ = 	snop  }
0x4: {  	_ = 	snop  }
0x5: {  	_ = 	snop  }
0x6: {  	_ = 	snop  }
0x7: {  	_ = 	snop  }
__scs_overlays_trampoline_lowered:
0x8: {  	[smem:$0x3FA2] =	sst s0  }
0x9: {  	[smem:$0x3FA3] =	sst s1  }
0xa: {  	[smem:$0x3FA4] =	sst s2  }
0xb: {  	[smem:$0x3FA5] =	sst s3  }
0xc: {  	[smem:$0x3FA6] =	sst s4  }
0xd: {  	[smem:$0x3FA7] =	sst s5  }
0xe: {  	[smem:$0x3FA8] =	sst s6  }
0xf: {  	[smem:$0x3FA9] =	sst s7  }
0x10: {  	[smem:$0x3FAA] =	sst s8  }
0x11: {  	[smem:$0x3FAB] =	sst s9;
	s0 =	simm.s32 @!p0 $0x0  }
0x12: {  	s1 =	sld [smem:$0x3F91];
	s0 =	simm.s32 @p0 $0x1  }
0x13: {  	[smem:$0x3FAC] =	sst s0;
	s0 =	simm.s32 @!p1 $0x0  }
0x14: {  	s2 =	sld [smem:$0x3F90];
	s0 =	simm.s32 @p1 $0x1  }
0x15: {  	[smem:$0x3FAD] =	sst s0;
	s0 =	simm.s32 @!p2 $0x0  }
0x16: {  	s3 =	sld [smem:$0x3FDB];
	s0 =	simm.s32 @p2 $0x1  }
0x17: {  	s4 =	simm.s32 $0x1BF5;
	[smem:$0x3FAF] =	sst s0  }
0x18: {  	s0 =	sld [smem:$0x3F92];
	_ =	swait.ge [sflag:s4], $0x0  }
0x19: {  	s7 =	sld [smem:$0x3F93]  }
0x1a: {  	s8 =	sadd.s32 $0xFFFFE003, lr  }
0x1b: {  	s9 =	sadd.s32 $0xFFFFFEF7, lr;
	s5 =	simm.s32 $0xFFFFFFFF;
	p2 =	slt.u32 s8, $0xFFFFF086  }
0x1c: {  	p1 =	slt.u32 s9, $0xF7A;
	s5 =	simm.s32 @!p2 $0x0  }
0x1d: {  	s5 =	simm.s32 @p1 $0x1;
	p0 =	seq.s32 s7, s2  }
0x1e: {  	s7 =	smul.u32 @!p0 $0xF7A, s2;
	p2 =	seq.s32 @!p0 s5, $0x0  }
0x1f: {  	s9 =	smul.u32 $0xF7A, s1;
	s8 =	simm.s32 @!p0 $0x1BF5;
	p2 =	por !p2, p0  }
0x20: {  	[sflag:s8] =	ssyncset.s32 @!p0 $0xFFFFF086;
	s6 =	sadd.s32 @!p0 s3, s7;
	s7 =	simm.s32 @!p0 $0x108  }
0x21: {  	s3 =	sadd.s32 s3, s9;
	s6 =	sadd.s32 @!p0 $0x88, s6;
	s7 =	simm.s32 @p2 $0x1082  }
0x22: {  	[simem:s7], [sflag:s8] =	dma.local @!p0 [hbm:s6], $0xF7A  }
0x23: {  	s9 =	sor.u32 $0xD0000000, s2;
	s6 =	simm.s32 $0x108;
	_ =	swait.ge @!p0 [sflag:s8], $0x0  }
0x24: {  	s3 =	sadd.s32 $0x88, s3;
	s6 =	simm.s32 @!p1 $0x1082;
	[sflag:s4] =	ssyncset.s32 $0xFFFFF086  }
0x25: {  	[simem:s6], [sflag:s4] =	dma.local [hbm:s3], $0xF7A  }
0x26: {  	[smem:$0x3F93] =	sst s1;
	(tag) =	ssettag s2;
	_ =	strace s9  }
0x27: {  	s1 =	sld [smem:$0x3FA3]  }
0x28: {  	s2 =	sld [smem:$0x3FA4]  }
0x29: {  	s4 =	sld [smem:$0x3FA6]  }
0x2a: {  	p0 =	seq.s32 s5, $0x0;
	s5 =	sld [smem:$0x3FA7]  }
0x2b: {  	s6 =	sld [smem:$0x3FA8]  }
0x2c: {  	s7 =	sld [smem:$0x3FA9]  }
0x2d: {  	s3 =	simm.s32 $0x108;
	s8 =	sld [smem:$0x3FAA]  }
0x2e: {  	s3 =	simm.s32 @!p0 $0x1082;
	s9 =	sld [smem:$0x3FAB]  }
0x2f: {  	lr =	sadd.s32 s0, s3;
	s0 =	sld [smem:$0x3FA2]  }
0x30: {  	s3 =	sld [smem:$0x3FA5]  }
0x31: {  	[smem:$0x3FAE] =	sst s10  }
0x32: {  	s10 =	sld [smem:$0x3FAC];
	_ =	sdelay $0x3  }
0x33: {  	p0 =	seq.s32 s10, $0x1;
	s10 =	sld [smem:$0x3FAE];
	_ =	sdelay $0x3  }
0x34: {  	[smem:$0x3FAE] =	sst s10  }
0x35: {  	s10 =	sld [smem:$0x3FAD];
	_ =	sdelay $0x3  }
0x36: {  	p1 =	seq.s32 s10, $0x1;
	s10 =	sld [smem:$0x3FAE];
	_ =	sdelay $0x3  }
0x37: {  	[smem:$0x3FAE] =	sst s10  }
0x38: {  	s10 =	sld [smem:$0x3FAF]  }
0x39: {  	_ = 	snop;
	(pc) =	sbr.ind lr, $3  }
0x3a: {  	_ = 	snop  }
0x3b: {  	_ = 	snop  }
0x3c: {  	p2 =	seq.s32 s10, $0x1;
	s10 =	sld [smem:$0x3FAE]  }
0x3d: {  	_ =	shalt  }
0x3e: {  	_ =	shalt  }
0x3f: {  	_ =	shalt  }
0x40: {  	_ =	shalt  }
0x41: {  	_ =	shalt  }
0x42: {  	_ =	shalt  }
0x43: {  	_ =	shalt  }
0x44: {  	_ =	shalt  }
0x45: {  	_ =	shalt  }
0x46: {  	_ =	shalt  }
0x47: {  	_ =	shalt  }
0x48: {  	_ =	shalt  }
0x49: {  	_ =	shalt  }
0x4a: {  	_ =	shalt  }
0x4b: {  	_ =	shalt  }
0x4c: {  	_ =	shalt  }
0x4d: {  	_ =	shalt  }
0x4e: {  	_ =	shalt  }
0x4f: {  	_ =	shalt  }
0x50: {  	_ =	shalt  }
0x51: {  	_ =	shalt  }
0x52: {  	_ =	shalt  }
0x53: {  	_ =	shalt  }
0x54: {  	_ =	shalt  }
0x55: {  	_ =	shalt  }
0x56: {  	_ =	shalt  }
0x57: {  	_ =	shalt  }
0x58: {  	_ =	shalt  }
0x59: {  	_ =	shalt  }
0x5a: {  	_ =	shalt  }
0x5b: {  	_ =	shalt  }
0x5c: {  	_ =	shalt  }
0x5d: {  	_ =	shalt  }
0x5e: {  	_ =	shalt  }
0x5f: {  	_ =	shalt  }
0x60: {  	_ =	shalt  }
0x61: {  	_ =	shalt  }
0x62: {  	_ =	shalt  }
0x63: {  	_ =	shalt  }
0x64: {  	_ =	shalt  }
0x65: {  	_ =	shalt  }
0x66: {  	_ =	shalt  }
0x67: {  	_ =	shalt  }
0x68: {  	_ =	shalt  }
0x69: {  	_ =	shalt  }
0x6a: {  	_ =	shalt  }
0x6b: {  	_ =	shalt  }
0x6c: {  	_ =	shalt  }
0x6d: {  	_ =	shalt  }
0x6e: {  	_ =	shalt  }
0x6f: {  	_ =	shalt  }
0x70: {  	_ =	shalt  }
0x71: {  	_ =	shalt  }
0x72: {  	_ =	shalt  }
0x73: {  	_ =	shalt  }
0x74: {  	_ =	shalt  }
0x75: {  	_ =	shalt  }
0x76: {  	_ =	shalt  }
0x77: {  	_ =	shalt  }
0x78: {  	_ =	shalt  }
0x79: {  	_ =	shalt  }
0x7a: {  	_ =	shalt  }
0x7b: {  	_ =	shalt  }
0x7c: {  	_ =	shalt  }
0x7d: {  	_ =	shalt  }
0x7e: {  	_ =	shalt  }
0x7f: {  	_ =	shalt  }
0x80: {  	_ =	shalt  }
0x81: {  	_ =	shalt  }
0x82: {  	_ =	shalt  }
0x83: {  	_ =	shalt  }
0x84: {  	_ =	shalt  }
0x85: {  	_ =	shalt  }
0x86: {  	_ =	shalt  }
0x87: {  	_ =	shalt  }
.Lfunc_end0:
.L_simem_size_0:
called_computation.1_lowered:
.L_overlay_start_0:
0x88: {  	s2 =	sld [smem:$0x3FD9]  }
0x89: {  	s3 =	sld [smem:$0x3FFE];
	_ =	sdelay $0x1  }
0x8a: {  	s1 =	srdreg.scid  }
0x8b: {  	s0 =	sand.u32 $0x1, s1  }
0x8c: {  	s17 =	sshll.u32 s0, $0xA;
	s2 =	sadd.s32 s3, s2  }
0x8d: {  	s2 =	sadd.s32 s2, s17  }
0x8e: {  	[smem:$0x3FBA] =	sst s2  }
0x8f: {  	_ = 	snop  }
0x90: {  	s2 =	sld [smem:$0x3FD0];
	(tm) =	ssettm $0x1  }
0x91: {  	s18 =	sld [smem:$0x3FFB];
	_ =	sdelay $0x3  }
0x92: {  	_ =	strace s18  }
0x93: {  	s3 =	sld [smem:$0x3FFC];
	_ =	sdelay $0x3  }
0x94: {  	_ =	strace s3  }
0x95: {  	s3 =	sld [smem:$0x3FFD];
	_ =	sdelay $0x3  }
0x96: {  	_ =	strace s3  }
0x97: {  	_ =	strace $0x8FFFFFFF  }
0x98: {  	s19 =	sld [smem:$0x3FDB];
	_ =	sdelay $0x1  }
0x99: {  	s4 =	simm.s32 $_scs_section_size  }
0x9a: {  	s5 =	simm.s32 $_size__tile_overlayer_lowered;
	s6 =	simm.s32 $_tile_overlayer_lowered  }
0x9b: {  	s22 =	simm.s32 $0x1BFF;
	s21 =	sshll.u32 s6, $0x1;
	s3 =	sadd.s32 s4, s19  }
0x9c: {  	s7 =	simm.s32 $0x0;
	s20 =	sshll.u32 s5, $0x1;
	s5 =	sadd.s32 s21, s3  }
0x9d: {  	[timem:s7], [sflag:s22] =	dma.local [hbm:s5], s20  }
0x9e: {  	_ =	swait.ge [sflag:s22], s20  }
0x9f: {  	s4 =	ssub.s32 $0x0, s20;
	[sflag:s22] =	ssyncset.done $0x0  }
0xa0: {  	[sflag:s22] =	ssyncadd.s32 s4;
	_ =	sdelay $0x1  }
0xa1: {  	s23 =	simm.s32 $0x1B8B  }
0xa2: {  	_ =	swait.ge [sflag:s23], $0x1  }
0xa3: {  	[sflag:s23] =	ssyncset.done $0x0  }
0xa4: {  	s25 =	simm.s32 $0x1B8E;
	s24 =	sld [smem:$0x3FFE];
	[sflag:s23] =	ssyncadd.s32 $0xFFFFFFFF  }
0xa5: {  	s26 =	simm.s32 $execute0_lowered;
	[smem:$0x3FD2] =	sst s25  }
0xa6: {  	s5 =	sshll.u32 s26, $0x1;
	_ =	strace $0x80000049;
	[dreg:$0x1] =	wrdreg $0xFFFFFFFF  }
0xa7: {  	s28 =	simm.s32 $_size_execute0_lowered;
	s3 =	sadd.s32 s3, s5;
	[dreg:$0x0] =	wrdreg $0x0  }
0xa8: {  	s5 =	sshll.u32 s28, $0x1;
	[dreg:$0x2] =	wrdreg s3  }
0xa9: {  	[dreg:$0x3] =	wrdreg s5  }
0xaa: {  	[dreg:$0x4] =	wrdreg $0xC0  }
0xab: {  	_ =	task [dreg:s7], $0x5FFFF  }
0xac: {  	[dreg:$0x1] =	wrdreg $0xFFFFFFFF  }
0xad: {  	[dreg:$0x0] =	wrdreg $0x60  }
0xae: {  	[dreg:$0x2] =	wrdreg s24  }
0xaf: {  	[dreg:$0x3] =	wrdreg s2  }
0xb0: {  	[dreg:$0x4] =	wrdreg $0x43000  }
0xb1: {  	[dreg:$0x5] =	wrdreg $0x9  }
0xb2: {  	_ =	task.clear_ibuf [dreg:s7], $0x6FFFF;
	_ =	strace $0x90000049  }
0xb3: {  	s29 =	simm.s32 $0x9;
	_ =	strace $0x8000004B  }
0xb4: {  	_ =	swait.ge [sflag:s29], $0x1  }
0xb5: {  	[sflag:s29] =	ssyncadd.s32 $0xFFFFFFFF  }
0xb6: {  	_ =	strace $0x9000004B  }
0xb7: {  	_ =	sfence  }
0xb8: {  	s30 =	sld [smem:$0x0];
	_ =	sdelay $0x2  }
0xb9: {  	s31 =	sshll.u32 s1, $0xD;
	s1 =	sshrl.u32 s1, $0x2  }
0xba: {  	s3 =	sand.u32 $0x4000, s31;
	s1 =	sadd.s32 s1, s30  }
0xbb: {  	s0 =	sor.u32 s3, s0;
	s1 =	sshll.u32 s1, $0x11  }
0xbc: {  	s0 =	sor.u32 s1, s0  }
0xbd: {  	s0 =	sadd.s32 $0x8F2B, s0  }
0xbe: {  	[sflag:s0] =	ssyncadd.remote.s32 $0x1  }
0xbf: {  	_ =	sfence.sel $0xFFFF  }
0xc0: {  	[dreg:$0x0] =	wrdreg $0xFFFFFFFF;
	(pc) =	sbr.abs _section_cstart, $3  }
0xc1: {  	[dreg:$0x1] =	wrdreg $0xFFFFFFFF  }
0xc2: {  	_ =	task.clear_ibuf [dreg:s7], $0x2FFFF;
	_ =	strace $0x9FFFFFFF  }
0xc3: {  	(tm) =	ssettm $0x7FFFFFFF  }
tec
execute0_lowered:
.L_overlay_start_1:
0x0: {  	(tag) =	ssettag $0x1  }
0x1: {  	s2 =	rddreg [dreg:$0x0]  }
0x2: {  	s0 =	rddreg [dreg:$0x1]  }
0x3: {  	s1 =	rddreg [dreg:$0x2]  }
0x4: {  	s3 =	simm.s32 $0x0;
	s4 =	srdreg.scid;
	s22 =	stileid.u32  }
0x5: {  	s28 =	simm.s32 $0x1;
	s29 =	simm.s32 $0x2;
	s30 =	simm.s32 $0x5  }
0x6: {  	s31 =	simm.s32 $0x3;
	s15 =	sand.u32 $0x1, s4;
	s4 =	smul.u32 $0xC40, s22  }
0x7: {  	[smem:$0x7FF] =	sst s3;
	s5 =	sadd.s32 $0xC37C00, s2;
	s17 =	smul.u32 $0x30D4, s22  }
0x8: {  	s6 =	sadd.s32 $0x95600, s2;
	s7 =	smul.u32 $0x62000, s22;
	s12 =	sshll.u32 s22, $0x6  }
0x9: {  	s16 =	smul.u32 $0xC350, s15;
	_ =	strace $0x8000004A;
	s8 =	ssub.s32 $0x2, s15  }
0xa: {  	s12 =	sor.u32 $0x1C09, s12;
	s15 =	smul.u32 $0x30D40, s15;
	s9 =	sshrl.u32 s8, $0x1  }
0xb: {  	s10 =	sadd.s32 $0x30D4, s17;
	s11 =	sshrl.u32 s7, $0x2;
	s7 =	sshrl.u32 s17, $0x4  }
0xc: {  	s17 =	sand.u32 $0x3FFF0, s17;
	s13 =	sadd.s32 s4, s16;
	s10 =	sshrl.u32 s10, $0x4  }
0xd: {  	s19 =	ssub.s32 s8, s9;
	s8 =	sadd.s32 s11, s1;
	s17 =	sadd.s32 s6, s17  }
0xe: {  	s26 =	sshll.u32 s7, $0x9;
	s21 =	sshll.u32 s7, $0x7;
	s23 =	sadd.s32 $0xC350, s16  }
0xf: {  	v1 =	vmov s16;
	s16 =	sadd.s32 $0xC6400, s2;
	s0 =	sadd.s32 s15, s0;
	s15 =	simm.s32 $0x0  }
0x10: {  	s14 =	sadd.s32 s13, s2;
	s9 =	ssub.s32 s10, s7;
	[dreg:$0x4] =	wrdreg s17  }
0x11: {  	s2 =	sadd.s32 $0xDF200, s2;
	s19 =	smax.u32 s19, $0x1;
	s10 =	sadd.s32 $0xFFFFFFFF, s9  }
0x12: {  	v2 =	vmov s23;
	s23 =	simm.s32 $0x200;
	s11 =	sadd.s32 $0xFFFFFFFE, s9;
	s18 =	sshll.u32 s10, $0x10  }
0x13: {  	[dreg:$0x8] =	wrdreg s19;
	s20 =	sshll.u32 s11, $0x10;
	s18 =	sshra.s32 s18, $0x1F  }
0x14: {  	s19 =	simm.s32 $0xA;
	s20 =	sshra.s32 s20, $0x1F;
	s24 =	sand.u32 $0x3, s18  }
0x15: {  	s25 =	sand.u32 $0x3, s20;
	s20 =	sadd.s32 s5, s26;
	s26 =	sadd.s32 s2, s13  }
0x16: {  	v3 =	vlaneseq.u32;
	s13 =	simm.s32 $0x6;
	s17 =	sadd.s32 s24, s10;
	s18 =	sadd.s32 s25, s11  }
0x17: {  	v0 =	vmul.u32 $0x20, v3;
	[dreg:$0x5] =	wrdreg s20;
	s20 =	sadd.s32 $0x80, s21;
	s24 =	smul.u32 $0x3100, s22  }
0x18: {  	s25 =	sadd.s32 $0xC6A00, s14;
	s22 =	simm.s32 $0x9;
	[dreg:$0xb] =	wrdreg s26  }
0x19: {  	v3 =	vmul.u32 $0x8, v3;
	v4 =	vor.u32 $0x1, v0;
	s14 =	simm.s32 $0x4;
	s17 =	sand.u32 $0xFFFC, s17;
	s18 =	sand.u32 $0xFFFC, s18  }
0x1a: {  	v5 =	vor.u32 $0x2, v0;
	v6 =	vor.u32 $0x3, v0;
	v7 =	vor.u32 $0x4, v0;
	s21 =	sshrl.u32 s20, $0x3;
	s20 =	sshll.u32 s20, $0x2;
	[dreg:$0xa] =	wrdreg s25  }
0x1b: {  	v8 =	vor.u32 $0x5, v0;
	v9 =	vor.u32 $0x6, v0;
	v10 =	vor.u32 $0x7, v0;
	s25 =	simm.s32 $0x80;
	s17 =	ssub.s32 s10, s17;
	s21 =	sadd.s32 s6, s21  }
0x1c: {  	v11 =	vor.u32 $0x8, v0;
	v12 =	vor.u32 $0x9, v0;
	v13 =	vor.u32 $0xA, v0;
	s18 =	ssub.s32 s11, s18;
	s20 =	sadd.s32 s5, s20;
	[dreg:$0x6] =	wrdreg s21  }
0x1d: {  	v14 =	vor.u32 $0xB, v0;
	v15 =	vor.u32 $0xC, v0;
	v16 =	vor.u32 $0xD, v0;
	s0 =	sadd.s32 s24, s0;
	s17 =	sand.u32 $0xFFFF, s17;
	[dreg:$0x7] =	wrdreg s20  }
0x1e: {  	v17 =	vor.u32 $0xE, v0;
	v18 =	vor.u32 $0xF, v0;
	v19 =	vor.u32 $0x10, v0;
	s18 =	sand.u32 $0xFFFF, s18;
	[dreg:$0x9] =	wrdreg s0;
	s20 =	simm.s32 $0x4200  }
.Ltmp0:
0x1f: {  	v20 =	vor.u32 $0x11, v0;
	v21 =	vor.u32 $0x12, v0;
	v22 =	vor.u32 $0x13, v0;
	s0 =	simm.s32 $0x4280;
	p0 =	seq.s32 s17, $0x0;
	(pc) =	sbr.rel .LBB2_1-.Ltmp0, $4  }
0x20: {  	v23 =	vor.u32 $0x14, v0;
	v24 =	vor.u32 $0x15, v0;
	v25 =	vor.u32 $0x16, v0;
	p1 =	seq.s32 s18, $0x0;
	p6 =	seq.s32 s17, $0x1;
	p2 =	seq.s32 s18, $0x1  }
0x21: {  	v26 =	vor.u32 $0x17, v0;
	v27 =	vor.u32 $0x18, v0;
	v28 =	vor.u32 $0x19, v0;
	p3 =	seq.s32 s17, $0x2;
	p4 =	seq.s32 s18, $0x2;
	p5 =	seq.s32 s17, $0x3  }
0x22: {  	v29 =	vor.u32 $0x1A, v0;
	v30 =	vor.u32 $0x1B, v0;
	v31 =	vor.u32 $0x1C, v0;
	p0 =	por p0, p1;
	p1 =	por p6, p2;
	p6 =	seq.s32 s18, $0x3  }
0x23: {  	v32 =	vor.u32 $0x1D, v0;
	v33 =	vor.u32 $0x1E, v0;
	v34 =	vor.u32 $0x1F, v0;
	p2 =	por p3, p4;
	s18 =	sadd.s32 $0xFFFFFFFD, s9;
	p3 =	por p5, p6  }
.LBB2_25:
0x24: {  	s15 =	rddreg [dreg:$0xc]  }
0x25: {  	s2 =	rddreg [dreg:$0x8];
	s15 =	sadd.s32 $0x1, s15  }
0x26: {  	p4 =	sne.s32 s15, s2  }
.Ltmp1:
0x27: {  	_ = 	snop;
	(pc) =	sbr.rel @!p4 .LBB2_26-.Ltmp1, $1  }
0x28: {  	_ =	sdelay $0x3  }
.LBB2_1:
0x29: {  	s2 =	sadd.s32 $0x0, s8  }
0x2a: {  	[dreg:$0xc] =	wrdreg s15;
	s2 =	sshrl.u32 s2, $0x3  }
0x2b: {  	[spmem:s2], [sflag:s12] =	dma.local [hbm:s16], $0x80  }
0x2c: {  	s2 =	simm.s32 $0x1000;
	_ =	swait.ge [sflag:s22], $0x80  }
.LBB2_2:
0x2d: {  	s15 =	sshra.s32 s2, $0x2;
	[sflag:s22] =	ssyncset.done $0x0;
	p4 =	sne.s32 s2, $0x61000  }
.Ltmp2:
0x2e: {  	s15 =	sadd.s32 s15, s8;
	[sflag:s22] =	ssyncadd.s32 $0xFFFFFF80;
	(pc) =	sbr.rel @p4 .LBB2_2-.Ltmp2, $4  }
0x2f: {  	s2 =	sadd.s32 $0x1000, s2;
	s15 =	sshrl.u32 s15, $0x3  }
0x30: {  	[spmem:s15], [sflag:s12] =	dma.local [hbm:s16], $0x80  }
0x31: {  	_ = 	snop  }
0x32: {  	_ =	swait.ge [sflag:s22], $0x80  }
0x33: {  	[sflag:s22] =	ssyncset.done $0x0  }
0x34: {  	[sflag:s22] =	ssyncadd.s32 $0xFFFFFF80  }
0x35: {  	[bflag:$0x0] =	sbarrier.arrive $0xFFFF  }
0x36: {  	s2 =	simm.s32 $0x0;
	s15 =	rddreg [dreg:$0x4]  }
0x37: {  	[tilespmem:s2], [sflag:$0x1] =	stream.linear.gather [hbm4b:s15+s2], $0x80, $0x38;
	[tilespmem:$0x1CB00] =	vst v63  }
0x38: {  	s21 =	rddreg [dreg:$0x5]  }
0x39: {  	[tilespmem:s23], [sflag:$0x1] =	stream.linear.gather [hbm4b:s21+s2], $0x1000, $0x38;
	[tilespmem:$0x1CB00] =	vst v63  }
.Ltmp3:
0x3a: {  	_ = 	snop;
	(pc) =	sbr.rel .LBB2_4-.Ltmp3, $4  }
0x3b: {  	s24 =	rddreg [dreg:$0x6]  }
0x3c: {  	[tilespmem:s25], [sflag:$0x2] =	stream.linear.gather [hbm4b:s24+s2], $0x80, $0x38;
	[tilespmem:$0x1CB00] =	vst v63  }
0x3d: {  	s17 =	simm.s32 $0x1200;
	s26 =	rddreg [dreg:$0x7]  }
0x3e: {  	[tilespmem:s17], [sflag:$0x2] =	stream.linear.gather [hbm4b:s26+s2], $0x1000, $0x38;
	[tilespmem:$0x1CB00] =	vst v63  }
.LBB2_20:
0x3f: {  	s2 =	sadd.s32 $0x1, s2  }
0x40: {  	p4 =	sne.s32 s2, $0xC5  }
.Ltmp4:
0x41: {  	_ = 	snop;
	(pc) =	sbr.rel @!p4 .LBB2_21-.Ltmp4, $1  }
0x42: {  	_ =	sdelay $0x3  }
.LBB2_4:
0x43: {  	s15 =	sshll.u32 s2, $0x2  }
0x44: {  	p5 =	sge.s32 s15, s9  }
.Ltmp5:
0x45: {  	_ = 	snop;
	(pc) =	sbr.rel @p5 .LBB2_8-.Ltmp5, $2  }
0x46: {  	_ =	sdelay $0x2  }
0x47: {  	p4 =	seq.s32 s2, $0x0  }
0x48: {  	s17 =	simm.s32 @!p4 $0x7;
	s26 =	sor.u32 $0x2, s15  }
0x49: {  	_ =	swait.ge @!p4 [sflag:s17], $0x1000;
	p5 =	sge.u32 s26, s9  }
0x4a: {  	[sflag:s17] =	ssyncset.done @!p4 $0x0;
	s26 =	sadd.s32 @!p5 s7, s26  }
0x4b: {  	[sflag:s17] =	ssyncadd.s32 @!p4 $0xFFFFF000;
	s17 =	sshll.u32 @!p5 s26, $0x4  }
0x4c: {  	s21 =	simm.s32 @!p5 $0x0;
	s24 =	simm.s32 @!p5 $0x100;
	s17 =	sadd.s32 @!p5 s6, s17  }
0x4d: {  	[tilespmem:s24], [sflag:$0x3] =	stream.linear.gather @!p5 [hbm4b:s17+s21], $0x80, $0x38;
	[tilespmem:$0x1CB00] =	vst v63  }
0x4e: {  	s17 =	sshll.u32 @!p5 s26, $0x9  }
0x4f: {  	s24 =	simm.s32 @!p5 $0x2200;
	s17 =	sadd.s32 @!p5 s5, s17  }
0x50: {  	[tilespmem:s24], [sflag:$0x3] =	stream.linear.gather @!p5 [hbm4b:s17+s21], $0x1000, $0x38;
	[tilespmem:$0x1CB00] =	vst v63  }
0x51: {  	_ =	swait.ge [sflag:s28], $0x80  }
0x52: {  	[sflag:s28] =	ssyncset.done $0x0  }
0x53: {  	[sflag:s28] =	ssyncadd.s32 $0xFFFFFF80  }
0x54: {  	_ =	swait.ge [sflag:s28], $0x1000  }
0x55: {  	[sflag:s28] =	ssyncset.done $0x0  }
0x56: {  	s26 =	simm.s32 $0x40;
	s17 =	simm.s32 $0x0;
	[sflag:s28] =	ssyncadd.s32 $0xFFFFF000  }
.LBB2_6:
0x57: {  	p5 =	sne.s32 s26, $0x1C0;
	v35 =	vld [tilespmem:s17+$0x0];
	_ =	sdelay $0x4  }
0x58: {  	v36 =	vshra.s32 v35, $0x1F  }
0x59: {  	v36 =	vshrl.u32 v36, $0x19  }
0x5a: {  	v36 =	vadd.s32 v36, v35  }
0x5b: {  	v36 =	vshrl.u32 v36, $0x7  }
.Ltmp6:
0x5c: {  	v36 =	vshll.u32 v36, $0x7;
	(pc) =	sbr.rel @p5 .LBB2_6-.Ltmp6, $4  }
0x5d: {  	vm0 =	vge.s32 v35, v1;
	vm1 =	vlt.s32 v35, v2;
	v36 =	vsub.s32 v35, v36  }
0x5e: {  	vm0 =	vmand vm0, vm1;
	v35 =	vsub.s32 v35, v1;
	v36 =	vadd.s32 $0xC350, v36  }
0x5f: {  	v35 =	vsel vm0, v35, v36  }
0x60: {  	[tilespmem:s17+$0x0] =	vst v35;
	s17 =	sshra.s32 s26, $0x2;
	s26 =	sadd.s32 $0x40, s26  }
0x61: {  	v35 =	vld [tilespmem:s17+$0x0];
	_ =	sdelay $0x4  }
0x62: {  	v36 =	vshra.s32 v35, $0x1F  }
0x63: {  	v36 =	vshrl.u32 v36, $0x19  }
0x64: {  	v36 =	vadd.s32 v36, v35  }
0x65: {  	v36 =	vshrl.u32 v36, $0x7  }
0x66: {  	v36 =	vshll.u32 v36, $0x7  }
0x67: {  	vm0 =	vge.s32 v35, v1;
	vm1 =	vlt.s32 v35, v2;
	v36 =	vsub.s32 v35, v36  }
0x68: {  	vm0 =	vmand vm0, vm1;
	v35 =	vsub.s32 v35, v1;
	v36 =	vadd.s32 $0xC350, v36  }
0x69: {  	v35 =	vsel vm0, v35, v36  }
0x6a: {  	[tilespmem:s17+$0x0] =	vst v35  }
0x6b: {  	[spmem:s1] =	stream.indirect.scatter.add.f32 [tilespmem:s23], [sflag:$0x5], $0x20, s3, s25, $0xb8;
	[tilespmem:$0x1CB00] =	vst v63  }
.LBB2_8:
0x6c: {  	p5 =	sge.s32 s15, s10  }
.Ltmp7:
0x6d: {  	_ = 	snop;
	(pc) =	sbr.rel @p5 .LBB2_12-.Ltmp7, $1  }
0x6e: {  	_ =	sdelay $0x3  }
0x6f: {  	s17 =	simm.s32 @!p4 $0x8;
	s21 =	sor.u32 $0x3, s15  }
0x70: {  	_ =	swait.ge @!p4 [sflag:s17], $0x1000;
	p5 =	sge.s32 s21, s9  }
0x71: {  	[sflag:s17] =	ssyncset.done @!p4 $0x0;
	s21 =	sadd.s32 @!p5 s7, s21  }
0x72: {  	[sflag:s17] =	ssyncadd.s32 @!p4 $0xFFFFF000;
	s17 =	sshll.u32 @!p5 s21, $0x4  }
0x73: {  	s24 =	simm.s32 @!p5 $0x0;
	s26 =	simm.s32 @!p5 $0x180;
	s17 =	sadd.s32 @!p5 s6, s17  }
0x74: {  	[tilespmem:s26], [sflag:$0x4] =	stream.linear.gather @!p5 [hbm4b:s17+s24], $0x80, $0x38;
	[tilespmem:$0x1CB00] =	vst v63  }
0x75: {  	s17 =	sshll.u32 @!p5 s21, $0x9  }
0x76: {  	s21 =	simm.s32 @!p5 $0x3200;
	s17 =	sadd.s32 @!p5 s5, s17  }
0x77: {  	[tilespmem:s21], [sflag:$0x4] =	stream.linear.gather @!p5 [hbm4b:s17+s24], $0x1000, $0x38;
	[tilespmem:$0x1CB00] =	vst v63  }
0x78: {  	_ =	swait.ge [sflag:s29], $0x80  }
0x79: {  	[sflag:s29] =	ssyncset.done $0x0  }
0x7a: {  	[sflag:s29] =	ssyncadd.s32 $0xFFFFFF80  }
0x7b: {  	_ =	swait.ge [sflag:s29], $0x1000  }
0x7c: {  	[sflag:s29] =	ssyncset.done $0x0  }
0x7d: {  	s26 =	simm.s32 $0x40;
	s17 =	simm.s32 $0x0;
	[sflag:s29] =	ssyncadd.s32 $0xFFFFF000  }
.LBB2_10:
0x7e: {  	p4 =	sne.s32 s26, $0x1C0;
	v35 =	vld [tilespmem:s17+$0x80];
	_ =	sdelay $0x4  }
0x7f: {  	v36 =	vshra.s32 v35, $0x1F  }
0x80: {  	v36 =	vshrl.u32 v36, $0x19  }
0x81: {  	v36 =	vadd.s32 v36, v35  }
0x82: {  	v36 =	vshrl.u32 v36, $0x7  }
.Ltmp8:
0x83: {  	v36 =	vshll.u32 v36, $0x7;
	(pc) =	sbr.rel @p4 .LBB2_10-.Ltmp8, $4  }
0x84: {  	vm0 =	vge.s32 v35, v1;
	vm1 =	vlt.s32 v35, v2;
	v36 =	vsub.s32 v35, v36  }
0x85: {  	vm0 =	vmand vm0, vm1;
	v35 =	vsub.s32 v35, v1;
	v36 =	vadd.s32 $0xC350, v36  }
0x86: {  	v35 =	vsel vm0, v35, v36  }
0x87: {  	[tilespmem:s17+$0x80] =	vst v35;
	s17 =	sshra.s32 s26, $0x2;
	s26 =	sadd.s32 $0x40, s26  }
0x88: {  	v35 =	vld [tilespmem:s17+$0x80];
	_ =	sdelay $0x4  }
0x89: {  	v36 =	vshra.s32 v35, $0x1F  }
0x8a: {  	v36 =	vshrl.u32 v36, $0x19  }
0x8b: {  	v36 =	vadd.s32 v36, v35  }
0x8c: {  	v36 =	vshrl.u32 v36, $0x7  }
0x8d: {  	v36 =	vshll.u32 v36, $0x7  }
0x8e: {  	vm0 =	vge.s32 v35, v1;
	vm1 =	vlt.s32 v35, v2;
	v36 =	vsub.s32 v35, v36  }
0x8f: {  	vm0 =	vmand vm0, vm1;
	v35 =	vsub.s32 v35, v1;
	v36 =	vadd.s32 $0xC350, v36  }
0x90: {  	v35 =	vsel vm0, v35, v36  }
0x91: {  	s26 =	simm.s32 $0x1200;
	[tilespmem:s17+$0x80] =	vst v35  }
0x92: {  	[spmem:s1] =	stream.indirect.scatter.add.f32 [tilespmem:s26], [sflag:$0x6], $0x20, s25, s25, $0xb8;
	[tilespmem:$0x1CB00] =	vst v63  }
.LBB2_12:
0x93: {  	p4 =	sge.s32 s15, s11  }
.Ltmp9:
0x94: {  	_ = 	snop;
	(pc) =	sbr.rel @p4 .LBB2_16-.Ltmp9, $1  }
0x95: {  	_ =	sdelay $0x3  }
0x96: {  	s17 =	sadd.s32 $0x4, s15  }
0x97: {  	_ =	swait.ge [sflag:s30], $0x1000;
	p4 =	sge.s32 s17, s9  }
0x98: {  	[sflag:s30] =	ssyncset.done $0x0;
	s17 =	sadd.s32 @!p4 s7, s17  }
0x99: {  	[sflag:s30] =	ssyncadd.s32 $0xFFFFF000;
	s21 =	sshll.u32 @!p4 s17, $0x4  }
0x9a: {  	s24 =	simm.s32 @!p4 $0x0;
	s17 =	sshll.u32 @!p4 s17, $0x9;
	s21 =	sadd.s32 @!p4 s6, s21  }
0x9b: {  	[tilespmem:s24], [sflag:$0x1] =	stream.linear.gather @!p4 [hbm4b:s21+s24], $0x80, $0x38;
	[tilespmem:$0x1CB00] =	vst v63  }
0x9c: {  	s17 =	sadd.s32 @!p4 s5, s17;
	s21 =	simm.s32 @!p4 $0x200  }
0x9d: {  	[tilespmem:s21], [sflag:$0x1] =	stream.linear.gather @!p4 [hbm4b:s17+s24], $0x1000, $0x38;
	[tilespmem:$0x1CB00] =	vst v63  }
0x9e: {  	_ =	swait.ge [sflag:s31], $0x80  }
0x9f: {  	[sflag:s31] =	ssyncset.done $0x0  }
0xa0: {  	[sflag:s31] =	ssyncadd.s32 $0xFFFFFF80  }
0xa1: {  	_ =	swait.ge [sflag:s31], $0x1000  }
0xa2: {  	[sflag:s31] =	ssyncset.done $0x0  }
0xa3: {  	s26 =	simm.s32 $0x40;
	s17 =	simm.s32 $0x0;
	[sflag:s31] =	ssyncadd.s32 $0xFFFFF000  }
.LBB2_14:
0xa4: {  	p4 =	sne.s32 s26, $0x1C0;
	v35 =	vld [tilespmem:s17+$0x100];
	_ =	sdelay $0x4  }
0xa5: {  	v36 =	vshra.s32 v35, $0x1F  }
0xa6: {  	v36 =	vshrl.u32 v36, $0x19  }
0xa7: {  	v36 =	vadd.s32 v36, v35  }
0xa8: {  	v36 =	vshrl.u32 v36, $0x7  }
.Ltmp10:
0xa9: {  	v36 =	vshll.u32 v36, $0x7;
	(pc) =	sbr.rel @p4 .LBB2_14-.Ltmp10, $4  }
0xaa: {  	vm0 =	vge.s32 v35, v1;
	vm1 =	vlt.s32 v35, v2;
	v36 =	vsub.s32 v35, v36  }
0xab: {  	vm0 =	vmand vm0, vm1;
	v35 =	vsub.s32 v35, v1;
	v36 =	vadd.s32 $0xC350, v36  }
0xac: {  	v35 =	vsel vm0, v35, v36  }
0xad: {  	[tilespmem:s17+$0x100] =	vst v35;
	s17 =	sshra.s32 s26, $0x2;
	s26 =	sadd.s32 $0x40, s26  }
0xae: {  	v35 =	vld [tilespmem:s17+$0x100];
	_ =	sdelay $0x4  }
0xaf: {  	v36 =	vshra.s32 v35, $0x1F  }
0xb0: {  	v36 =	vshrl.u32 v36, $0x19  }
0xb1: {  	v36 =	vadd.s32 v36, v35  }
0xb2: {  	v36 =	vshrl.u32 v36, $0x7  }
0xb3: {  	v36 =	vshll.u32 v36, $0x7  }
0xb4: {  	vm0 =	vge.s32 v35, v1;
	vm1 =	vlt.s32 v35, v2;
	v36 =	vsub.s32 v35, v36  }
0xb5: {  	vm0 =	vmand vm0, vm1;
	v35 =	vsub.s32 v35, v1;
	v36 =	vadd.s32 $0xC350, v36  }
0xb6: {  	v35 =	vsel vm0, v35, v36  }
0xb7: {  	s26 =	simm.s32 $0x100;
	s21 =	simm.s32 $0x2200;
	[tilespmem:s17+$0x100] =	vst v35  }
0xb8: {  	[spmem:s1] =	stream.indirect.scatter.add.f32 [tilespmem:s21], [sflag:$0x7], $0x20, s26, s25, $0xb8;
	[tilespmem:$0x1CB00] =	vst v63  }
.LBB2_16:
0xb9: {  	p4 =	sge.s32 s15, s18  }
.Ltmp11:
0xba: {  	_ = 	snop;
	(pc) =	sbr.rel @p4 .LBB2_20-.Ltmp11, $1  }
0xbb: {  	_ =	sdelay $0x3  }
0xbc: {  	s15 =	sadd.s32 $0x5, s15  }
0xbd: {  	_ =	swait.ge [sflag:s13], $0x1000;
	p4 =	sge.s32 s15, s9  }
0xbe: {  	[sflag:s13] =	ssyncset.done $0x0;
	s15 =	sadd.s32 @!p4 s7, s15  }
0xbf: {  	[sflag:s13] =	ssyncadd.s32 $0xFFFFF000;
	s21 =	simm.s32 @!p4 $0x0;
	s17 =	sshll.u32 @!p4 s15, $0x4  }
0xc0: {  	s24 =	simm.s32 @!p4 $0x80;
	s15 =	sshll.u32 @!p4 s15, $0x9;
	s17 =	sadd.s32 @!p4 s6, s17  }
0xc1: {  	[tilespmem:s24], [sflag:$0x2] =	stream.linear.gather @!p4 [hbm4b:s17+s21], $0x80, $0x38;
	[tilespmem:$0x1CB00] =	vst v63  }
0xc2: {  	s15 =	sadd.s32 @!p4 s5, s15;
	s17 =	simm.s32 @!p4 $0x1200  }
0xc3: {  	[tilespmem:s17], [sflag:$0x2] =	stream.linear.gather @!p4 [hbm4b:s15+s21], $0x1000, $0x38;
	[tilespmem:$0x1CB00] =	vst v63  }
0xc4: {  	_ =	swait.ge [sflag:s14], $0x80  }
0xc5: {  	[sflag:s14] =	ssyncset.done $0x0  }
0xc6: {  	[sflag:s14] =	ssyncadd.s32 $0xFFFFFF80  }
0xc7: {  	_ =	swait.ge [sflag:s14], $0x1000  }
0xc8: {  	[sflag:s14] =	ssyncset.done $0x0  }
0xc9: {  	s15 =	simm.s32 $0x0;
	s17 =	simm.s32 $0x40;
	[sflag:s14] =	ssyncadd.s32 $0xFFFFF000  }
.LBB2_18:
0xca: {  	p4 =	sne.s32 s17, $0x1C0;
	v35 =	vld [tilespmem:s15+$0x180];
	_ =	sdelay $0x4  }
0xcb: {  	v36 =	vshra.s32 v35, $0x1F  }
0xcc: {  	v36 =	vshrl.u32 v36, $0x19  }
0xcd: {  	v36 =	vadd.s32 v36, v35  }
0xce: {  	v36 =	vshrl.u32 v36, $0x7  }
.Ltmp12:
0xcf: {  	v36 =	vshll.u32 v36, $0x7;
	(pc) =	sbr.rel @p4 .LBB2_18-.Ltmp12, $4  }
0xd0: {  	vm0 =	vge.s32 v35, v1;
	vm1 =	vlt.s32 v35, v2;
	v36 =	vsub.s32 v35, v36  }
0xd1: {  	vm0 =	vmand vm0, vm1;
	v35 =	vsub.s32 v35, v1;
	v36 =	vadd.s32 $0xC350, v36  }
0xd2: {  	v35 =	vsel vm0, v35, v36  }
0xd3: {  	[tilespmem:s15+$0x180] =	vst v35;
	s15 =	sshra.s32 s17, $0x2;
	s17 =	sadd.s32 $0x40, s17  }
0xd4: {  	v35 =	vld [tilespmem:s15+$0x180];
	_ =	sdelay $0x4  }
0xd5: {  	v36 =	vshra.s32 v35, $0x1F  }
0xd6: {  	v36 =	vshrl.u32 v36, $0x19  }
0xd7: {  	v36 =	vadd.s32 v36, v35  }
0xd8: {  	v36 =	vshrl.u32 v36, $0x7  }
0xd9: {  	v36 =	vshll.u32 v36, $0x7  }
.Ltmp13:
0xda: {  	vm0 =	vge.s32 v35, v1;
	vm1 =	vlt.s32 v35, v2;
	v36 =	vsub.s32 v35, v36;
	(pc) =	sbr.rel .LBB2_20-.Ltmp13, $4  }
0xdb: {  	vm0 =	vmand vm0, vm1;
	v35 =	vsub.s32 v35, v1;
	v36 =	vadd.s32 $0xC350, v36  }
0xdc: {  	v35 =	vsel vm0, v35, v36  }
0xdd: {  	s26 =	simm.s32 $0x180;
	s17 =	simm.s32 $0x3200;
	[tilespmem:s15+$0x180] =	vst v35  }
0xde: {  	[spmem:s1] =	stream.indirect.scatter.add.f32 [tilespmem:s17], [sflag:$0x8], $0x20, s26, s25, $0xb8;
	[tilespmem:$0x1CB00] =	vst v63  }
.LBB2_21:
0xdf: {  	s2 =	simm.s32 @p0 $0x5  }
0xe0: {  	_ =	swait.ge @p0 [sflag:s2], $0x1000  }
0xe1: {  	[sflag:s2] =	ssyncset.done @p0 $0x0  }
0xe2: {  	[sflag:s2] =	ssyncadd.s32 @p0 $0xFFFFF000;
	s2 =	simm.s32 @p1 $0x6  }
0xe3: {  	_ =	swait.ge @p1 [sflag:s2], $0x1000  }
0xe4: {  	[sflag:s2] =	ssyncset.done @p1 $0x0  }
0xe5: {  	[sflag:s2] =	ssyncadd.s32 @p1 $0xFFFFF000;
	s2 =	simm.s32 @p2 $0x7  }
0xe6: {  	_ =	swait.ge @p2 [sflag:s2], $0x1000  }
0xe7: {  	[sflag:s2] =	ssyncset.done @p2 $0x0  }
0xe8: {  	[sflag:s2] =	ssyncadd.s32 @p2 $0xFFFFF000;
	s2 =	simm.s32 @p3 $0x8  }
.Ltmp14:
0xe9: {  	_ =	swait.ge @p3 [sflag:s2], $0x1000;
	(pc) =	sbr.rel .LBB2_22-.Ltmp14, $4  }
0xea: {  	[sflag:s2] =	ssyncset.done @p3 $0x0  }
0xeb: {  	[sflag:s2] =	ssyncadd.s32 @p3 $0xFFFFF000  }
0xec: {  	[bflag:$0x0] =	sbarrier.arrive $0xFFFF  }
0xed: {  	s17 =	smov.u32 s8;
	s2 =	simm.s32 $0x0;
	s15 =	rddreg [dreg:$0x9]  }
.LBB2_24:
0xee: {  	s2 =	sadd.s32 $0x10, s2  }
0xef: {  	p4 =	sne.s32 s2, $0xC40  }
.Ltmp15:
0xf0: {  	_ = 	snop;
	(pc) =	sbr.rel @!p4 .LBB2_25-.Ltmp15, $2  }
0xf1: {  	_ =	sdelay $0x2  }
0xf2: {  	s17 =	sadd.s32 $0x200, s17;
	s15 =	sadd.s32 $0x40, s15  }
.LBB2_22:
0xf3: {  	s21 =	sadd.s32 s2, s4  }
0xf4: {  	p4 =	sgt.u32 s21, $0xC34F  }
.Ltmp16:
0xf5: {  	_ = 	snop;
	(pc) =	sbr.rel @p4 .LBB2_24-.Ltmp16, $1  }
0xf6: {  	_ =	sdelay $0x3  }
0xf7: {  	[tilespmem:s23], [sflag:$0xA] =	stream.linear.gather [spmem:s17], $0x200, $0x38;
	[tilespmem:$0x1CB00] =	vst v63  }
0xf8: {  	_ =	swait.ge [sflag:s19], $0x200  }
0xf9: {  	[sflag:s19] =	ssyncset.done $0x0;
	s21 =	rddreg [dreg:$0xa]  }
0xfa: {  	[sflag:s19] =	ssyncadd.s32 $0xFFFFFE00;
	s21 =	sadd.s32 s2, s21  }
0xfb: {  	[tilespmem:s20], [sflag:$0xA] =	stream.linear.gather [hbm4b:s21+s3], $0x80, $0x38;
	[tilespmem:$0x1CB00] =	vst v63  }
0xfc: {  	_ =	swait.ge [sflag:s19], $0x80  }
0xfd: {  	[sflag:s19] =	ssyncset.done $0x0;
	s26 =	rddreg [dreg:$0xb]  }
0xfe: {  	[sflag:s19] =	ssyncadd.s32 $0xFFFFFF80;
	s21 =	sadd.s32 s2, s26  }
0xff: {  	[tilespmem:s0], [sflag:$0xA] =	stream.linear.gather [hbm4b:s21+s3], $0x80, $0x38;
	[tilespmem:$0x1CB00] =	vst v63  }
0x100: {  	_ =	swait.ge [sflag:s19], $0x80  }
0x101: {  	[sflag:s19] =	ssyncset.done $0x0  }
0x102: {  	[sflag:s19] =	ssyncadd.s32 $0xFFFFFF80  }
0x103: {  	v35 =	vld.idx.msk [tilespmem:v3+s20+$0x0], $0xffff  }
0x104: {  	v36 =	vld.idx.msk [tilespmem:v3+s0+$0x0], $0xffff;
	_ =	sdelay $0x4  }
0x105: {  	v35 =	vadd.f32 v36, v35;
	_ =	sdelay $0x1  }
0x106: {  	v35 =	vmax.f32 v35, $1.000000000e+00  }
0x107: {  	(erf) = vrcp.f32 v35;
	_ =	sdelay $0x4  }
0x108: {  	v62 =	vld.idx.msk [tilespmem:v0+s23+$0x0], $0xffff;
	_ =	sdelay $0x3  }
0x109: {  	v63 =	vpop (erf)  }
0x10a: {  	v35 =	vmul.f32 v63, v62;
	_ =	sdelay $0x1  }
0x10b: {  	[tilespmem:v0+s23+$0x0] =	vst.idx.msk $0xffff, v35  }
0x10c: {  	v35 =	vld.idx.msk [tilespmem:v4+s23+$0x0], $0xffff;
	_ =	sdelay $0x4  }
0x10d: {  	v35 =	vmul.f32 v63, v35;
	_ =	sdelay $0x1  }
0x10e: {  	[tilespmem:v4+s23+$0x0] =	vst.idx.msk $0xffff, v35  }
0x10f: {  	v35 =	vld.idx.msk [tilespmem:v5+s23+$0x0], $0xffff;
	_ =	sdelay $0x4  }
0x110: {  	v35 =	vmul.f32 v35, v63;
	_ =	sdelay $0x1  }
0x111: {  	[tilespmem:v5+s23+$0x0] =	vst.idx.msk $0xffff, v35  }
0x112: {  	v35 =	vld.idx.msk [tilespmem:v6+s23+$0x0], $0xffff;
	_ =	sdelay $0x4  }
0x113: {  	v35 =	vmul.f32 v35, v63;
	_ =	sdelay $0x1  }
0x114: {  	[tilespmem:v6+s23+$0x0] =	vst.idx.msk $0xffff, v35  }
0x115: {  	v35 =	vld.idx.msk [tilespmem:v7+s23+$0x0], $0xffff;
	_ =	sdelay $0x4  }
0x116: {  	v35 =	vmul.f32 v35, v63;
	_ =	sdelay $0x1  }
0x117: {  	[tilespmem:v7+s23+$0x0] =	vst.idx.msk $0xffff, v35  }
0x118: {  	v35 =	vld.idx.msk [tilespmem:v8+s23+$0x0], $0xffff;
	_ =	sdelay $0x4  }
0x119: {  	v35 =	vmul.f32 v35, v63;
	_ =	sdelay $0x1  }
0x11a: {  	[tilespmem:v8+s23+$0x0] =	vst.idx.msk $0xffff, v35  }
0x11b: {  	v35 =	vld.idx.msk [tilespmem:v9+s23+$0x0], $0xffff;
	_ =	sdelay $0x4  }
0x11c: {  	v35 =	vmul.f32 v35, v63;
	_ =	sdelay $0x1  }
0x11d: {  	[tilespmem:v9+s23+$0x0] =	vst.idx.msk $0xffff, v35  }
0x11e: {  	v35 =	vld.idx.msk [tilespmem:v10+s23+$0x0], $0xffff;
	_ =	sdelay $0x4  }
0x11f: {  	v35 =	vmul.f32 v35, v63;
	_ =	sdelay $0x1  }
0x120: {  	[tilespmem:v10+s23+$0x0] =	vst.idx.msk $0xffff, v35  }
0x121: {  	v35 =	vld.idx.msk [tilespmem:v11+s23+$0x0], $0xffff;
	_ =	sdelay $0x4  }
0x122: {  	v35 =	vmul.f32 v35, v63;
	_ =	sdelay $0x1  }
0x123: {  	[tilespmem:v11+s23+$0x0] =	vst.idx.msk $0xffff, v35  }
0x124: {  	v35 =	vld.idx.msk [tilespmem:v12+s23+$0x0], $0xffff;
	_ =	sdelay $0x4  }
0x125: {  	v35 =	vmul.f32 v35, v63;
	_ =	sdelay $0x1  }
0x126: {  	[tilespmem:v12+s23+$0x0] =	vst.idx.msk $0xffff, v35  }
0x127: {  	v35 =	vld.idx.msk [tilespmem:v13+s23+$0x0], $0xffff;
	_ =	sdelay $0x4  }
0x128: {  	v35 =	vmul.f32 v35, v63;
	_ =	sdelay $0x1  }
0x129: {  	[tilespmem:v13+s23+$0x0] =	vst.idx.msk $0xffff, v35  }
0x12a: {  	v35 =	vld.idx.msk [tilespmem:v14+s23+$0x0], $0xffff;
	_ =	sdelay $0x4  }
0x12b: {  	v35 =	vmul.f32 v35, v63;
	_ =	sdelay $0x1  }
0x12c: {  	[tilespmem:v14+s23+$0x0] =	vst.idx.msk $0xffff, v35  }
0x12d: {  	v35 =	vld.idx.msk [tilespmem:v15+s23+$0x0], $0xffff;
	_ =	sdelay $0x4  }
0x12e: {  	v35 =	vmul.f32 v35, v63;
	_ =	sdelay $0x1  }
0x12f: {  	[tilespmem:v15+s23+$0x0] =	vst.idx.msk $0xffff, v35  }
0x130: {  	v35 =	vld.idx.msk [tilespmem:v16+s23+$0x0], $0xffff;
	_ =	sdelay $0x4  }
0x131: {  	v35 =	vmul.f32 v35, v63;
	_ =	sdelay $0x1  }
0x132: {  	[tilespmem:v16+s23+$0x0] =	vst.idx.msk $0xffff, v35  }
0x133: {  	v35 =	vld.idx.msk [tilespmem:v17+s23+$0x0], $0xffff;
	_ =	sdelay $0x4  }
0x134: {  	v35 =	vmul.f32 v35, v63;
	_ =	sdelay $0x1  }
0x135: {  	[tilespmem:v17+s23+$0x0] =	vst.idx.msk $0xffff, v35  }
0x136: {  	v35 =	vld.idx.msk [tilespmem:v18+s23+$0x0], $0xffff;
	_ =	sdelay $0x4  }
0x137: {  	v35 =	vmul.f32 v35, v63;
	_ =	sdelay $0x1  }
0x138: {  	[tilespmem:v18+s23+$0x0] =	vst.idx.msk $0xffff, v35  }
0x139: {  	v35 =	vld.idx.msk [tilespmem:v19+s23+$0x0], $0xffff;
	_ =	sdelay $0x4  }
0x13a: {  	v35 =	vmul.f32 v35, v63;
	_ =	sdelay $0x1  }
0x13b: {  	[tilespmem:v19+s23+$0x0] =	vst.idx.msk $0xffff, v35  }
0x13c: {  	v35 =	vld.idx.msk [tilespmem:v20+s23+$0x0], $0xffff;
	_ =	sdelay $0x4  }
0x13d: {  	v35 =	vmul.f32 v35, v63;
	_ =	sdelay $0x1  }
0x13e: {  	[tilespmem:v20+s23+$0x0] =	vst.idx.msk $0xffff, v35  }
0x13f: {  	v35 =	vld.idx.msk [tilespmem:v21+s23+$0x0], $0xffff;
	_ =	sdelay $0x4  }
0x140: {  	v35 =	vmul.f32 v35, v63;
	_ =	sdelay $0x1  }
0x141: {  	[tilespmem:v21+s23+$0x0] =	vst.idx.msk $0xffff, v35  }
0x142: {  	v35 =	vld.idx.msk [tilespmem:v22+s23+$0x0], $0xffff;
	_ =	sdelay $0x4  }
0x143: {  	v35 =	vmul.f32 v35, v63;
	_ =	sdelay $0x1  }
0x144: {  	[tilespmem:v22+s23+$0x0] =	vst.idx.msk $0xffff, v35  }
0x145: {  	v35 =	vld.idx.msk [tilespmem:v23+s23+$0x0], $0xffff;
	_ =	sdelay $0x4  }
0x146: {  	v35 =	vmul.f32 v35, v63;
	_ =	sdelay $0x1  }
0x147: {  	[tilespmem:v23+s23+$0x0] =	vst.idx.msk $0xffff, v35  }
0x148: {  	v35 =	vld.idx.msk [tilespmem:v24+s23+$0x0], $0xffff;
	_ =	sdelay $0x4  }
0x149: {  	v35 =	vmul.f32 v35, v63;
	_ =	sdelay $0x1  }
0x14a: {  	[tilespmem:v24+s23+$0x0] =	vst.idx.msk $0xffff, v35  }
0x14b: {  	v35 =	vld.idx.msk [tilespmem:v25+s23+$0x0], $0xffff;
	_ =	sdelay $0x4  }
0x14c: {  	v35 =	vmul.f32 v35, v63;
	_ =	sdelay $0x1  }
0x14d: {  	[tilespmem:v25+s23+$0x0] =	vst.idx.msk $0xffff, v35  }
0x14e: {  	v35 =	vld.idx.msk [tilespmem:v26+s23+$0x0], $0xffff;
	_ =	sdelay $0x4  }
0x14f: {  	v35 =	vmul.f32 v35, v63;
	_ =	sdelay $0x1  }
0x150: {  	[tilespmem:v26+s23+$0x0] =	vst.idx.msk $0xffff, v35  }
0x151: {  	v35 =	vld.idx.msk [tilespmem:v27+s23+$0x0], $0xffff;
	_ =	sdelay $0x4  }
0x152: {  	v35 =	vmul.f32 v35, v63;
	_ =	sdelay $0x1  }
0x153: {  	[tilespmem:v27+s23+$0x0] =	vst.idx.msk $0xffff, v35  }
0x154: {  	v35 =	vld.idx.msk [tilespmem:v28+s23+$0x0], $0xffff;
	_ =	sdelay $0x4  }
0x155: {  	v35 =	vmul.f32 v35, v63;
	_ =	sdelay $0x1  }
0x156: {  	[tilespmem:v28+s23+$0x0] =	vst.idx.msk $0xffff, v35  }
0x157: {  	v35 =	vld.idx.msk [tilespmem:v29+s23+$0x0], $0xffff;
	_ =	sdelay $0x4  }
0x158: {  	v35 =	vmul.f32 v35, v63;
	_ =	sdelay $0x1  }
0x159: {  	[tilespmem:v29+s23+$0x0] =	vst.idx.msk $0xffff, v35  }
0x15a: {  	v35 =	vld.idx.msk [tilespmem:v30+s23+$0x0], $0xffff;
	_ =	sdelay $0x4  }
0x15b: {  	v35 =	vmul.f32 v35, v63;
	_ =	sdelay $0x1  }
0x15c: {  	[tilespmem:v30+s23+$0x0] =	vst.idx.msk $0xffff, v35  }
0x15d: {  	v35 =	vld.idx.msk [tilespmem:v31+s23+$0x0], $0xffff;
	_ =	sdelay $0x4  }
0x15e: {  	v35 =	vmul.f32 v35, v63;
	_ =	sdelay $0x1  }
0x15f: {  	[tilespmem:v31+s23+$0x0] =	vst.idx.msk $0xffff, v35  }
0x160: {  	v35 =	vld.idx.msk [tilespmem:v32+s23+$0x0], $0xffff;
	_ =	sdelay $0x4  }
0x161: {  	v35 =	vmul.f32 v35, v63;
	_ =	sdelay $0x1  }
0x162: {  	[tilespmem:v32+s23+$0x0] =	vst.idx.msk $0xffff, v35  }
0x163: {  	v35 =	vld.idx.msk [tilespmem:v33+s23+$0x0], $0xffff;
	_ =	sdelay $0x4  }
0x164: {  	v35 =	vmul.f32 v35, v63;
	_ =	sdelay $0x1  }
0x165: {  	[tilespmem:v33+s23+$0x0] =	vst.idx.msk $0xffff, v35  }
0x166: {  	v35 =	vld.idx.msk [tilespmem:v34+s23+$0x0], $0xffff;
	_ =	sdelay $0x4  }
0x167: {  	v35 =	vmul.f32 v35, v63;
	_ =	sdelay $0x1  }
.Ltmp17:
0x168: {  	[tilespmem:v34+s23+$0x0] =	vst.idx.msk $0xffff, v35;
	(pc) =	sbr.rel .LBB2_24-.Ltmp17, $4  }
0x169: {  	[hbm4b:s15+s3] =	stream.linear.scatter [tilespmem:s23], [sflag:$0x9], $0x200, $0x38;
	[tilespmem:$0x1CB00] =	vst v63  }
0x16a: {  	_ =	swait.ge [sflag:s22], $0x200  }
0x16b: {  	[sflag:s22] =	ssyncset.done $0x0  }
0x16c: {  	[sflag:s22] =	ssyncadd.s32 $0xFFFFFE00  }
.LBB2_26:
0x16d: {  	_ =	sfence.sel $0x180000  }
0x16e: {  	[bflag:$0x0] =	sbarrier.arrive $0xFFFF  }
0x16f: {  	_ =	strace $0x9000004A  }
0x170: {  	s0 =	stileid.u32;
	[bflag:$0x2] =	sbarrier.arrive $0xFFFF  }
0x171: {  	p0 =	sne.s32 s0, $0x0;
	s0 =	rddreg [dreg:$0x3]  }
0x172: {  	s0 =	sadd.s32 @!p0 $0x100000, s0  }
0x173: {  	[sflag:s0] =	ssyncadd.tile.s32 @!p0 $0x1;
	_ =	shalt  }
.Lfunc_end2:
_tile_overlayer_lowered:
.L_overlay_start_2:
0x174: {  	(tag) =	ssettag $0x2  }
0x175: {  	s0 =	rddreg [dreg:$0x0];
	s2 =	stileid.u32  }
0x176: {  	s1 =	rddreg [dreg:$0x1];
	p0 =	sne.s32 s2, $0x0  }
0x177: {  	s3 =	rddreg [dreg:$0x2];
	[bflag:$0x3] =	sbarrier.arrive $0xFFFF;
	s2 =	simm.s32 @!p0 $0x1C09  }
0x178: {  	[timem:s3], [sflag:s2] =	dma.local @!p0 [hbm:s0], s1  }
0x179: {  	s0 =	simm.s32 @!p0 $0x9  }
0x17a: {  	_ =	swait.ge @!p0 [sflag:s0], s1  }
0x17b: {  	s1 =	ssub.s32 @!p0 $0x0, s1;
	[sflag:s0] =	ssyncset.done @!p0 $0x0  }
0x17c: {  	[sflag:s0] =	ssyncadd.s32 @!p0 s1  }
0x17d: {  	[bflag:$0x3] =	sbarrier.arrive $0xFFFF  }
0x17e: {  	_ =	shalt  }

// kernel: kernel.7.cloned.1.call-start
scs
__scs_entry_jumppad:
0x0: {  	(pc) =	sbr.rel $0x88, $3  }
0x1: {  	(tag) =	ssettag $0x0;
	lr =	simm.s32 $0x1  }
0x2: {  	[smem:$0x3F93] =	sst lr;
	_ =	strace $0xD0000000  }
0x3: {  	_ = 	snop  }
0x4: {  	_ = 	snop  }
0x5: {  	_ = 	snop  }
0x6: {  	_ = 	snop  }
0x7: {  	_ = 	snop  }
__scs_overlays_trampoline_lowered:
0x8: {  	[smem:$0x3FA2] =	sst s0  }
0x9: {  	[smem:$0x3FA3] =	sst s1  }
0xa: {  	[smem:$0x3FA4] =	sst s2  }
0xb: {  	[smem:$0x3FA5] =	sst s3  }
0xc: {  	[smem:$0x3FA6] =	sst s4  }
0xd: {  	[smem:$0x3FA7] =	sst s5  }
0xe: {  	[smem:$0x3FA8] =	sst s6  }
0xf: {  	[smem:$0x3FA9] =	sst s7  }
0x10: {  	[smem:$0x3FAA] =	sst s8  }
0x11: {  	[smem:$0x3FAB] =	sst s9;
	s0 =	simm.s32 @!p0 $0x0  }
0x12: {  	s1 =	sld [smem:$0x3F91];
	s0 =	simm.s32 @p0 $0x1  }
0x13: {  	[smem:$0x3FAC] =	sst s0;
	s0 =	simm.s32 @!p1 $0x0  }
0x14: {  	s2 =	sld [smem:$0x3F90];
	s0 =	simm.s32 @p1 $0x1  }
0x15: {  	[smem:$0x3FAD] =	sst s0;
	s0 =	simm.s32 @!p2 $0x0  }
0x16: {  	s3 =	sld [smem:$0x3FDB];
	s0 =	simm.s32 @p2 $0x1  }
0x17: {  	s4 =	simm.s32 $0x1BF5;
	[smem:$0x3FAF] =	sst s0  }
0x18: {  	s0 =	sld [smem:$0x3F92];
	_ =	swait.ge [sflag:s4], $0x0  }
0x19: {  	s7 =	sld [smem:$0x3F93]  }
0x1a: {  	s8 =	sadd.s32 $0xFFFFE003, lr  }
0x1b: {  	s9 =	sadd.s32 $0xFFFFFEF7, lr;
	s5 =	simm.s32 $0xFFFFFFFF;
	p2 =	slt.u32 s8, $0xFFFFF086  }
0x1c: {  	p1 =	slt.u32 s9, $0xF7A;
	s5 =	simm.s32 @!p2 $0x0  }
0x1d: {  	s5 =	simm.s32 @p1 $0x1;
	p0 =	seq.s32 s7, s2  }
0x1e: {  	s7 =	smul.u32 @!p0 $0xF7A, s2;
	p2 =	seq.s32 @!p0 s5, $0x0  }
0x1f: {  	s9 =	smul.u32 $0xF7A, s1;
	s8 =	simm.s32 @!p0 $0x1BF5;
	p2 =	por !p2, p0  }
0x20: {  	[sflag:s8] =	ssyncset.s32 @!p0 $0xFFFFF086;
	s6 =	sadd.s32 @!p0 s3, s7;
	s7 =	simm.s32 @!p0 $0x108  }
0x21: {  	s3 =	sadd.s32 s3, s9;
	s6 =	sadd.s32 @!p0 $0x88, s6;
	s7 =	simm.s32 @p2 $0x1082  }
0x22: {  	[simem:s7], [sflag:s8] =	dma.local @!p0 [hbm:s6], $0xF7A  }
0x23: {  	s9 =	sor.u32 $0xD0000000, s2;
	s6 =	simm.s32 $0x108;
	_ =	swait.ge @!p0 [sflag:s8], $0x0  }
0x24: {  	s3 =	sadd.s32 $0x88, s3;
	s6 =	simm.s32 @!p1 $0x1082;
	[sflag:s4] =	ssyncset.s32 $0xFFFFF086  }
0x25: {  	[simem:s6], [sflag:s4] =	dma.local [hbm:s3], $0xF7A  }
0x26: {  	[smem:$0x3F93] =	sst s1;
	(tag) =	ssettag s2;
	_ =	strace s9  }
0x27: {  	s1 =	sld [smem:$0x3FA3]  }
0x28: {  	s2 =	sld [smem:$0x3FA4]  }
0x29: {  	s4 =	sld [smem:$0x3FA6]  }
0x2a: {  	p0 =	seq.s32 s5, $0x0;
	s5 =	sld [smem:$0x3FA7]  }
0x2b: {  	s6 =	sld [smem:$0x3FA8]  }
0x2c: {  	s7 =	sld [smem:$0x3FA9]  }
0x2d: {  	s3 =	simm.s32 $0x108;
	s8 =	sld [smem:$0x3FAA]  }
0x2e: {  	s3 =	simm.s32 @!p0 $0x1082;
	s9 =	sld [smem:$0x3FAB]  }
0x2f: {  	lr =	sadd.s32 s0, s3;
	s0 =	sld [smem:$0x3FA2]  }
0x30: {  	s3 =	sld [smem:$0x3FA5]  }
0x31: {  	[smem:$0x3FAE] =	sst s10  }
0x32: {  	s10 =	sld [smem:$0x3FAC];
	_ =	sdelay $0x3  }
0x33: {  	p0 =	seq.s32 s10, $0x1;
	s10 =	sld [smem:$0x3FAE];
	_ =	sdelay $0x3  }
0x34: {  	[smem:$0x3FAE] =	sst s10  }
0x35: {  	s10 =	sld [smem:$0x3FAD];
	_ =	sdelay $0x3  }
0x36: {  	p1 =	seq.s32 s10, $0x1;
	s10 =	sld [smem:$0x3FAE];
	_ =	sdelay $0x3  }
0x37: {  	[smem:$0x3FAE] =	sst s10  }
0x38: {  	s10 =	sld [smem:$0x3FAF]  }
0x39: {  	_ = 	snop;
	(pc) =	sbr.ind lr, $3  }
0x3a: {  	_ = 	snop  }
0x3b: {  	_ = 	snop  }
0x3c: {  	p2 =	seq.s32 s10, $0x1;
	s10 =	sld [smem:$0x3FAE]  }
0x3d: {  	_ =	shalt  }
0x3e: {  	_ =	shalt  }
0x3f: {  	_ =	shalt  }
0x40: {  	_ =	shalt  }
0x41: {  	_ =	shalt  }
0x42: {  	_ =	shalt  }
0x43: {  	_ =	shalt  }
0x44: {  	_ =	shalt  }
0x45: {  	_ =	shalt  }
0x46: {  	_ =	shalt  }
0x47: {  	_ =	shalt  }
0x48: {  	_ =	shalt  }
0x49: {  	_ =	shalt  }
0x4a: {  	_ =	shalt  }
0x4b: {  	_ =	shalt  }
0x4c: {  	_ =	shalt  }
0x4d: {  	_ =	shalt  }
0x4e: {  	_ =	shalt  }
0x4f: {  	_ =	shalt  }
0x50: {  	_ =	shalt  }
0x51: {  	_ =	shalt  }
0x52: {  	_ =	shalt  }
0x53: {  	_ =	shalt  }
0x54: {  	_ =	shalt  }
0x55: {  	_ =	shalt  }
0x56: {  	_ =	shalt  }
0x57: {  	_ =	shalt  }
0x58: {  	_ =	shalt  }
0x59: {  	_ =	shalt  }
0x5a: {  	_ =	shalt  }
0x5b: {  	_ =	shalt  }
0x5c: {  	_ =	shalt  }
0x5d: {  	_ =	shalt  }
0x5e: {  	_ =	shalt  }
0x5f: {  	_ =	shalt  }
0x60: {  	_ =	shalt  }
0x61: {  	_ =	shalt  }
0x62: {  	_ =	shalt  }
0x63: {  	_ =	shalt  }
0x64: {  	_ =	shalt  }
0x65: {  	_ =	shalt  }
0x66: {  	_ =	shalt  }
0x67: {  	_ =	shalt  }
0x68: {  	_ =	shalt  }
0x69: {  	_ =	shalt  }
0x6a: {  	_ =	shalt  }
0x6b: {  	_ =	shalt  }
0x6c: {  	_ =	shalt  }
0x6d: {  	_ =	shalt  }
0x6e: {  	_ =	shalt  }
0x6f: {  	_ =	shalt  }
0x70: {  	_ =	shalt  }
0x71: {  	_ =	shalt  }
0x72: {  	_ =	shalt  }
0x73: {  	_ =	shalt  }
0x74: {  	_ =	shalt  }
0x75: {  	_ =	shalt  }
0x76: {  	_ =	shalt  }
0x77: {  	_ =	shalt  }
0x78: {  	_ =	shalt  }
0x79: {  	_ =	shalt  }
0x7a: {  	_ =	shalt  }
0x7b: {  	_ =	shalt  }
0x7c: {  	_ =	shalt  }
0x7d: {  	_ =	shalt  }
0x7e: {  	_ =	shalt  }
0x7f: {  	_ =	shalt  }
0x80: {  	_ =	shalt  }
0x81: {  	_ =	shalt  }
0x82: {  	_ =	shalt  }
0x83: {  	_ =	shalt  }
0x84: {  	_ =	shalt  }
0x85: {  	_ =	shalt  }
0x86: {  	_ =	shalt  }
0x87: {  	_ =	shalt  }
.Lfunc_end0:
.L_simem_size_0:
called_computation_lowered:
.L_overlay_start_0:
0x88: {  	s2 =	sld [smem:$0x3FD9]  }
0x89: {  	s3 =	sld [smem:$0x3FFE];
	_ =	sdelay $0x1  }
0x8a: {  	s1 =	srdreg.scid  }
0x8b: {  	s0 =	sand.u32 $0x1, s1  }
0x8c: {  	s17 =	sshll.u32 s0, $0xA;
	s2 =	sadd.s32 s3, s2  }
0x8d: {  	s2 =	sadd.s32 s2, s17  }
0x8e: {  	[smem:$0x3FBA] =	sst s2  }
0x8f: {  	_ = 	snop  }
0x90: {  	s2 =	sld [smem:$0x3FC4]  }
0x91: {  	s18 =	sld [smem:$0x3FD0];
	(tm) =	ssettm $0x1  }
0x92: {  	s4 =	sld [smem:$0x3FFB];
	_ =	sdelay $0x3  }
0x93: {  	_ =	strace s4  }
0x94: {  	s4 =	sld [smem:$0x3FFC];
	_ =	sdelay $0x3  }
0x95: {  	_ =	strace s4  }
0x96: {  	s4 =	sld [smem:$0x3FFD];
	_ =	sdelay $0x3  }
0x97: {  	_ =	strace s4  }
0x98: {  	_ =	strace $0x8FFFFFFF  }
0x99: {  	s19 =	sld [smem:$0x3FDB];
	_ =	sdelay $0x1  }
0x9a: {  	s5 =	simm.s32 $_scs_section_size  }
0x9b: {  	s6 =	simm.s32 $_size__tile_overlayer_lowered;
	s7 =	simm.s32 $_tile_overlayer_lowered  }
0x9c: {  	s22 =	simm.s32 $0x1BFF;
	s21 =	sshll.u32 s7, $0x1;
	s4 =	sadd.s32 s5, s19  }
0x9d: {  	s8 =	simm.s32 $0x0;
	s20 =	sshll.u32 s6, $0x1;
	s6 =	sadd.s32 s21, s4  }
0x9e: {  	[timem:s8], [sflag:s22] =	dma.local [hbm:s6], s20  }
0x9f: {  	_ =	swait.ge [sflag:s22], s20  }
0xa0: {  	s5 =	ssub.s32 $0x0, s20;
	[sflag:s22] =	ssyncset.done $0x0  }
0xa1: {  	[sflag:s22] =	ssyncadd.s32 s5;
	_ =	sdelay $0x1  }
0xa2: {  	s23 =	simm.s32 $0x1B8B  }
0xa3: {  	_ =	swait.ge [sflag:s23], $0x1  }
0xa4: {  	[sflag:s23] =	ssyncset.done $0x0  }
0xa5: {  	s25 =	simm.s32 $0x1B8E;
	s24 =	sld [smem:$0x3FFE];
	[sflag:s23] =	ssyncadd.s32 $0xFFFFFFFF  }
0xa6: {  	s26 =	simm.s32 $execute0_lowered;
	[smem:$0x3FD2] =	sst s25  }
0xa7: {  	s6 =	sshll.u32 s26, $0x1;
	_ =	strace $0x80000046;
	[dreg:$0x1] =	wrdreg $0xFFFFFFFF  }
0xa8: {  	s28 =	simm.s32 $_size_execute0_lowered;
	s4 =	sadd.s32 s4, s6;
	[dreg:$0x0] =	wrdreg $0x0  }
0xa9: {  	s6 =	sshll.u32 s28, $0x1;
	[dreg:$0x2] =	wrdreg s4  }
0xaa: {  	[dreg:$0x3] =	wrdreg s6  }
0xab: {  	[dreg:$0x4] =	wrdreg $0xC0  }
0xac: {  	_ =	task [dreg:s8], $0x5FFFF  }
0xad: {  	[dreg:$0x1] =	wrdreg $0xFFFFFFFF  }
0xae: {  	[dreg:$0x0] =	wrdreg $0x60  }
0xaf: {  	[dreg:$0x2] =	wrdreg s18  }
0xb0: {  	[dreg:$0x3] =	wrdreg s24  }
0xb1: {  	[dreg:$0x4] =	wrdreg s2  }
0xb2: {  	[dreg:$0x5] =	wrdreg $0x66600  }
0xb3: {  	[dreg:$0x6] =	wrdreg $0x9  }
0xb4: {  	_ =	task.clear_ibuf [dreg:s8], $0x7FFFF;
	_ =	strace $0x90000046  }
0xb5: {  	s29 =	simm.s32 $0x9;
	_ =	strace $0x80000048  }
0xb6: {  	_ =	swait.ge [sflag:s29], $0x1  }
0xb7: {  	[sflag:s29] =	ssyncadd.s32 $0xFFFFFFFF  }
0xb8: {  	_ =	strace $0x90000048  }
0xb9: {  	_ =	sfence  }
0xba: {  	s30 =	sld [smem:$0x0];
	_ =	sdelay $0x2  }
0xbb: {  	s31 =	sshll.u32 s1, $0xD;
	s1 =	sshrl.u32 s1, $0x2  }
0xbc: {  	s3 =	sand.u32 $0x4000, s31;
	s1 =	sadd.s32 s1, s30  }
0xbd: {  	s0 =	sor.u32 s3, s0;
	s1 =	sshll.u32 s1, $0x11  }
0xbe: {  	s0 =	sor.u32 s1, s0  }
0xbf: {  	s0 =	sadd.s32 $0x8F2B, s0  }
0xc0: {  	[sflag:s0] =	ssyncadd.remote.s32 $0x1  }
0xc1: {  	_ =	sfence.sel $0xFFFF  }
0xc2: {  	[dreg:$0x0] =	wrdreg $0xFFFFFFFF;
	(pc) =	sbr.abs _section_cstart, $3  }
0xc3: {  	[dreg:$0x1] =	wrdreg $0xFFFFFFFF  }
0xc4: {  	_ =	task.clear_ibuf [dreg:s8], $0x2FFFF;
	_ =	strace $0x9FFFFFFF  }
0xc5: {  	(tm) =	ssettm $0x7FFFFFFF  }
tec
execute0_lowered:
.L_overlay_start_1:
0x0: {  	(tag) =	ssettag $0x1  }
0x1: {  	s1 =	rddreg [dreg:$0x0]  }
0x2: {  	s0 =	rddreg [dreg:$0x1]  }
0x3: {  	s3 =	rddreg [dreg:$0x3];
	s4 =	simm.s32 $0x0;
	s2 =	srdreg.scid  }
0x4: {  	s16 =	stileid.u32;
	s29 =	simm.s32 $0x80;
	s31 =	simm.s32 $0x1  }
0x5: {  	s30 =	simm.s32 $0x4200;
	s28 =	simm.s32 $0x0;
	[smem:$0x7FF] =	sst s4  }
0x6: {  	s6 =	sadd.s32 $0x2C00, s0;
	s7 =	sadd.s32 $0x95600, s0;
	s8 =	sadd.s32 $0x64800, s0  }
0x7: {  	s2 =	sand.u32 $0x1, s2;
	s5 =	sshll.u32 s16, $0x1;
	s9 =	sadd.s32 $0xC6600, s0  }
0x8: {  	s10 =	sadd.s32 $0xC6400, s0;
	s11 =	sadd.s32 $0x61D400, s0;
	s13 =	smul.u32 $0x31000, s16  }
0x9: {  	s21 =	smul.u32 $0xC400, s16;
	_ =	strace $0x80000047;
	[dreg:$0x5] =	wrdreg s10  }
0xa: {  	s5 =	sor.u32 s2, s5;
	s12 =	smul.u32 $0x18800, s2;
	s2 =	ssub.s32 $0x2, s2  }
0xb: {  	s15 =	sshll.u32 s5, $0x3;
	s5 =	smul.u32 $0x30D4, s5;
	s17 =	sshrl.u32 s2, $0x1  }
0xc: {  	s14 =	sshrl.u32 s13, $0x2;
	s24 =	sshrl.u32 s21, $0x3;
	s25 =	sadd.s32 s21, s3  }
0xd: {  	s10 =	sadd.s32 s15, s0;
	s0 =	sadd.s32 s12, s0;
	s2 =	ssub.s32 s2, s17  }
0xe: {  	s14 =	sadd.s32 s14, s3;
	s26 =	sshrl.u32 s25, $0x3;
	s12 =	sshrl.u32 s5, $0x5  }
0xf: {  	s5 =	sadd.s32 $0x30D4, s5;
	s23 =	sadd.s32 $0xC6800, s10;
	s0 =	sadd.s32 $0xC6A00, s0  }
0x10: {  	s2 =	smax.u32 s2, $0x1;
	[dreg:$0xd] =	wrdreg s26;
	s26 =	simm.s32 $0x3  }
0x11: {  	s10 =	simm.s32 $0x6;
	s5 =	sshrl.u32 s5, $0x5;
	[dreg:$0xa] =	wrdreg s23  }
0x12: {  	s15 =	sshll.u32 s12, $0x4;
	[dreg:$0xb] =	wrdreg s2;
	s0 =	sadd.s32 s24, s0  }
0x13: {  	s24 =	simm.s32 $0x7;
	s2 =	simm.s32 $0x5200;
	s13 =	ssub.s32 s5, s12  }
.Ltmp0:
0x14: {  	s18 =	sadd.s32 s7, s15;
	[dreg:$0xc] =	wrdreg s0;
	(pc) =	sbr.rel .LBB2_1-.Ltmp0, $4  }
0x15: {  	s19 =	sadd.s32 s8, s15;
	s20 =	sadd.s32 $0x10, s15;
	[dreg:$0x6] =	wrdreg s18  }
0x16: {  	s0 =	simm.s32 $0x4;
	[dreg:$0x7] =	wrdreg s19;
	s22 =	sadd.s32 s7, s20  }
0x17: {  	s5 =	sadd.s32 s8, s20;
	s19 =	sadd.s32 $0xFFFFFFFE, s13;
	[dreg:$0x8] =	wrdreg s22  }
0x18: {  	v0 =	vimm.f32 $0.0e+00;
	[dreg:$0x9] =	wrdreg s5;
	s22 =	simm.s32 $0x6260;
	s5 =	simm.s32 $0x5  }
.LBB2_14:
0x19: {  	_ =	swait.ge [sflag:s5], $0x1000  }
0x1a: {  	[sflag:s5] =	ssyncset.done $0x0  }
0x1b: {  	[sflag:s5] =	ssyncadd.s32 $0xFFFFF000  }
0x1c: {  	_ =	swait.ge [sflag:s10], $0x1000  }
0x1d: {  	[sflag:s10] =	ssyncset.done $0x0  }
0x1e: {  	s17 =	simm.s32 $0x6220;
	s16 =	rddreg [dreg:$0xa];
	[sflag:s10] =	ssyncadd.s32 $0xFFFFF000  }
0x1f: {  	[hbm4b:s16+s4] =	stream.linear.scatter [tilespmem:s17], [sflag:$0x7], $0x40, $0x38;
	[tilespmem:$0x12A60] =	vst v63  }
0x20: {  	_ =	swait.ge [sflag:s24], $0x40  }
0x21: {  	[sflag:s24] =	ssyncset.done $0x0  }
0x22: {  	[sflag:s24] =	ssyncadd.s32 $0xFFFFFFC0  }
0x23: {  	[bflag:$0x0] =	sbarrier.arrive $0xFFFF  }
0x24: {  	s21 =	rddreg [dreg:$0xc]  }
0x25: {  	s23 =	rddreg [dreg:$0xd]  }
0x26: {  	[hbm:s21], [sflag:s15] =	dma.local [spmem:s23], $0x1880  }
0x27: {  	_ =	swait.ge [sflag:s24], $0x1880  }
0x28: {  	s28 =	sadd.s32 $0x1, s28;
	s25 =	rddreg [dreg:$0xb]  }
0x29: {  	p0 =	sne.s32 s28, s25  }
.Ltmp1:
0x2a: {  	_ = 	snop;
	(pc) =	sbr.rel @!p0 .LBB2_15-.Ltmp1, $3  }
0x2b: {  	_ =	sdelay $0x1  }
0x2c: {  	[sflag:s24] =	ssyncset.done $0x0  }
0x2d: {  	[sflag:s24] =	ssyncadd.s32 $0xFFFFE780  }
.LBB2_1:
0x2e: {  	s15 =	rddreg [dreg:$0x5]  }
0x2f: {  	[tilespmem:s22], [sflag:$0x7] =	stream.linear.gather [hbm4b:s15+s4], $0x400, $0x38;
	[tilespmem:$0x12A60] =	vst v63  }
0x30: {  	s25 =	stileid.u32;
	_ =	swait.ge [sflag:s24], $0x400  }
0x31: {  	s16 =	sadd.s32 $0x0, s14;
	s15 =	sshll.u32 s25, $0x6;
	[sflag:s24] =	ssyncset.done $0x0  }
0x32: {  	s16 =	sshrl.u32 s16, $0x3;
	s15 =	sor.u32 $0x1C07, s15;
	[sflag:s24] =	ssyncadd.s32 $0xFFFFFC00  }
0x33: {  	[spmem:s16], [sflag:s15] =	dma.local [hbm:s9], $0x20  }
0x34: {  	s16 =	simm.s32 $0x400;
	_ =	swait.ge [sflag:s24], $0x20  }
.LBB2_2:
0x35: {  	s17 =	sshra.s32 s16, $0x2;
	[sflag:s24] =	ssyncset.done $0x0;
	p0 =	sne.s32 s16, $0x30C00  }
.Ltmp2:
0x36: {  	s17 =	sadd.s32 s17, s14;
	[sflag:s24] =	ssyncadd.s32 $0xFFFFFFE0;
	(pc) =	sbr.rel @p0 .LBB2_2-.Ltmp2, $4  }
0x37: {  	s16 =	sadd.s32 $0x400, s16;
	s17 =	sshrl.u32 s17, $0x3  }
0x38: {  	[spmem:s17], [sflag:s15] =	dma.local [hbm:s9], $0x20  }
0x39: {  	_ = 	snop  }
0x3a: {  	_ =	swait.ge [sflag:s24], $0x20  }
0x3b: {  	[sflag:s24] =	ssyncset.done $0x0  }
0x3c: {  	[sflag:s24] =	ssyncadd.s32 $0xFFFFFFE0  }
0x3d: {  	[bflag:$0x0] =	sbarrier.arrive $0xFFFF  }
0x3e: {  	s16 =	simm.s32 $0x0;
	s18 =	simm.s32 $0x6200;
	s17 =	rddreg [dreg:$0x2]  }
0x3f: {  	[tilespmem:s18], [sflag:$0x7] =	stream.linear.gather [hbm4b:s17+s16], $0x20, $0x38;
	[tilespmem:$0x12A60] =	vst v63  }
0x40: {  	_ =	swait.ge [sflag:s24], $0x20  }
0x41: {  	[sflag:s24] =	ssyncset.done $0x0  }
0x42: {  	[sflag:s24] =	ssyncadd.s32 $0xFFFFFFE0  }
0x43: {  	[tilespmem:$0x6220] =	vst v0  }
0x44: {  	[tilespmem:$0x6230] =	vst v0  }
0x45: {  	[tilespmem:$0x6240] =	vst v0  }
0x46: {  	s23 =	rddreg [dreg:$0x6];
	v1 =	vld [tilespmem:$0x6200];
	[tilespmem:$0x6250] =	vst v0  }
0x47: {  	v2 =	vld [tilespmem:$0x6210];
	[tilespmem:s16], [sflag:$0x1] =	stream.linear.gather [hbm4b:s23+s16], $0x80, $0x38  }
0x48: {  	s18 =	simm.s32 $0x100;
	s25 =	rddreg [dreg:$0x7]  }
0x49: {  	[tilespmem:s18], [sflag:$0x1] =	stream.linear.gather [hbm4b:s25+s16], $0x80, $0x38;
	[tilespmem:$0x12A60] =	vst v63  }
0x4a: {  	s20 =	rddreg [dreg:$0x8]  }
0x4b: {  	[tilespmem:s29], [sflag:$0x2] =	stream.linear.gather [hbm4b:s20+s16], $0x80, $0x38;
	[tilespmem:$0x12A60] =	vst v63  }
0x4c: {  	s21 =	rddreg [dreg:$0x9];
	s20 =	simm.s32 $0x180  }
0x4d: {  	[tilespmem:s20], [sflag:$0x2] =	stream.linear.gather [hbm4b:s21+s16], $0x80, $0x38;
	[tilespmem:$0x12A60] =	vst v63  }
0x4e: {  	_ =	swait.ge [sflag:s31], $0x80  }
0x4f: {  	[sflag:s31] =	ssyncset.done $0x0  }
0x50: {  	[sflag:s31] =	ssyncadd.s32 $0xFFFFFF80  }
0x51: {  	_ =	swait.ge [sflag:s31], $0x80  }
.Ltmp3:
0x52: {  	[sflag:s31] =	ssyncset.done $0x0;
	(pc) =	sbr.rel .LBB2_4-.Ltmp3, $4  }
0x53: {  	s23 =	simm.s32 $0x200;
	[sflag:s31] =	ssyncadd.s32 $0xFFFFFF80  }
0x54: {  	[tilespmem:s23], [sflag:$0x3] =	stream.indirect.gather [hbm4b:s1+s29], $0x20, s16, s29, $0xb8;
	[tilespmem:$0x12A60] =	vst v63  }
0x55: {  	s25 =	simm.s32 $0x2200  }
0x56: {  	[tilespmem:s25], [sflag:$0x3] =	stream.indirect.gather [hbm4b:s6+s29], $0x20, s18, s29, $0xb8;
	[tilespmem:$0x12A60] =	vst v63  }
.LBB2_12:
0x57: {  	v25 =	vadd.f32 v33, v34;
	_ =	sdelay $0x1  }
0x58: {  	v30 =	vmul.f32 $1.442695020e+00, v30;
	(erf) = vpow2.f32 v36;
	v25 =	vadd.f32 v25, v2  }
0x59: {  	v41 =	vmul.f32 $1.442695020e+00, v35;
	(erf) = vrcp.f32 v32  }
0x5a: {  	v20 =	vadd.f32 $1.000000000e+00, v20;
	(erf) = vpow2.f32 v30;
	v42 =	vsub.f32 $0.0e+00, v25  }
0x5b: {  	v43 =	vpop (erf);
	(erf) = vpow2.f32 v41  }
0x5c: {  	v44 =	vpop (erf);
	(erf) = vrcp.f32 v20;
	v45 =	vmul.f32 $1.442695020e+00, v42  }
0x5d: {  	v46 =	vsub.f32 $0.0e+00, v14;
	v47 =	vadd.f32 $1.000000000e+00, v43;
	v48 =	vpop (erf);
	(erf) = vpow2.f32 v29  }
0x5e: {  	v33 =	vadd.f32 $1.000000000e+00, v48;
	(erf) = vpow2.f32 v45  }
0x5f: {  	v49 =	vmul.f32 $1.442695020e+00, v46;
	(erf) = vrcp.f32 v47  }
0x60: {  	(erf) = vrcp.f32 v33  }
0x61: {  	v50 =	vpop (erf);
	(erf) = vpow2.f32 v49  }
0x62: {  	v51 =	vpop (erf)  }
0x63: {  	v52 =	vpop (erf)  }
0x64: {  	v53 =	vpop (erf)  }
0x65: {  	v54 =	vpop (erf)  }
0x66: {  	v55 =	vpop (erf)  }
0x67: {  	v29 =	vadd.f32 $1.000000000e+00, v50;
	v56 =	vpop (erf)  }
0x68: {  	v30 =	vadd.f32 $1.000000000e+00, v52;
	v37 =	vpop (erf)  }
0x69: {  	(erf) = vrcp.f32 v29;
	v33 =	vadd.f32 $1.000000000e+00, v53;
	v57 =	vpop (erf)  }
0x6a: {  	v23 =	vadd.f32 v23, v27;
	(erf) = vrcp.f32 v30;
	v35 =	vadd.f32 $1.000000000e+00, v55;
	v58 =	vpop (erf)  }
0x6b: {  	v7 =	vmul.f32 v31, v7;
	(erf) = vrcp.f32 v33;
	v59 =	vadd.f32 $1.000000000e+00, v58  }
0x6c: {  	v4 =	vmul.f32 v28, v4;
	v60 =	vadd.f32 $1.000000000e+00, v56;
	(erf) = vrcp.f32 v35  }
0x6d: {  	v13 =	vadd.f32 v13, v21;
	v31 =	vmul.f32 v16, v16;
	(erf) = vrcp.f32 v59  }
0x6e: {  	v17 =	vmul.f32 v17, v10;
	v23 =	vadd.f32 v7, v23;
	(erf) = vrcp.f32 v60  }
0x6f: {  	v61 =	vadd.f32 v26, v24;
	v62 =	vmul.f32 v7, v7;
	v6 =	vmul.f32 v54, v6  }
0x70: {  	v13 =	vadd.f32 v22, v13;
	v3 =	vmul.f32 v44, v3;
	v32 =	vadd.f32 v16, v23  }
0x71: {  	v5 =	vmul.f32 v51, v5;
	v18 =	vadd.f32 v6, v18;
	v33 =	vmul.f32 v6, v6  }
0x72: {  	v63 =	vmul.f32 v4, v4;
	v21 =	vadd.f32 v62, v61;
	v46 =	vadd.f32 v10, v32;
	v34 =	vpop (erf)  }
0x73: {  	v44 =	vmul.f32 v5, v5;
	v18 =	vadd.f32 v4, v18;
	v40 =	vadd.f32 v33, v13;
	v36 =	vpop (erf)  }
0x74: {  	[tilespmem:s18+$0x5220] =	vst v7;
	v30 =	vmul.f32 v3, v3;
	v35 =	vadd.f32 v31, v21;
	v39 =	vmul.f32 v57, v11;
	v41 =	vpop (erf)  }
0x75: {  	[tilespmem:s18+$0x5230] =	vst v4;
	v38 =	vmul.f32 v37, v9;
	v43 =	vadd.f32 v3, v18;
	v11 =	vadd.f32 v63, v40;
	v45 =	vpop (erf)  }
0x76: {  	[tilespmem:s18+$0x5250] =	vst v3;
	v42 =	vadd.f32 v17, v35;
	v3 =	vmul.f32 v39, v39;
	v8 =	vmul.f32 v34, v8;
	v47 =	vpop (erf)  }
0x77: {  	[tilespmem:s18+$0x5270] =	vst v5;
	v5 =	vadd.f32 v5, v43;
	v50 =	vadd.f32 v30, v11;
	v13 =	vmul.f32 v41, v19;
	v48 =	vpop (erf)  }
0x78: {  	[tilespmem:s18+$0x5210] =	vst v6;
	v49 =	vadd.f32 v39, v46;
	v52 =	vmul.f32 v36, v15;
	v51 =	vmul.f32 v48, v25  }
0x79: {  	[tilespmem:s20+$0x5260] =	vst v38;
	v3 =	vadd.f32 v3, v42;
	v54 =	vadd.f32 v44, v50;
	v53 =	vmul.f32 v13, v13  }
0x7a: {  	[tilespmem:s20+$0x5200] =	vst v39;
	v56 =	vmul.f32 v52, v52;
	v6 =	vadd.f32 v13, v49;
	v55 =	vmul.f32 v51, v51  }
0x7b: {  	[tilespmem:s20+$0x5240] =	vst v8;
	v12 =	vmul.f32 v45, v12;
	v3 =	vadd.f32 v53, v3;
	v5 =	vadd.f32 v51, v5  }
0x7c: {  	[tilespmem:s20+$0x5230] =	vst v52;
	v57 =	vadd.f32 v8, v6;
	v8 =	vmul.f32 v8, v8;
	v9 =	vadd.f32 v55, v54  }
0x7d: {  	v60 =	vmul.f32 v38, v38;
	[tilespmem:s20+$0x5220] =	vst v13;
	v58 =	vmul.f32 v47, v14;
	v5 =	vadd.f32 v52, v5  }
0x7e: {  	[tilespmem:s20+$0x5250] =	vst v12;
	v59 =	vmul.f32 v12, v12;
	v3 =	vadd.f32 v8, v3;
	v9 =	vadd.f32 v56, v9  }
0x7f: {  	v4 =	vadd.f32 v38, v57;
	[tilespmem:s20+$0x5270] =	vst v58;
	v5 =	vadd.f32 v12, v5  }
0x80: {  	v61 =	vmul.f32 v58, v58;
	v3 =	vadd.f32 v60, v3;
	[tilespmem:s20+$0x5210] =	vst v51;
	v62 =	vadd.f32 v59, v9  }
0x81: {  	[tilespmem:$0x6220] =	vst v4;
	v5 =	vadd.f32 v58, v5  }
0x82: {  	s17 =	sadd.s32 s12, s17;
	[tilespmem:$0x6240] =	vst v3;
	v63 =	vadd.f32 v61, v62  }
0x83: {  	s17 =	sshll.u32 s17, $0x9;
	[tilespmem:$0x6230] =	vst v5  }
0x84: {  	s17 =	sadd.s32 s11, s17;
	[tilespmem:$0x6250] =	vst v63  }
0x85: {  	[hbm4b:s17+s4] =	stream.linear.scatter [tilespmem:s2], [sflag:$0x6], $0x1000, $0x38;
	[tilespmem:$0x12A60] =	vst v63  }
.LBB2_13:
0x86: {  	s16 =	sadd.s32 $0x1, s16  }
0x87: {  	p0 =	sne.s32 s16, $0xC5  }
.Ltmp4:
0x88: {  	_ = 	snop;
	(pc) =	sbr.rel @!p0 .LBB2_14-.Ltmp4, $1  }
0x89: {  	_ =	sdelay $0x3  }
.LBB2_4:
0x8a: {  	s18 =	sshll.u32 s16, $0x1  }
0x8b: {  	p0 =	slt.s32 s18, s13  }
.Ltmp5:
0x8c: {  	_ = 	snop;
	(pc) =	sbr.rel @!p0 .LBB2_5-.Ltmp5, $1  }
0x8d: {  	_ =	sdelay $0x3  }
0x8e: {  	_ =	swait.ge [sflag:s26], $0x1000  }
0x8f: {  	[sflag:s26] =	ssyncset.done $0x0  }
0x90: {  	[sflag:s26] =	ssyncadd.s32 $0xFFFFF000  }
0x91: {  	_ =	swait.ge [sflag:s26], $0x1000  }
0x92: {  	s17 =	sadd.s32 $0x2, s18;
	[sflag:s26] =	ssyncset.done $0x0  }
0x93: {  	p0 =	sge.u32 s17, s13;
	[sflag:s26] =	ssyncadd.s32 $0xFFFFF000  }
0x94: {  	[spmem:s3] =	stream.indirect.scatter.add.f32 [tilespmem:s22], [sflag:$0x7], $0x8, s4, s29, $0xb8;
	[tilespmem:$0x12A60] =	vst v63  }
0x95: {  	s17 =	sadd.s32 @!p0 s12, s17;
	_ =	swait.ge [sflag:s24], $0x400  }
0x96: {  	s17 =	sshll.u32 @!p0 s17, $0x4;
	[sflag:s24] =	ssyncset.done $0x0  }
0x97: {  	s21 =	simm.s32 @!p0 $0x0;
	s20 =	sadd.s32 @!p0 s7, s17;
	[sflag:s24] =	ssyncadd.s32 $0xFFFFFC00  }
0x98: {  	[tilespmem:s21], [sflag:$0x1] =	stream.linear.gather @!p0 [hbm4b:s20+s21], $0x80, $0x38;
	[tilespmem:$0x12A60] =	vst v63  }
0x99: {  	s17 =	sadd.s32 @!p0 s8, s17;
	s20 =	simm.s32 @!p0 $0x100  }
0x9a: {  	[tilespmem:s20], [sflag:$0x1] =	stream.linear.gather @!p0 [hbm4b:s17+s21], $0x80, $0x38;
	[tilespmem:$0x12A60] =	vst v63  }
0x9b: {  	s17 =	sor.u32 $0x1, s18  }
0x9c: {  	p0 =	sge.u32 s17, s13  }
0x9d: {  	s20 =	simm.s32 @!p0 $0x2  }
0x9e: {  	_ =	swait.ge @!p0 [sflag:s20], $0x80  }
0x9f: {  	[sflag:s20] =	ssyncset.done @!p0 $0x0  }
0xa0: {  	[sflag:s20] =	ssyncadd.s32 @!p0 $0xFFFFFF80  }
0xa1: {  	_ =	swait.ge @!p0 [sflag:s20], $0x80  }
0xa2: {  	[sflag:s20] =	ssyncset.done @!p0 $0x0  }
0xa3: {  	s21 =	simm.s32 @!p0 $0x1200;
	[sflag:s20] =	ssyncadd.s32 @!p0 $0xFFFFFF80;
	s20 =	simm.s32 @!p0 $0x80  }
0xa4: {  	[tilespmem:s21], [sflag:$0x4] =	stream.indirect.gather @!p0 [hbm4b:s1+s20], $0x20, s20, s20, $0xb8;
	[tilespmem:$0x12A60] =	vst v63  }
0xa5: {  	s23 =	simm.s32 @!p0 $0x3200;
	s21 =	simm.s32 @!p0 $0x180  }
0xa6: {  	[tilespmem:s23], [sflag:$0x4] =	stream.indirect.gather @!p0 [hbm4b:s6+s20], $0x20, s21, s20, $0xb8;
	[tilespmem:$0x12A60] =	vst v63  }
0xa7: {  	p0 =	seq.s32 s16, $0x0  }
0xa8: {  	s20 =	simm.s32 @!p0 $0x5  }
0xa9: {  	_ =	swait.ge @!p0 [sflag:s20], $0x1000  }
0xaa: {  	[sflag:s20] =	ssyncset.done @!p0 $0x0  }
0xab: {  	s25 =	simm.s32 $0x0;
	[sflag:s20] =	ssyncadd.s32 @!p0 $0xFFFFF000  }
0xac: {  	v3 =	vld [tilespmem:s25+$0x2260]  }
0xad: {  	v4 =	vld [tilespmem:s25+$0x260]  }
0xae: {  	v5 =	vld [tilespmem:s25+$0x2200]  }
0xaf: {  	v6 =	vld [tilespmem:s25+$0x200]  }
0xb0: {  	v7 =	vld [tilespmem:s25+$0x2240]  }
0xb1: {  	v8 =	vld [tilespmem:s25+$0x220]  }
0xb2: {  	v9 =	vld [tilespmem:s25+$0x240]  }
0xb3: {  	v10 =	vld [tilespmem:s25+$0x2230];
	v3 =	vadd.f32 v3, v4  }
0xb4: {  	v4 =	vld [tilespmem:s25+$0x230];
	v5 =	vadd.f32 v5, v6  }
0xb5: {  	v6 =	vld [tilespmem:s25+$0x2220];
	v3 =	vadd.f32 v3, v1  }
0xb6: {  	v11 =	vld [tilespmem:s25+$0x2250];
	v5 =	vadd.f32 v5, v1  }
0xb7: {  	v12 =	vld [tilespmem:s25+$0x250];
	v7 =	vadd.f32 v7, v9;
	v9 =	vsub.f32 $0.0e+00, v3  }
0xb8: {  	v14 =	vld [tilespmem:s25+$0x2210];
	v13 =	vsub.f32 $0.0e+00, v5  }
0xb9: {  	v7 =	vadd.f32 v7, v1;
	v4 =	vadd.f32 v10, v4;
	v10 =	vld [tilespmem:s25+$0x210];
	v9 =	vmul.f32 $1.442695020e+00, v9  }
0xba: {  	v15 =	vld [tilespmem:s25+$0x270];
	v6 =	vadd.f32 v6, v8;
	v8 =	vmul.f32 $1.442695020e+00, v13  }
0xbb: {  	v13 =	vadd.f32 v4, v2;
	v4 =	vsub.f32 $0.0e+00, v7;
	(erf) = vpow2.f32 v9;
	v9 =	vld [tilespmem:s25+$0x2270]  }
0xbc: {  	(erf) = vpow2.f32 v8  }
0xbd: {  	v6 =	vadd.f32 v6, v1;
	v8 =	vadd.f32 v11, v12;
	v4 =	vmul.f32 $1.442695020e+00, v4  }
0xbe: {  	v11 =	vsub.f32 $0.0e+00, v13;
	v10 =	vadd.f32 v14, v10  }
0xbf: {  	v12 =	vsub.f32 $0.0e+00, v6;
	v8 =	vadd.f32 v8, v2;
	(erf) = vpow2.f32 v4  }
0xc0: {  	v11 =	vmul.f32 $1.442695020e+00, v11;
	v10 =	vadd.f32 v10, v2;
	v9 =	vadd.f32 v9, v15  }
0xc1: {  	s20 =	simm.s32 $0x80;
	v4 =	vmul.f32 $1.442695020e+00, v12;
	v14 =	vsub.f32 $0.0e+00, v8  }
0xc2: {  	v17 =	vld [tilespmem:s20+$0x2270];
	(erf) = vpow2.f32 v11;
	v16 =	vsub.f32 $0.0e+00, v10  }
0xc3: {  	v19 =	vld [tilespmem:s20+$0x220];
	(erf) = vpow2.f32 v4;
	v4 =	vmul.f32 $1.442695020e+00, v14  }
0xc4: {  	v18 =	vld [tilespmem:s20+$0x270];
	v11 =	vadd.f32 v9, v2;
	v16 =	vmul.f32 $1.442695020e+00, v16;
	v9 =	vpop (erf)  }
0xc5: {  	v22 =	vld [tilespmem:s20+$0x2220];
	(erf) = vpow2.f32 v4;
	v4 =	vadd.f32 $1.000000000e+00, v9;
	v9 =	vpop (erf)  }
0xc6: {  	v15 =	vld [tilespmem:s20+$0x2260];
	(erf) = vpow2.f32 v16;
	v9 =	vadd.f32 $1.000000000e+00, v9  }
0xc7: {  	v20 =	vsub.f32 $0.0e+00, v11;
	v16 =	vld [tilespmem:s20+$0x260];
	(erf) = vrcp.f32 v4  }
0xc8: {  	v25 =	vld [tilespmem:s20+$0x2230];
	v21 =	vpop (erf);
	(erf) = vrcp.f32 v9  }
0xc9: {  	v14 =	vld [tilespmem:s20+$0x2240];
	v20 =	vmul.f32 $1.442695020e+00, v20  }
0xca: {  	v4 =	vld [tilespmem:s20+$0x240];
	v21 =	vadd.f32 $1.000000000e+00, v21  }
0xcb: {  	v23 =	vpop (erf);
	(erf) = vpow2.f32 v20;
	v20 =	vld [tilespmem:s20+$0x2200]  }
0xcc: {  	v24 =	vpop (erf);
	(erf) = vrcp.f32 v21;
	v21 =	vadd.f32 $1.000000000e+00, v23;
	v23 =	vld [tilespmem:s20+$0x200];
	v16 =	vadd.f32 v15, v16  }
0xcd: {  	v9 =	vld [tilespmem:s20+$0x2250];
	v24 =	vadd.f32 $1.000000000e+00, v24  }
0xce: {  	(erf) = vrcp.f32 v21;
	v21 =	vld [tilespmem:s20+$0x250];
	v26 =	vpop (erf)  }
0xcf: {  	v28 =	vadd.f32 v17, v18;
	(erf) = vrcp.f32 v24;
	v24 =	vld [tilespmem:s20+$0x230];
	v27 =	vpop (erf)  }
0xd0: {  	v29 =	vld [tilespmem:$0x6240];
	v18 =	vadd.f32 v16, v1;
	v4 =	vadd.f32 v14, v4;
	v16 =	vpop (erf)  }
0xd1: {  	v17 =	vld [tilespmem:$0x6250];
	v19 =	vadd.f32 v22, v19;
	v20 =	vadd.f32 v20, v23;
	v14 =	vmul.f32 v16, v3;
	v3 =	vpop (erf)  }
0xd2: {  	v12 =	vld [tilespmem:$0x6220];
	v22 =	vsub.f32 $0.0e+00, v18;
	v16 =	vadd.f32 v4, v1;
	v23 =	vmul.f32 v3, v5  }
0xd3: {  	v15 =	vld [tilespmem:$0x6230];
	v3 =	vadd.f32 v9, v21;
	v21 =	vadd.f32 v20, v1;
	[tilespmem:s25+$0x4260] =	vst v14  }
0xd4: {  	v5 =	vpop (erf);
	v4 =	vadd.f32 v25, v24;
	v9 =	vmul.f32 $1.442695020e+00, v22;
	v30 =	vsub.f32 $0.0e+00, v16;
	[tilespmem:s25+$0x4200] =	vst v23  }
0xd5: {  	v20 =	vpop (erf);
	v33 =	vadd.f32 $1.000000000e+00, v5;
	v22 =	vsub.f32 $0.0e+00, v21;
	v24 =	vld [tilespmem:s20+$0x2210]  }
0xd6: {  	v25 =	vmul.f32 v20, v7;
	v7 =	vadd.f32 $1.000000000e+00, v26;
	(erf) = vpow2.f32 v9;
	v9 =	vld [tilespmem:s20+$0x210]  }
0xd7: {  	v5 =	vadd.f32 v28, v2;
	v3 =	vadd.f32 v3, v2  }
0xd8: {  	v4 =	vadd.f32 v4, v2;
	v20 =	vpop (erf);
	v22 =	vmul.f32 $1.442695020e+00, v22;
	(erf) = vrcp.f32 v7  }
0xd9: {  	v32 =	vmul.f32 v23, v23;
	v30 =	vmul.f32 $1.442695020e+00, v30;
	v26 =	vsub.f32 $0.0e+00, v3;
	v31 =	vpop (erf)  }
0xda: {  	s21 =	simm.s32 $0x100;
	[tilespmem:s25+$0x4240] =	vst v25;
	v7 =	vadd.f32 v19, v1;
	v19 =	vmul.f32 v31, v6;
	(erf) = vpow2.f32 v22  }
0xdb: {  	v31 =	vld [tilespmem:s21+$0x2260];
	v6 =	vsub.f32 $0.0e+00, v4;
	(erf) = vpow2.f32 v30;
	v9 =	vadd.f32 v24, v9  }
0xdc: {  	v22 =	vld [tilespmem:s21+$0x2240];
	v34 =	vsub.f32 $0.0e+00, v7;
	[tilespmem:s25+$0x4220] =	vst v19;
	v30 =	vmul.f32 v19, v19;
	v24 =	vmul.f32 v20, v13  }
0xdd: {  	v13 =	vld [tilespmem:s21+$0x2270];
	v20 =	vmul.f32 $1.442695020e+00, v26;
	v26 =	vmul.f32 $1.442695020e+00, v6;
	v6 =	vadd.f32 v9, v2  }
0xde: {  	v29 =	vadd.f32 v32, v29;
	v28 =	vld [tilespmem:s21+$0x220];
	(erf) = vrcp.f32 v33;
	v9 =	vmul.f32 $1.442695020e+00, v34;
	[tilespmem:s25+$0x4230] =	vst v24  }
0xdf: {  	(erf) = vpow2.f32 v26;
	v26 =	vadd.f32 $1.000000000e+00, v27;
	v27 =	vld [tilespmem:s21+$0x270];
	v55 =	vsub.f32 $0.0e+00, v6  }
0xe0: {  	v12 =	vadd.f32 v23, v12;
	v56 =	vpop (erf);
	(erf) = vpow2.f32 v9;
	v9 =	vld [tilespmem:s21+$0x260]  }
0xe1: {  	v29 =	vadd.f32 v30, v29;
	(erf) = vrcp.f32 v26;
	v26 =	vld [tilespmem:s21+$0x240];
	v57 =	vpop (erf);
	v30 =	vmul.f32 $1.442695020e+00, v55  }
0xe2: {  	(erf) = vpow2.f32 v20;
	v20 =	vld [tilespmem:s21+$0x2250];
	v34 =	vmul.f32 v57, v8  }
0xe3: {  	v12 =	vadd.f32 v19, v12;
	v8 =	vld [tilespmem:s21+$0x2220];
	v59 =	vpop (erf)  }
0xe4: {  	v58 =	vadd.f32 $1.000000000e+00, v56;
	v19 =	vadd.f32 $1.000000000e+00, v59;
	(erf) = vpow2.f32 v30;
	v30 =	vld [tilespmem:s21+$0x2230];
	[tilespmem:s25+$0x4250] =	vst v34  }
0xe5: {  	v36 =	vmul.f32 v14, v14;
	v23 =	vsub.f32 $0.0e+00, v5;
	v35 =	vadd.f32 v13, v27;
	v27 =	vld [tilespmem:s21+$0x250]  }
0xe6: {  	(erf) = vrcp.f32 v58;
	v9 =	vadd.f32 v31, v9;
	v22 =	vadd.f32 v22, v26  }
0xe7: {  	v23 =	vmul.f32 $1.442695020e+00, v23;
	v61 =	vadd.f32 v25, v12;
	v37 =	vmul.f32 v24, v24;
	v13 =	vpop (erf);
	v60 =	vld [tilespmem:s21+$0x230]  }
0xe8: {  	v31 =	vadd.f32 $1.000000000e+00, v13;
	(erf) = vrcp.f32 v19;
	v26 =	vld [tilespmem:s21+$0x2200];
	v9 =	vadd.f32 v9, v1;
	v19 =	vpop (erf)  }
0xe9: {  	v28 =	vadd.f32 v8, v28;
	(erf) = vpow2.f32 v23;
	v23 =	vld [tilespmem:s21+$0x200];
	v8 =	vadd.f32 v22, v1;
	v12 =	vpop (erf)  }
0xea: {  	v38 =	vmul.f32 v19, v11;
	v11 =	vsub.f32 $0.0e+00, v9;
	v22 =	vpop (erf);
	v20 =	vadd.f32 v20, v27  }
0xeb: {  	(erf) = vrcp.f32 v31;
	v27 =	vadd.f32 $1.000000000e+00, v12;
	v19 =	vadd.f32 $1.000000000e+00, v22;
	v22 =	vpop (erf)  }
0xec: {  	v63 =	vsub.f32 $0.0e+00, v8;
	v12 =	vpop (erf);
	v22 =	vmul.f32 v22, v10;
	v10 =	vadd.f32 v30, v60  }
0xed: {  	v30 =	vmul.f32 $1.442695020e+00, v11;
	v11 =	vmul.f32 v25, v25;
	v31 =	vadd.f32 $1.000000000e+00, v12  }
0xee: {  	v12 =	vadd.f32 v20, v2;
	v23 =	vadd.f32 v26, v23;
	v20 =	vpop (erf);
	(erf) = vrcp.f32 v27  }
0xef: {  	v25 =	vadd.f32 v22, v15;
	v15 =	vadd.f32 v10, v2;
	(erf) = vrcp.f32 v19;
	v19 =	vpop (erf)  }
0xf0: {  	v27 =	vadd.f32 v14, v61;
	v14 =	vadd.f32 v35, v2;
	v10 =	vmul.f32 v19, v18  }
0xf1: {  	[tilespmem:s25+$0x4270] =	vst v38;
	v18 =	vpop (erf);
	v19 =	vadd.f32 v11, v29;
	v11 =	vadd.f32 v23, v1;
	(erf) = vpow2.f32 v30  }
0xf2: {  	[tilespmem:s25+$0x4210] =	vst v22;
	v30 =	vsub.f32 $0.0e+00, v15;
	v23 =	vmul.f32 v18, v21;
	(erf) = vrcp.f32 v31  }
0xf3: {  	v18 =	vsub.f32 $0.0e+00, v12;
	v21 =	vadd.f32 v24, v25;
	v25 =	vmul.f32 v22, v22;
	[tilespmem:s20+$0x4260] =	vst v10  }
0xf4: {  	v13 =	vmul.f32 v34, v34;
	v24 =	vadd.f32 v36, v19;
	v31 =	vsub.f32 $0.0e+00, v11;
	[tilespmem:s20+$0x4200] =	vst v23  }
0xf5: {  	v29 =	vpop (erf);
	v22 =	vmul.f32 v38, v38;
	v19 =	vadd.f32 v28, v1;
	v17 =	vadd.f32 v25, v17;
	v33 =	vld [tilespmem:s21+$0x2210]  }
0xf6: {  	v62 =	vpop (erf);
	v36 =	vmul.f32 $1.442695020e+00, v63;
	v21 =	vadd.f32 v34, v21;
	v26 =	vmul.f32 v23, v23;
	v34 =	vld [tilespmem:s21+$0x210]  }
0xf7: {  	v32 =	vadd.f32 $1.000000000e+00, v29;
	v16 =	vmul.f32 v62, v16;
	v39 =	vmul.f32 $1.442695020e+00, v31  }
0xf8: {  	v29 =	vmul.f32 $1.442695020e+00, v18;
	v35 =	vsub.f32 $0.0e+00, v19;
	v18 =	vadd.f32 v38, v21;
	v28 =	vpop (erf)  }
0xf9: {  	s23 =	simm.s32 $0x600;
	[tilespmem:s20+$0x4240] =	vst v16;
	v21 =	vadd.f32 v37, v17;
	(erf) = vpow2.f32 v39;
	v17 =	vmov v10;
	v31 =	vpop (erf)  }
.LBB2_7:
0xfa: {  	s25 =	sshra.s32 s23, $0x2;
	p0 =	sne.s32 s23, $0x3E00;
	s23 =	sadd.s32 $0x200, s23;
	v25 =	vmul.f32 $1.442695020e+00, v30;
	v30 =	vpop (erf);
	v23 =	vadd.f32 v23, v27;
	v27 =	vmul.f32 v31, v7  }
0xfb: {  	v31 =	vld [tilespmem:s25+$0x2260];
	v37 =	vadd.f32 v33, v34;
	(erf) = vpow2.f32 v36;
	v33 =	vpop (erf);
	v13 =	vadd.f32 v13, v21  }
0xfc: {  	v24 =	vadd.f32 v26, v24;
	v26 =	vmul.f32 v28, v4;
	v4 =	vmovc v15;
	v34 =	vld [tilespmem:s25+$0x2240];
	[tilespmem:s20+$0x4220] =	vst v27;
	(erf) = vrcp.f32 v32  }
0xfd: {  	v7 =	vmovc v19;
	v32 =	vmul.f32 $1.442695020e+00, v35;
	v15 =	vld [tilespmem:s25+$0x2270];
	v28 =	vadd.f32 v37, v2;
	v21 =	vadd.f32 v22, v13  }
0xfe: {  	v13 =	vadd.f32 $1.000000000e+00, v20;
	v20 =	vmul.f32 v27, v27;
	v19 =	vld [tilespmem:s25+$0x220];
	(erf) = vpow2.f32 v25;
	[tilespmem:s20+$0x4230] =	vst v26  }
0xff: {  	v36 =	vsub.f32 $0.0e+00, v14;
	v22 =	vld [tilespmem:s25+$0x270];
	v35 =	vsub.f32 $0.0e+00, v28;
	(erf) = vpow2.f32 v32  }
0x100: {  	v25 =	vmul.f32 v26, v26;
	v24 =	vadd.f32 v20, v24;
	v32 =	vld [tilespmem:s25+$0x260];
	(erf) = vrcp.f32 v13  }
0x101: {  	v23 =	vadd.f32 v27, v23;
	v20 =	vld [tilespmem:s25+$0x240];
	v13 =	vmul.f32 $1.442695020e+00, v35;
	(erf) = vpow2.f32 v29  }
0x102: {  	v33 =	vmul.f32 v33, v3;
	v3 =	vmov v12;
	v29 =	vadd.f32 $1.000000000e+00, v30;
	v27 =	vld [tilespmem:s25+$0x2250];
	v30 =	vpop (erf)  }
0x103: {  	v35 =	vmul.f32 $1.442695020e+00, v36;
	v12 =	vld [tilespmem:s25+$0x2220];
	v38 =	vadd.f32 $1.000000000e+00, v30;
	(erf) = vpow2.f32 v13  }
0x104: {  	v13 =	vmul.f32 v33, v33;
	v36 =	vld [tilespmem:s25+$0x2230];
	v37 =	vadd.f32 v15, v22;
	v15 =	vpop (erf);
	(erf) = vrcp.f32 v29;
	[tilespmem:s20+$0x4250] =	vst v33  }
0x105: {  	v22 =	vld [tilespmem:s25+$0x250];
	v29 =	vadd.f32 v31, v32;
	v15 =	vadd.f32 $1.000000000e+00, v15;
	(erf) = vrcp.f32 v38;
	v30 =	vpop (erf)  }
0x106: {  	v32 =	vadd.f32 v16, v23;
	v31 =	vld [tilespmem:s25+$0x230];
	v20 =	vadd.f32 v34, v20  }
0x107: {  	v23 =	vld [tilespmem:s25+$0x2200];
	v29 =	vadd.f32 v29, v1;
	v34 =	vpop (erf);
	(erf) = vpow2.f32 v35;
	v35 =	vmul.f32 v17, v10  }
0x108: {  	v39 =	vmul.f32 v30, v5;
	v17 =	vld [tilespmem:s25+$0x200];
	v19 =	vadd.f32 v12, v19;
	v38 =	vadd.f32 v20, v1;
	v12 =	vpop (erf)  }
0x109: {  	v40 =	vsub.f32 $0.0e+00, v29;
	v30 =	vadd.f32 $1.000000000e+00, v12;
	(erf) = vrcp.f32 v15;
	v12 =	vpop (erf)  }
0x10a: {  	v15 =	vadd.f32 v27, v22;
	v22 =	vadd.f32 $1.000000000e+00, v34;
	v20 =	vpop (erf);
	v27 =	vmul.f32 v12, v6;
	[tilespmem:s20+$0x4270] =	vst v39  }
0x10b: {  	v5 =	vmovc v14;
	v6 =	vmovc v28;
	v31 =	vadd.f32 v36, v31;
	v34 =	vmul.f32 $1.442695020e+00, v40;
	v36 =	vadd.f32 $1.000000000e+00, v20  }
0x10c: {  	v14 =	vmul.f32 v16, v16;
	v12 =	vadd.f32 v15, v2;
	v20 =	vpop (erf);
	(erf) = vrcp.f32 v22;
	[tilespmem:s20+$0x4210] =	vst v27;
	s20 =	smov.u32 s21;
	s21 =	smov.u32 s25  }
0x10d: {  	v18 =	vadd.f32 v27, v18;
	v16 =	vadd.f32 v23, v17;
	(erf) = vrcp.f32 v30;
	v17 =	vpop (erf)  }
0x10e: {  	v14 =	vadd.f32 v14, v24;
	v15 =	vadd.f32 v31, v2;
	v17 =	vmul.f32 v17, v9;
	v9 =	vpop (erf)  }
0x10f: {  	(erf) = vpow2.f32 v34;
	v23 =	vmul.f32 v9, v11;
	v11 =	vadd.f32 v16, v1;
	v9 =	vmovc v29  }
0x110: {  	v29 =	vsub.f32 $0.0e+00, v12;
	v16 =	vadd.f32 v26, v18;
	[tilespmem:s20+$0x4260] =	vst v17;
	(erf) = vrcp.f32 v36;
	v28 =	vpop (erf)  }
0x111: {  	v24 =	vadd.f32 v35, v14;
	v30 =	vsub.f32 $0.0e+00, v15;
	v18 =	vmul.f32 v27, v27  }
0x112: {  	v22 =	vmul.f32 v39, v39;
	v14 =	vsub.f32 $0.0e+00, v11;
	v35 =	vadd.f32 v33, v16;
	[tilespmem:s20+$0x4200] =	vst v23;
	v31 =	vpop (erf)  }
.Ltmp6:
0x113: {  	v19 =	vadd.f32 v19, v1;
	v27 =	vadd.f32 v10, v32;
	v10 =	vmovc v17;
	v26 =	vmul.f32 v23, v23;
	v33 =	vld [tilespmem:s21+$0x2210];
	(pc) =	sbr.rel @p0 .LBB2_7-.Ltmp6, $4  }
0x114: {  	v36 =	vsub.f32 $0.0e+00, v38;
	v32 =	vadd.f32 $1.000000000e+00, v28;
	v16 =	vmul.f32 v31, v8;
	v8 =	vmovc v38;
	v34 =	vld [tilespmem:s21+$0x210]  }
0x115: {  	v21 =	vadd.f32 v18, v21;
	v38 =	vmul.f32 $1.442695020e+00, v14;
	v14 =	vadd.f32 v37, v2;
	v28 =	vpop (erf)  }
0x116: {  	v29 =	vmul.f32 $1.442695020e+00, v29;
	v36 =	vmul.f32 $1.442695020e+00, v36;
	v18 =	vadd.f32 v39, v35;
	[tilespmem:s20+$0x4240] =	vst v16;
	v31 =	vpop (erf)  }
0x117: {  	v35 =	vsub.f32 $0.0e+00, v19;
	v21 =	vadd.f32 v25, v21;
	(erf) = vpow2.f32 v38  }
0x118: {  	_ = 	snop  }
0x119: {  	v25 =	vadd.f32 v33, v34;
	_ =	sdelay $0x1  }
0x11a: {  	v30 =	vmul.f32 $1.442695020e+00, v30;
	(erf) = vpow2.f32 v36;
	v25 =	vadd.f32 v25, v2  }
0x11b: {  	(erf) = vrcp.f32 v32;
	v41 =	vmul.f32 $1.442695020e+00, v35  }
0x11c: {  	v20 =	vadd.f32 $1.000000000e+00, v20;
	(erf) = vpow2.f32 v30;
	v42 =	vsub.f32 $0.0e+00, v25  }
0x11d: {  	v43 =	vpop (erf);
	(erf) = vpow2.f32 v41  }
0x11e: {  	v44 =	vpop (erf);
	(erf) = vrcp.f32 v20;
	v45 =	vmul.f32 $1.442695020e+00, v42  }
0x11f: {  	v46 =	vsub.f32 $0.0e+00, v14;
	v47 =	vadd.f32 $1.000000000e+00, v43;
	(erf) = vpow2.f32 v29;
	v48 =	vpop (erf)  }
0x120: {  	v33 =	vadd.f32 $1.000000000e+00, v48;
	(erf) = vpow2.f32 v45  }
0x121: {  	v49 =	vmul.f32 $1.442695020e+00, v46;
	(erf) = vrcp.f32 v47  }
0x122: {  	(erf) = vrcp.f32 v33  }
0x123: {  	v50 =	vpop (erf);
	(erf) = vpow2.f32 v49  }
0x124: {  	v51 =	vpop (erf)  }
0x125: {  	v52 =	vpop (erf)  }
0x126: {  	v53 =	vpop (erf)  }
0x127: {  	v54 =	vpop (erf)  }
0x128: {  	v55 =	vpop (erf)  }
0x129: {  	v29 =	vadd.f32 $1.000000000e+00, v50;
	v56 =	vpop (erf)  }
0x12a: {  	v30 =	vadd.f32 $1.000000000e+00, v52;
	v37 =	vpop (erf)  }
0x12b: {  	v33 =	vadd.f32 $1.000000000e+00, v53;
	(erf) = vrcp.f32 v29;
	v57 =	vpop (erf)  }
0x12c: {  	v23 =	vadd.f32 v23, v27;
	(erf) = vrcp.f32 v30;
	v35 =	vadd.f32 $1.000000000e+00, v55;
	v58 =	vpop (erf)  }
0x12d: {  	v7 =	vmul.f32 v31, v7;
	(erf) = vrcp.f32 v33;
	v59 =	vadd.f32 $1.000000000e+00, v58  }
0x12e: {  	v4 =	vmul.f32 v28, v4;
	v60 =	vadd.f32 $1.000000000e+00, v56;
	(erf) = vrcp.f32 v35  }
0x12f: {  	v61 =	vadd.f32 v26, v24;
	v31 =	vmul.f32 v16, v16;
	(erf) = vrcp.f32 v59  }
0x130: {  	v13 =	vadd.f32 v13, v21;
	v6 =	vmul.f32 v54, v6;
	(erf) = vrcp.f32 v60  }
0x131: {  	v17 =	vmul.f32 v17, v10;
	v62 =	vmul.f32 v7, v7;
	v23 =	vadd.f32 v7, v23  }
0x132: {  	v3 =	vmul.f32 v44, v3;
	v13 =	vadd.f32 v22, v13;
	v18 =	vadd.f32 v6, v18  }
0x133: {  	v32 =	vadd.f32 v16, v23;
	v5 =	vmul.f32 v51, v5;
	v33 =	vmul.f32 v6, v6  }
0x134: {  	v63 =	vmul.f32 v4, v4;
	v21 =	vadd.f32 v62, v61;
	v18 =	vadd.f32 v4, v18;
	v34 =	vpop (erf)  }
0x135: {  	v46 =	vadd.f32 v10, v32;
	v44 =	vmul.f32 v5, v5;
	v40 =	vadd.f32 v33, v13;
	v36 =	vpop (erf)  }
0x136: {  	[tilespmem:s20+$0x4220] =	vst v7;
	v43 =	vadd.f32 v3, v18;
	v35 =	vadd.f32 v31, v21;
	v39 =	vmul.f32 v57, v11;
	v41 =	vpop (erf)  }
0x137: {  	[tilespmem:s20+$0x4250] =	vst v3;
	v30 =	vmul.f32 v3, v3;
	v38 =	vmul.f32 v37, v9;
	v11 =	vadd.f32 v63, v40;
	v45 =	vpop (erf)  }
0x138: {  	[tilespmem:s20+$0x4270] =	vst v5;
	v5 =	vadd.f32 v5, v43;
	v42 =	vadd.f32 v17, v35;
	v3 =	vmul.f32 v39, v39;
	v47 =	vpop (erf)  }
0x139: {  	[tilespmem:s20+$0x4230] =	vst v4;
	v8 =	vmul.f32 v34, v8;
	v50 =	vadd.f32 v30, v11;
	v13 =	vmul.f32 v41, v19;
	v48 =	vpop (erf)  }
0x13a: {  	[tilespmem:s20+$0x4210] =	vst v6;
	v49 =	vadd.f32 v39, v46;
	v52 =	vmul.f32 v36, v15;
	v51 =	vmul.f32 v48, v25  }
0x13b: {  	[tilespmem:s21+$0x4260] =	vst v38;
	v3 =	vadd.f32 v3, v42;
	v54 =	vadd.f32 v44, v50;
	v53 =	vmul.f32 v13, v13  }
0x13c: {  	[tilespmem:s21+$0x4200] =	vst v39;
	v56 =	vmul.f32 v52, v52;
	v6 =	vadd.f32 v13, v49;
	v55 =	vmul.f32 v51, v51  }
0x13d: {  	[tilespmem:s21+$0x4240] =	vst v8;
	v12 =	vmul.f32 v45, v12;
	v3 =	vadd.f32 v53, v3;
	v5 =	vadd.f32 v51, v5  }
0x13e: {  	[tilespmem:s21+$0x4230] =	vst v52;
	v57 =	vadd.f32 v8, v6;
	v8 =	vmul.f32 v8, v8;
	v9 =	vadd.f32 v55, v54  }
0x13f: {  	v60 =	vmul.f32 v38, v38;
	[tilespmem:s21+$0x4220] =	vst v13;
	v58 =	vmul.f32 v47, v14;
	v5 =	vadd.f32 v52, v5  }
0x140: {  	[tilespmem:s21+$0x4250] =	vst v12;
	v59 =	vmul.f32 v12, v12;
	v3 =	vadd.f32 v8, v3;
	v9 =	vadd.f32 v56, v9  }
0x141: {  	v4 =	vadd.f32 v38, v57;
	[tilespmem:s21+$0x4270] =	vst v58;
	v5 =	vadd.f32 v12, v5  }
0x142: {  	v61 =	vmul.f32 v58, v58;
	v3 =	vadd.f32 v60, v3;
	[tilespmem:s21+$0x4210] =	vst v51;
	v62 =	vadd.f32 v59, v9  }
.Ltmp7:
0x143: {  	[tilespmem:$0x6220] =	vst v4;
	v5 =	vadd.f32 v58, v5;
	(pc) =	sbr.rel .LBB2_9-.Ltmp7, $4  }
0x144: {  	s25 =	sadd.s32 s12, s18;
	[tilespmem:$0x6240] =	vst v3;
	v63 =	vadd.f32 v61, v62  }
0x145: {  	s20 =	sshll.u32 s25, $0x9;
	[tilespmem:$0x6230] =	vst v5  }
0x146: {  	s20 =	sadd.s32 s11, s20;
	[tilespmem:$0x6250] =	vst v63  }
0x147: {  	[hbm4b:s20+s4] =	stream.linear.scatter [tilespmem:s30], [sflag:$0x5], $0x1000, $0x38;
	[tilespmem:$0x12A60] =	vst v63  }
.LBB2_5:
0x148: {  	s17 =	sor.u32 $0x1, s18  }
.LBB2_9:
0x149: {  	p0 =	sge.s32 s17, s13  }
.Ltmp8:
0x14a: {  	_ = 	snop;
	(pc) =	sbr.rel @p0 .LBB2_13-.Ltmp8, $1  }
0x14b: {  	_ =	sdelay $0x3  }
0x14c: {  	_ =	swait.ge [sflag:s0], $0x1000  }
0x14d: {  	[sflag:s0] =	ssyncset.done $0x0  }
0x14e: {  	[sflag:s0] =	ssyncadd.s32 $0xFFFFF000  }
0x14f: {  	_ =	swait.ge [sflag:s0], $0x1000  }
0x150: {  	s20 =	sadd.s32 $0x3, s18;
	[sflag:s0] =	ssyncset.done $0x0  }
0x151: {  	p0 =	sge.s32 s20, s13;
	[sflag:s0] =	ssyncadd.s32 $0xFFFFF000  }
0x152: {  	[spmem:s3] =	stream.indirect.scatter.add.f32 [tilespmem:s22], [sflag:$0x7], $0x8, s29, s29, $0xb8;
	[tilespmem:$0x12A60] =	vst v63  }
0x153: {  	s20 =	sadd.s32 @!p0 s12, s20;
	_ =	swait.ge [sflag:s24], $0x400  }
0x154: {  	s23 =	simm.s32 @!p0 $0x0;
	s20 =	sshll.u32 @!p0 s20, $0x4;
	[sflag:s24] =	ssyncset.done $0x0  }
0x155: {  	s25 =	simm.s32 @!p0 $0x80;
	s21 =	sadd.s32 @!p0 s7, s20;
	[sflag:s24] =	ssyncadd.s32 $0xFFFFFC00  }
0x156: {  	[tilespmem:s25], [sflag:$0x2] =	stream.linear.gather @!p0 [hbm4b:s21+s23], $0x80, $0x38;
	[tilespmem:$0x12A60] =	vst v63  }
0x157: {  	s20 =	sadd.s32 @!p0 s8, s20;
	s21 =	simm.s32 @!p0 $0x180  }
0x158: {  	[tilespmem:s21], [sflag:$0x2] =	stream.linear.gather @!p0 [hbm4b:s20+s23], $0x80, $0x38;
	[tilespmem:$0x12A60] =	vst v63  }
0x159: {  	p0 =	sge.s32 s18, s19  }
0x15a: {  	s18 =	simm.s32 @!p0 $0x1  }
0x15b: {  	_ =	swait.ge @!p0 [sflag:s18], $0x80  }
0x15c: {  	[sflag:s18] =	ssyncset.done @!p0 $0x0  }
0x15d: {  	[sflag:s18] =	ssyncadd.s32 @!p0 $0xFFFFFF80  }
0x15e: {  	_ =	swait.ge @!p0 [sflag:s18], $0x80  }
0x15f: {  	s20 =	simm.s32 @!p0 $0x0;
	[sflag:s18] =	ssyncset.done @!p0 $0x0  }
0x160: {  	s21 =	simm.s32 @!p0 $0x200;
	[sflag:s18] =	ssyncadd.s32 @!p0 $0xFFFFFF80;
	s18 =	simm.s32 @!p0 $0x80  }
0x161: {  	[tilespmem:s21], [sflag:$0x3] =	stream.indirect.gather @!p0 [hbm4b:s1+s18], $0x20, s20, s18, $0xb8;
	[tilespmem:$0x12A60] =	vst v63  }
0x162: {  	s20 =	simm.s32 @!p0 $0x100;
	s21 =	simm.s32 @!p0 $0x2200  }
0x163: {  	[tilespmem:s21], [sflag:$0x3] =	stream.indirect.gather @!p0 [hbm4b:s6+s18], $0x20, s20, s18, $0xb8;
	[tilespmem:$0x12A60] =	vst v63  }
0x164: {  	p0 =	seq.s32 s16, $0x0  }
0x165: {  	s18 =	simm.s32 @!p0 $0x6  }
0x166: {  	_ =	swait.ge @!p0 [sflag:s18], $0x1000  }
0x167: {  	[sflag:s18] =	ssyncset.done @!p0 $0x0  }
0x168: {  	s25 =	simm.s32 $0x0;
	[sflag:s18] =	ssyncadd.s32 @!p0 $0xFFFFF000  }
0x169: {  	v3 =	vld [tilespmem:s25+$0x3260]  }
0x16a: {  	v4 =	vld [tilespmem:s25+$0x1260]  }
0x16b: {  	v5 =	vld [tilespmem:s25+$0x3200]  }
0x16c: {  	v6 =	vld [tilespmem:s25+$0x1200]  }
0x16d: {  	v7 =	vld [tilespmem:s25+$0x3240]  }
0x16e: {  	v8 =	vld [tilespmem:s25+$0x1220]  }
0x16f: {  	v9 =	vld [tilespmem:s25+$0x1240]  }
0x170: {  	v10 =	vld [tilespmem:s25+$0x3230];
	v3 =	vadd.f32 v3, v4  }
0x171: {  	v4 =	vld [tilespmem:s25+$0x1230];
	v5 =	vadd.f32 v5, v6  }
0x172: {  	v6 =	vld [tilespmem:s25+$0x3220];
	v3 =	vadd.f32 v3, v1  }
0x173: {  	v11 =	vld [tilespmem:s25+$0x3250];
	v5 =	vadd.f32 v5, v1  }
0x174: {  	v12 =	vld [tilespmem:s25+$0x1250];
	v7 =	vadd.f32 v7, v9;
	v9 =	vsub.f32 $0.0e+00, v3  }
0x175: {  	v14 =	vld [tilespmem:s25+$0x3210];
	v13 =	vsub.f32 $0.0e+00, v5  }
0x176: {  	v7 =	vadd.f32 v7, v1;
	v4 =	vadd.f32 v10, v4;
	v10 =	vld [tilespmem:s25+$0x1210];
	v9 =	vmul.f32 $1.442695020e+00, v9  }
0x177: {  	v15 =	vld [tilespmem:s25+$0x1270];
	v6 =	vadd.f32 v6, v8;
	v8 =	vmul.f32 $1.442695020e+00, v13  }
0x178: {  	v13 =	vadd.f32 v4, v2;
	v4 =	vsub.f32 $0.0e+00, v7;
	(erf) = vpow2.f32 v9;
	v9 =	vld [tilespmem:s25+$0x3270]  }
0x179: {  	(erf) = vpow2.f32 v8  }
0x17a: {  	v6 =	vadd.f32 v6, v1;
	v8 =	vadd.f32 v11, v12;
	v4 =	vmul.f32 $1.442695020e+00, v4  }
0x17b: {  	v11 =	vsub.f32 $0.0e+00, v13;
	v10 =	vadd.f32 v14, v10  }
0x17c: {  	v12 =	vsub.f32 $0.0e+00, v6;
	v8 =	vadd.f32 v8, v2;
	(erf) = vpow2.f32 v4  }
0x17d: {  	v11 =	vmul.f32 $1.442695020e+00, v11;
	v10 =	vadd.f32 v10, v2;
	v9 =	vadd.f32 v9, v15  }
0x17e: {  	s18 =	simm.s32 $0x80;
	v4 =	vmul.f32 $1.442695020e+00, v12;
	v14 =	vsub.f32 $0.0e+00, v8  }
0x17f: {  	v17 =	vld [tilespmem:s18+$0x3270];
	(erf) = vpow2.f32 v11;
	v16 =	vsub.f32 $0.0e+00, v10  }
0x180: {  	v19 =	vld [tilespmem:s18+$0x1220];
	(erf) = vpow2.f32 v4;
	v4 =	vmul.f32 $1.442695020e+00, v14  }
0x181: {  	v18 =	vld [tilespmem:s18+$0x1270];
	v11 =	vadd.f32 v9, v2;
	v16 =	vmul.f32 $1.442695020e+00, v16;
	v9 =	vpop (erf)  }
0x182: {  	v22 =	vld [tilespmem:s18+$0x3220];
	(erf) = vpow2.f32 v4;
	v4 =	vadd.f32 $1.000000000e+00, v9;
	v9 =	vpop (erf)  }
0x183: {  	v15 =	vld [tilespmem:s18+$0x3260];
	(erf) = vpow2.f32 v16;
	v9 =	vadd.f32 $1.000000000e+00, v9  }
0x184: {  	v20 =	vsub.f32 $0.0e+00, v11;
	v16 =	vld [tilespmem:s18+$0x1260];
	(erf) = vrcp.f32 v4  }
0x185: {  	v25 =	vld [tilespmem:s18+$0x3230];
	v21 =	vpop (erf);
	(erf) = vrcp.f32 v9  }
0x186: {  	v14 =	vld [tilespmem:s18+$0x3240];
	v20 =	vmul.f32 $1.442695020e+00, v20  }
0x187: {  	v4 =	vld [tilespmem:s18+$0x1240];
	v21 =	vadd.f32 $1.000000000e+00, v21  }
0x188: {  	v23 =	vpop (erf);
	(erf) = vpow2.f32 v20;
	v20 =	vld [tilespmem:s18+$0x3200]  }
0x189: {  	v24 =	vpop (erf);
	(erf) = vrcp.f32 v21;
	v21 =	vadd.f32 $1.000000000e+00, v23;
	v23 =	vld [tilespmem:s18+$0x1200];
	v16 =	vadd.f32 v15, v16  }
0x18a: {  	v9 =	vld [tilespmem:s18+$0x3250];
	v24 =	vadd.f32 $1.000000000e+00, v24  }
0x18b: {  	(erf) = vrcp.f32 v21;
	v21 =	vld [tilespmem:s18+$0x1250];
	v26 =	vpop (erf)  }
0x18c: {  	v28 =	vadd.f32 v17, v18;
	(erf) = vrcp.f32 v24;
	v24 =	vld [tilespmem:s18+$0x1230];
	v27 =	vpop (erf)  }
0x18d: {  	v29 =	vld [tilespmem:$0x6240];
	v18 =	vadd.f32 v16, v1;
	v4 =	vadd.f32 v14, v4;
	v16 =	vpop (erf)  }
0x18e: {  	v17 =	vld [tilespmem:$0x6250];
	v19 =	vadd.f32 v22, v19;
	v20 =	vadd.f32 v20, v23;
	v14 =	vmul.f32 v16, v3;
	v3 =	vpop (erf)  }
0x18f: {  	v12 =	vld [tilespmem:$0x6220];
	v22 =	vsub.f32 $0.0e+00, v18;
	v16 =	vadd.f32 v4, v1;
	v23 =	vmul.f32 v3, v5  }
0x190: {  	v15 =	vld [tilespmem:$0x6230];
	v3 =	vadd.f32 v9, v21;
	v21 =	vadd.f32 v20, v1;
	[tilespmem:s25+$0x5260] =	vst v14  }
0x191: {  	v5 =	vpop (erf);
	v4 =	vadd.f32 v25, v24;
	v9 =	vmul.f32 $1.442695020e+00, v22;
	v30 =	vsub.f32 $0.0e+00, v16;
	[tilespmem:s25+$0x5200] =	vst v23  }
0x192: {  	v20 =	vpop (erf);
	v33 =	vadd.f32 $1.000000000e+00, v5;
	v22 =	vsub.f32 $0.0e+00, v21;
	v24 =	vld [tilespmem:s18+$0x3210]  }
0x193: {  	v25 =	vmul.f32 v20, v7;
	v7 =	vadd.f32 $1.000000000e+00, v26;
	(erf) = vpow2.f32 v9;
	v9 =	vld [tilespmem:s18+$0x1210]  }
0x194: {  	v5 =	vadd.f32 v28, v2;
	v3 =	vadd.f32 v3, v2  }
0x195: {  	v4 =	vadd.f32 v4, v2;
	v20 =	vpop (erf);
	v22 =	vmul.f32 $1.442695020e+00, v22;
	(erf) = vrcp.f32 v7  }
0x196: {  	v32 =	vmul.f32 v23, v23;
	v30 =	vmul.f32 $1.442695020e+00, v30;
	v26 =	vsub.f32 $0.0e+00, v3;
	v31 =	vpop (erf)  }
0x197: {  	s20 =	simm.s32 $0x100;
	[tilespmem:s25+$0x5240] =	vst v25;
	v7 =	vadd.f32 v19, v1;
	v19 =	vmul.f32 v31, v6;
	(erf) = vpow2.f32 v22  }
0x198: {  	v31 =	vld [tilespmem:s20+$0x3260];
	v6 =	vsub.f32 $0.0e+00, v4;
	(erf) = vpow2.f32 v30;
	v9 =	vadd.f32 v24, v9  }
0x199: {  	v22 =	vld [tilespmem:s20+$0x3240];
	v34 =	vsub.f32 $0.0e+00, v7;
	[tilespmem:s25+$0x5220] =	vst v19;
	v30 =	vmul.f32 v19, v19;
	v24 =	vmul.f32 v20, v13  }
0x19a: {  	v13 =	vld [tilespmem:s20+$0x3270];
	v20 =	vmul.f32 $1.442695020e+00, v26;
	v26 =	vmul.f32 $1.442695020e+00, v6;
	v6 =	vadd.f32 v9, v2  }
0x19b: {  	v29 =	vadd.f32 v32, v29;
	v28 =	vld [tilespmem:s20+$0x1220];
	(erf) = vrcp.f32 v33;
	v9 =	vmul.f32 $1.442695020e+00, v34;
	[tilespmem:s25+$0x5230] =	vst v24  }
0x19c: {  	(erf) = vpow2.f32 v26;
	v26 =	vadd.f32 $1.000000000e+00, v27;
	v27 =	vld [tilespmem:s20+$0x1270];
	v55 =	vsub.f32 $0.0e+00, v6  }
0x19d: {  	v12 =	vadd.f32 v23, v12;
	v56 =	vpop (erf);
	(erf) = vpow2.f32 v9;
	v9 =	vld [tilespmem:s20+$0x1260]  }
0x19e: {  	v29 =	vadd.f32 v30, v29;
	(erf) = vrcp.f32 v26;
	v26 =	vld [tilespmem:s20+$0x1240];
	v57 =	vpop (erf);
	v30 =	vmul.f32 $1.442695020e+00, v55  }
0x19f: {  	(erf) = vpow2.f32 v20;
	v20 =	vld [tilespmem:s20+$0x3250];
	v34 =	vmul.f32 v57, v8  }
0x1a0: {  	v12 =	vadd.f32 v19, v12;
	v8 =	vld [tilespmem:s20+$0x3220];
	v59 =	vpop (erf)  }
0x1a1: {  	v58 =	vadd.f32 $1.000000000e+00, v56;
	v19 =	vadd.f32 $1.000000000e+00, v59;
	(erf) = vpow2.f32 v30;
	v30 =	vld [tilespmem:s20+$0x3230];
	[tilespmem:s25+$0x5250] =	vst v34  }
0x1a2: {  	v36 =	vmul.f32 v14, v14;
	v23 =	vsub.f32 $0.0e+00, v5;
	v35 =	vadd.f32 v13, v27;
	v27 =	vld [tilespmem:s20+$0x1250]  }
0x1a3: {  	(erf) = vrcp.f32 v58;
	v9 =	vadd.f32 v31, v9;
	v22 =	vadd.f32 v22, v26  }
0x1a4: {  	v23 =	vmul.f32 $1.442695020e+00, v23;
	v61 =	vadd.f32 v25, v12;
	v37 =	vmul.f32 v24, v24;
	v13 =	vpop (erf);
	v60 =	vld [tilespmem:s20+$0x1230]  }
0x1a5: {  	v31 =	vadd.f32 $1.000000000e+00, v13;
	(erf) = vrcp.f32 v19;
	v26 =	vld [tilespmem:s20+$0x3200];
	v9 =	vadd.f32 v9, v1;
	v19 =	vpop (erf)  }
0x1a6: {  	v28 =	vadd.f32 v8, v28;
	(erf) = vpow2.f32 v23;
	v23 =	vld [tilespmem:s20+$0x1200];
	v8 =	vadd.f32 v22, v1;
	v12 =	vpop (erf)  }
0x1a7: {  	v38 =	vmul.f32 v19, v11;
	v11 =	vsub.f32 $0.0e+00, v9;
	v22 =	vpop (erf);
	v20 =	vadd.f32 v20, v27  }
0x1a8: {  	(erf) = vrcp.f32 v31;
	v27 =	vadd.f32 $1.000000000e+00, v12;
	v19 =	vadd.f32 $1.000000000e+00, v22;
	v22 =	vpop (erf)  }
0x1a9: {  	v63 =	vsub.f32 $0.0e+00, v8;
	v12 =	vpop (erf);
	v22 =	vmul.f32 v22, v10;
	v10 =	vadd.f32 v30, v60  }
0x1aa: {  	v30 =	vmul.f32 $1.442695020e+00, v11;
	v11 =	vmul.f32 v25, v25;
	v31 =	vadd.f32 $1.000000000e+00, v12  }
0x1ab: {  	v12 =	vadd.f32 v20, v2;
	v23 =	vadd.f32 v26, v23;
	v20 =	vpop (erf);
	(erf) = vrcp.f32 v27  }
0x1ac: {  	v25 =	vadd.f32 v22, v15;
	v15 =	vadd.f32 v10, v2;
	(erf) = vrcp.f32 v19;
	v19 =	vpop (erf)  }
0x1ad: {  	v27 =	vadd.f32 v14, v61;
	v14 =	vadd.f32 v35, v2;
	v10 =	vmul.f32 v19, v18  }
0x1ae: {  	[tilespmem:s25+$0x5270] =	vst v38;
	v18 =	vpop (erf);
	v19 =	vadd.f32 v11, v29;
	v11 =	vadd.f32 v23, v1;
	(erf) = vpow2.f32 v30  }
0x1af: {  	[tilespmem:s25+$0x5210] =	vst v22;
	v30 =	vsub.f32 $0.0e+00, v15;
	v23 =	vmul.f32 v18, v21;
	(erf) = vrcp.f32 v31  }
0x1b0: {  	v18 =	vsub.f32 $0.0e+00, v12;
	v21 =	vadd.f32 v24, v25;
	v25 =	vmul.f32 v22, v22;
	[tilespmem:s18+$0x5260] =	vst v10  }
0x1b1: {  	v13 =	vmul.f32 v34, v34;
	v24 =	vadd.f32 v36, v19;
	v31 =	vsub.f32 $0.0e+00, v11;
	[tilespmem:s18+$0x5200] =	vst v23  }
0x1b2: {  	v29 =	vpop (erf);
	v22 =	vmul.f32 v38, v38;
	v19 =	vadd.f32 v28, v1;
	v17 =	vadd.f32 v25, v17;
	v33 =	vld [tilespmem:s20+$0x3210]  }
0x1b3: {  	v62 =	vpop (erf);
	v36 =	vmul.f32 $1.442695020e+00, v63;
	v21 =	vadd.f32 v34, v21;
	v26 =	vmul.f32 v23, v23;
	v34 =	vld [tilespmem:s20+$0x1210]  }
0x1b4: {  	v32 =	vadd.f32 $1.000000000e+00, v29;
	v16 =	vmul.f32 v62, v16;
	v39 =	vmul.f32 $1.442695020e+00, v31  }
0x1b5: {  	v29 =	vmul.f32 $1.442695020e+00, v18;
	v35 =	vsub.f32 $0.0e+00, v19;
	v18 =	vadd.f32 v38, v21;
	v28 =	vpop (erf)  }
0x1b6: {  	s21 =	simm.s32 $0x600;
	[tilespmem:s18+$0x5240] =	vst v16;
	v21 =	vadd.f32 v37, v17;
	(erf) = vpow2.f32 v39;
	v17 =	vmov v10;
	v31 =	vpop (erf)  }
.LBB2_11:
0x1b7: {  	s23 =	sshra.s32 s21, $0x2;
	p0 =	sne.s32 s21, $0x3E00;
	s21 =	sadd.s32 $0x200, s21;
	v25 =	vmul.f32 $1.442695020e+00, v30;
	v30 =	vpop (erf);
	v23 =	vadd.f32 v23, v27;
	v27 =	vmul.f32 v31, v7  }
0x1b8: {  	v37 =	vadd.f32 v33, v34;
	v13 =	vadd.f32 v13, v21;
	v31 =	vld [tilespmem:s23+$0x3260];
	(erf) = vpow2.f32 v36;
	v33 =	vpop (erf)  }
0x1b9: {  	v24 =	vadd.f32 v26, v24;
	v26 =	vmul.f32 v28, v4;
	v4 =	vmovc v15;
	v34 =	vld [tilespmem:s23+$0x3240];
	[tilespmem:s18+$0x5220] =	vst v27;
	(erf) = vrcp.f32 v32  }
0x1ba: {  	v7 =	vmovc v19;
	v28 =	vadd.f32 v37, v2;
	v32 =	vmul.f32 $1.442695020e+00, v35;
	v21 =	vadd.f32 v22, v13;
	v15 =	vld [tilespmem:s23+$0x3270]  }
0x1bb: {  	v13 =	vadd.f32 $1.000000000e+00, v20;
	v20 =	vmul.f32 v27, v27;
	v19 =	vld [tilespmem:s23+$0x1220];
	(erf) = vpow2.f32 v25;
	[tilespmem:s18+$0x5230] =	vst v26  }
0x1bc: {  	v36 =	vsub.f32 $0.0e+00, v14;
	v35 =	vsub.f32 $0.0e+00, v28;
	v22 =	vld [tilespmem:s23+$0x1270];
	(erf) = vpow2.f32 v32  }
0x1bd: {  	v24 =	vadd.f32 v20, v24;
	v25 =	vmul.f32 v26, v26;
	v32 =	vld [tilespmem:s23+$0x1260];
	(erf) = vrcp.f32 v13  }
0x1be: {  	v23 =	vadd.f32 v27, v23;
	v13 =	vmul.f32 $1.442695020e+00, v35;
	v20 =	vld [tilespmem:s23+$0x1240];
	(erf) = vpow2.f32 v29  }
0x1bf: {  	v33 =	vmul.f32 v33, v3;
	v3 =	vmov v12;
	v29 =	vadd.f32 $1.000000000e+00, v30;
	v27 =	vld [tilespmem:s23+$0x3250];
	v30 =	vpop (erf)  }
0x1c0: {  	v35 =	vmul.f32 $1.442695020e+00, v36;
	v12 =	vld [tilespmem:s23+$0x3220];
	v38 =	vadd.f32 $1.000000000e+00, v30;
	(erf) = vpow2.f32 v13  }
0x1c1: {  	v13 =	vmul.f32 v33, v33;
	v36 =	vld [tilespmem:s23+$0x3230];
	v37 =	vadd.f32 v15, v22;
	v15 =	vpop (erf);
	(erf) = vrcp.f32 v29;
	[tilespmem:s18+$0x5250] =	vst v33  }
0x1c2: {  	v22 =	vld [tilespmem:s23+$0x1250];
	v29 =	vadd.f32 v31, v32;
	v15 =	vadd.f32 $1.000000000e+00, v15;
	(erf) = vrcp.f32 v38;
	v30 =	vpop (erf)  }
0x1c3: {  	v32 =	vadd.f32 v16, v23;
	v31 =	vld [tilespmem:s23+$0x1230];
	v20 =	vadd.f32 v34, v20  }
0x1c4: {  	v23 =	vld [tilespmem:s23+$0x3200];
	v29 =	vadd.f32 v29, v1;
	v34 =	vpop (erf);
	(erf) = vpow2.f32 v35;
	v35 =	vmul.f32 v17, v10  }
0x1c5: {  	v39 =	vmul.f32 v30, v5;
	v17 =	vld [tilespmem:s23+$0x1200];
	v19 =	vadd.f32 v12, v19;
	v38 =	vadd.f32 v20, v1;
	v12 =	vpop (erf)  }
0x1c6: {  	v40 =	vsub.f32 $0.0e+00, v29;
	v30 =	vadd.f32 $1.000000000e+00, v12;
	(erf) = vrcp.f32 v15;
	v12 =	vpop (erf)  }
0x1c7: {  	v15 =	vadd.f32 v27, v22;
	v22 =	vadd.f32 $1.000000000e+00, v34;
	v20 =	vpop (erf);
	v27 =	vmul.f32 v12, v6;
	[tilespmem:s18+$0x5270] =	vst v39  }
0x1c8: {  	v5 =	vmovc v14;
	v6 =	vmovc v28;
	v31 =	vadd.f32 v36, v31;
	v34 =	vmul.f32 $1.442695020e+00, v40;
	v36 =	vadd.f32 $1.000000000e+00, v20  }
0x1c9: {  	v14 =	vmul.f32 v16, v16;
	v12 =	vadd.f32 v15, v2;
	v20 =	vpop (erf);
	(erf) = vrcp.f32 v22;
	[tilespmem:s18+$0x5210] =	vst v27;
	s18 =	smov.u32 s20;
	s20 =	smov.u32 s23  }
0x1ca: {  	v18 =	vadd.f32 v27, v18;
	v16 =	vadd.f32 v23, v17;
	(erf) = vrcp.f32 v30;
	v17 =	vpop (erf)  }
0x1cb: {  	v14 =	vadd.f32 v14, v24;
	v15 =	vadd.f32 v31, v2;
	v17 =	vmul.f32 v17, v9;
	v9 =	vpop (erf)  }
0x1cc: {  	(erf) = vpow2.f32 v34;
	v23 =	vmul.f32 v9, v11;
	v11 =	vadd.f32 v16, v1;
	v9 =	vmovc v29  }
0x1cd: {  	v29 =	vsub.f32 $0.0e+00, v12;
	v16 =	vadd.f32 v26, v18;
	[tilespmem:s18+$0x5260] =	vst v17;
	(erf) = vrcp.f32 v36;
	v28 =	vpop (erf)  }
0x1ce: {  	v24 =	vadd.f32 v35, v14;
	v30 =	vsub.f32 $0.0e+00, v15;
	v18 =	vmul.f32 v27, v27  }
0x1cf: {  	v22 =	vmul.f32 v39, v39;
	v14 =	vsub.f32 $0.0e+00, v11;
	v35 =	vadd.f32 v33, v16;
	[tilespmem:s18+$0x5200] =	vst v23;
	v31 =	vpop (erf)  }
.Ltmp9:
0x1d0: {  	v19 =	vadd.f32 v19, v1;
	v27 =	vadd.f32 v10, v32;
	v10 =	vmovc v17;
	v26 =	vmul.f32 v23, v23;
	v33 =	vld [tilespmem:s20+$0x3210];
	(pc) =	sbr.rel @p0 .LBB2_11-.Ltmp9, $4  }
0x1d1: {  	v36 =	vsub.f32 $0.0e+00, v38;
	v32 =	vadd.f32 $1.000000000e+00, v28;
	v16 =	vmul.f32 v31, v8;
	v8 =	vmovc v38;
	v34 =	vld [tilespmem:s20+$0x1210]  }
0x1d2: {  	v21 =	vadd.f32 v18, v21;
	v38 =	vmul.f32 $1.442695020e+00, v14;
	v14 =	vadd.f32 v37, v2;
	v28 =	vpop (erf)  }
0x1d3: {  	v29 =	vmul.f32 $1.442695020e+00, v29;
	v36 =	vmul.f32 $1.442695020e+00, v36;
	v18 =	vadd.f32 v39, v35;
	[tilespmem:s18+$0x5240] =	vst v16;
	v31 =	vpop (erf)  }
0x1d4: {  	v35 =	vsub.f32 $0.0e+00, v19;
	v21 =	vadd.f32 v25, v21;
	(erf) = vpow2.f32 v38  }
.Ltmp10:
0x1d5: {  	_ = 	snop;
	(pc) =	sbr.rel .LBB2_12-.Ltmp10, $1  }
0x1d6: {  	_ =	sdelay $0x3  }
.LBB2_15:
0x1d7: {  	_ =	sfence.sel $0x180000  }
0x1d8: {  	[bflag:$0x0] =	sbarrier.arrive $0xFFFF  }
0x1d9: {  	_ =	strace $0x90000047  }
0x1da: {  	s0 =	stileid.u32;
	[bflag:$0x2] =	sbarrier.arrive $0xFFFF  }
0x1db: {  	p0 =	sne.s32 s0, $0x0;
	s0 =	rddreg [dreg:$0x4]  }
0x1dc: {  	s0 =	sadd.s32 @!p0 $0x100000, s0  }
0x1dd: {  	[sflag:s0] =	ssyncadd.tile.s32 @!p0 $0x1;
	_ =	shalt  }
.Lfunc_end2:
_tile_overlayer_lowered:
.L_overlay_start_2:
0x1de: {  	(tag) =	ssettag $0x2  }
0x1df: {  	s0 =	rddreg [dreg:$0x0];
	s2 =	stileid.u32  }
0x1e0: {  	s1 =	rddreg [dreg:$0x1];
	p0 =	sne.s32 s2, $0x0  }
0x1e1: {  	s3 =	rddreg [dreg:$0x2];
	[bflag:$0x3] =	sbarrier.arrive $0xFFFF;
	s2 =	simm.s32 @!p0 $0x1C07  }
0x1e2: {  	[timem:s3], [sflag:s2] =	dma.local @!p0 [hbm:s0], s1  }
0x1e3: {  	s0 =	simm.s32 @!p0 $0x7  }
0x1e4: {  	_ =	swait.ge @!p0 [sflag:s0], s1  }
0x1e5: {  	s1 =	ssub.s32 @!p0 $0x0, s1;
	[sflag:s0] =	ssyncset.done @!p0 $0x0  }
0x1e6: {  	[sflag:s0] =	ssyncadd.s32 @!p0 s1  }
0x1e7: {  	[bflag:$0x3] =	sbarrier.arrive $0xFFFF  }
0x1e8: {  	_ =	shalt  }

</sc_bundles>
